<compile_context>
chip_gen: v7x
topology: tpu7x:2x2x1
jax: 0.10.2.dev20260603
libtpu: 0.0.44.dev20260713+nightly
codegen_flags: <defaults>
</compile_context>

<pallas_src>
import functools

import jax
import jax.numpy as jnp
from jax import lax
from jax.experimental import pallas as pl
from jax.experimental.pallas import tpu as pltpu
from jax.experimental.pallas import tpu_sc as plsc

EMB = 32
BATCH = 16384
NC = 2
NS = 16
NW = NC * NS
B_PER_W = BATCH // NW


CHUNK = 256
N_CHUNKS = B_PER_W // CHUNK
NSEM = 8


def _sc_gather_body(user_hbm, track_hbm, uemb_hbm, temb_hbm, u_out, t_out,
                    uidx_v, tidx_v, ubuf, tbuf, usems, tsems):
    wid = lax.axis_index("s") * NC + lax.axis_index("c")
    base = wid * B_PER_W
    pltpu.sync_copy(user_hbm.at[pl.ds(base, B_PER_W)], uidx_v)
    pltpu.sync_copy(track_hbm.at[pl.ds(base, B_PER_W)], tidx_v)

    for c in range(N_CHUNKS):
        row0 = c * CHUNK

        def group(g, carry):
            row = row0 + g * 16
            uvec = uidx_v[pl.ds(row, 16)]
            tvec = tidx_v[pl.ds(row, 16)]
            for j in range(16):
                dst = g * 16 + j
                pltpu.async_copy(uemb_hbm.at[uvec[j]], ubuf.at[dst], usems[j % NSEM])
                pltpu.async_copy(temb_hbm.at[tvec[j]], tbuf.at[dst], tsems[j % NSEM])
            return carry

        lax.fori_loop(0, CHUNK // 16, group, 0)
        for s in range(NSEM):
            pltpu.make_async_copy(
                uemb_hbm.at[pl.ds(0, CHUNK // NSEM)],
                ubuf.at[pl.ds(0, CHUNK // NSEM)], usems[s]).wait()
            pltpu.make_async_copy(
                temb_hbm.at[pl.ds(0, CHUNK // NSEM)],
                tbuf.at[pl.ds(0, CHUNK // NSEM)], tsems[s]).wait()
        pltpu.sync_copy(ubuf, u_out.at[pl.ds(base + row0, CHUNK)])
        pltpu.sync_copy(tbuf, t_out.at[pl.ds(base + row0, CHUNK)])


@functools.cache
def _sc_gather():
    return pl.kernel(
        _sc_gather_body,
        out_type=(
            jax.ShapeDtypeStruct((BATCH, EMB), jnp.float32),
            jax.ShapeDtypeStruct((BATCH, EMB), jnp.float32),
        ),
        mesh=plsc.VectorSubcoreMesh(core_axis_name="c", subcore_axis_name="s"),
        scratch_types=[
            pltpu.VMEM((B_PER_W,), jnp.int32),
            pltpu.VMEM((B_PER_W,), jnp.int32),
            pltpu.VMEM((CHUNK, EMB), jnp.float32),
            pltpu.VMEM((CHUNK, EMB), jnp.float32),
            [pltpu.SemaphoreType.DMA] * NSEM,
            [pltpu.SemaphoreType.DMA] * NSEM,
        ],
    )


def _mlp_body(u_ref, t_ref, w1u_ref, w1t_ref, b1_ref, w2_ref, b2_ref, out_ref):
    h = jnp.dot(u_ref[...], w1u_ref[...], preferred_element_type=jnp.float32)
    h = h + jnp.dot(t_ref[...], w1t_ref[...], preferred_element_type=jnp.float32)
    h = jnp.maximum(h + b1_ref[...], 0.0)
    logit = jnp.sum(h * w2_ref[...], axis=1, keepdims=True) + b2_ref[...]
    out_ref[...] = 1.0 / (1.0 + jnp.exp(-logit))


def _mlp(u, t, w1u, w1t, b1, w2, b2, block_b=2048, interpret=False):
    grid = BATCH // block_b
    return pl.pallas_call(
        _mlp_body,
        grid=(grid,),
        in_specs=[
            pl.BlockSpec((block_b, EMB), lambda i: (i, 0)),
            pl.BlockSpec((block_b, EMB), lambda i: (i, 0)),
            pl.BlockSpec((EMB, 64), lambda i: (0, 0)),
            pl.BlockSpec((EMB, 64), lambda i: (0, 0)),
            pl.BlockSpec((1, 64), lambda i: (0, 0)),
            pl.BlockSpec((1, 64), lambda i: (0, 0)),
            pl.BlockSpec((1, 1), lambda i: (0, 0)),
        ],
        out_specs=pl.BlockSpec((block_b, 1), lambda i: (i, 0)),
        out_shape=jax.ShapeDtypeStruct((BATCH, 1), jnp.float32),
        interpret=interpret,
    )(u, t, w1u, w1t, b1, w2, b2)


def kernel(user, track, user_emb, track_emb, W1, b1, W2, b2):
    user = user.astype(jnp.int32)
    track = track.astype(jnp.int32)
    u, t = _sc_gather()(user, track, user_emb, track_emb)
    w1u = W1[:, :EMB].T
    w1t = W1[:, EMB:].T
    out = _mlp(u, t, w1u, w1t, b1.reshape(1, 64), W2, b2.reshape(1, 1))
    return out.reshape(BATCH)

# --- scband reference (transcript-rebuilt; emitter-appended) ---
"""Pipeline reference for scband-binary-recommender-4105988735935 (READ-ONLY COPY).

The authoritative reference and input builder live on the scoring server;
editing this copy changes nothing except your own understanding.
"""

import jax, jax.numpy as jnp
import numpy as np

NUM_USERS = 1000000
NUM_TRACKS = 1000000
EMB_DIM = 32
BATCH = 16384


def setup_inputs(seed: int = 0) -> dict:
    key = jax.random.key(seed)
    k_user, k_track, k_ue, k_te, k_w1, k_b1, k_w2, k_b2 = jax.random.split(key, 8)
    user = jax.random.randint(k_user, (BATCH,), 0, NUM_USERS)
    track = jax.random.randint(k_track, (BATCH,), 0, NUM_TRACKS)
    user_emb = jax.random.normal(k_ue, (NUM_USERS, EMB_DIM), dtype=jnp.float32)
    track_emb = jax.random.normal(k_te, (NUM_TRACKS, EMB_DIM), dtype=jnp.float32)
    # nn.Linear(64, 64): weight [64, 64], bias [64]
    W1 = jax.random.normal(k_w1, (64, EMB_DIM * 2), dtype=jnp.float32) * (1.0 / np.sqrt(EMB_DIM * 2))
    b1 = jax.random.normal(k_b1, (64,), dtype=jnp.float32) * 0.01
    # nn.Linear(64, 1): weight [1, 64], bias [1]
    W2 = jax.random.normal(k_w2, (1, 64), dtype=jnp.float32) * (1.0 / np.sqrt(64))
    b2 = jax.random.normal(k_b2, (1,), dtype=jnp.float32) * 0.01
    return {"user": user, "track": track, "user_emb": user_emb, "track_emb": track_emb,
            "W1": W1, "b1": b1, "W2": W2, "b2": b2}


def reference(user, track, user_emb, track_emb, W1, b1, W2, b2):
    u = jnp.take(user_emb, user, axis=0)
    t = jnp.take(track_emb, track, axis=0)
    x = jnp.concatenate([u, t], axis=1)
    h = jnp.maximum(x @ W1.T + b1, 0.0)
    out = jax.nn.sigmoid(h @ W2.T + b2)
    return jnp.squeeze(out)

if __name__ == "__main__":
    import jax
    _d = setup_inputs()
    print(jax.jit(kernel)(*tuple(_d.values())))

</pallas_src>

<mosaic_0001>
#map = affine_map<(d0, d1) -> (0)>
#map1 = affine_map<(d0, d1) -> (0, 0)>
module attributes {stable_mosaic.version = 14 : i64} {
  func.func @_sc_gather_body(%arg0: i32, %arg1: i32, %arg2: memref<16384xi32, #tpu.memory_space<hbm>>, %arg3: memref<16384xi32, #tpu.memory_space<hbm>>, %arg4: memref<1000000x32xf32, #tpu.memory_space<hbm>>, %arg5: memref<1000000x32xf32, #tpu.memory_space<hbm>>, %arg6: memref<16384x32xf32, #tpu.memory_space<hbm>>, %arg7: memref<16384x32xf32, #tpu.memory_space<hbm>>, %arg8: memref<512xi32, #tpu.memory_space<vmem>>, %arg9: memref<512xi32, #tpu.memory_space<vmem>>, %arg10: memref<256x32xf32, #tpu.memory_space<vmem>>, %arg11: memref<256x32xf32, #tpu.memory_space<vmem>>, %arg12: memref<!tpu.dma_semaphore, #tpu.memory_space<semaphore_mem>>, %arg13: memref<!tpu.dma_semaphore, #tpu.memory_space<semaphore_mem>>, %arg14: memref<!tpu.dma_semaphore, #tpu.memory_space<semaphore_mem>>, %arg15: memref<!tpu.dma_semaphore, #tpu.memory_space<semaphore_mem>>, %arg16: memref<!tpu.dma_semaphore, #tpu.memory_space<semaphore_mem>>, %arg17: memref<!tpu.dma_semaphore, #tpu.memory_space<semaphore_mem>>, %arg18: memref<!tpu.dma_semaphore, #tpu.memory_space<semaphore_mem>>, %arg19: memref<!tpu.dma_semaphore, #tpu.memory_space<semaphore_mem>>, %arg20: memref<!tpu.dma_semaphore, #tpu.memory_space<semaphore_mem>>, %arg21: memref<!tpu.dma_semaphore, #tpu.memory_space<semaphore_mem>>, %arg22: memref<!tpu.dma_semaphore, #tpu.memory_space<semaphore_mem>>, %arg23: memref<!tpu.dma_semaphore, #tpu.memory_space<semaphore_mem>>, %arg24: memref<!tpu.dma_semaphore, #tpu.memory_space<semaphore_mem>>, %arg25: memref<!tpu.dma_semaphore, #tpu.memory_space<semaphore_mem>>, %arg26: memref<!tpu.dma_semaphore, #tpu.memory_space<semaphore_mem>>, %arg27: memref<!tpu.dma_semaphore, #tpu.memory_space<semaphore_mem>>) attributes {dimension_semantics = [#tpu.dimension_semantics<core_parallel>, #tpu.dimension_semantics<subcore_parallel>], iteration_bounds = array<i64: 2, 16>, scalar_prefetch = 0 : i64, scratch_operands = 20 : i64, tpu.core_type = #tpu.core_type<sc_vector_subcore>, window_params = [{transform_indices = #map}, {transform_indices = #map}, {transform_indices = #map1}, {transform_indices = #map1}, {transform_indices = #map1}, {transform_indices = #map1}]} {
    %mul3A = arith.constant 2 : i32
    %mul3A_0 = arith.muli %arg1, %mul3A : i32
    %add3A = arith.addi %mul3A_0, %arg0 : i32
    %mul3A_1 = arith.constant 512 : i32
    %mul3A_2 = arith.muli %add3A, %mul3A_1 : i32
    "tpu.region"() ({
      %run_scoped3A = tpu.sem_alloc : memref<!tpu.dma_semaphore, #tpu.memory_space<semaphore_mem>>
      %dma_start3A = tpu.memref_slice %arg2[%mul3A_2] : memref<16384xi32, #tpu.memory_space<hbm>> -> memref<512xi32, #tpu.memory_space<hbm>>
      %dma_start3A_405 = tpu.memref_slice %arg2[%mul3A_2] : memref<16384xi32, #tpu.memory_space<hbm>> -> memref<512xi32, #tpu.memory_space<hbm>>
      tpu.enqueue_dma source(%dma_start3A_405 : memref<512xi32, #tpu.memory_space<hbm>>) target(%arg8 : memref<512xi32, #tpu.memory_space<vmem>>) target_semaphore(%run_scoped3A : memref<!tpu.dma_semaphore, #tpu.memory_space<semaphore_mem>>)
      %dma_wait3A_406 = tpu.memref_slice %arg2[%mul3A_2] : memref<16384xi32, #tpu.memory_space<hbm>> -> memref<512xi32, #tpu.memory_space<hbm>>
      %dma_wait3A_407 = tpu.memref_slice %arg2[%mul3A_2] : memref<16384xi32, #tpu.memory_space<hbm>> -> memref<512xi32, #tpu.memory_space<hbm>>
      tpu.wait_dma2 semaphore(%run_scoped3A : memref<!tpu.dma_semaphore, #tpu.memory_space<semaphore_mem>>) src(%dma_wait3A_407 : memref<512xi32, #tpu.memory_space<hbm>>) dst(%arg8 : memref<512xi32, #tpu.memory_space<vmem>>)
      tpu.yield
    }) : () -> ()
    "tpu.region"() ({
      %run_scoped3A = tpu.sem_alloc : memref<!tpu.dma_semaphore, #tpu.memory_space<semaphore_mem>>
      %dma_start3A = tpu.memref_slice %arg3[%mul3A_2] : memref<16384xi32, #tpu.memory_space<hbm>> -> memref<512xi32, #tpu.memory_space<hbm>>
      %dma_start3A_405 = tpu.memref_slice %arg3[%mul3A_2] : memref<16384xi32, #tpu.memory_space<hbm>> -> memref<512xi32, #tpu.memory_space<hbm>>
      tpu.enqueue_dma source(%dma_start3A_405 : memref<512xi32, #tpu.memory_space<hbm>>) target(%arg9 : memref<512xi32, #tpu.memory_space<vmem>>) target_semaphore(%run_scoped3A : memref<!tpu.dma_semaphore, #tpu.memory_space<semaphore_mem>>)
      %dma_wait3A_406 = tpu.memref_slice %arg3[%mul3A_2] : memref<16384xi32, #tpu.memory_space<hbm>> -> memref<512xi32, #tpu.memory_space<hbm>>
      %dma_wait3A_407 = tpu.memref_slice %arg3[%mul3A_2] : memref<16384xi32, #tpu.memory_space<hbm>> -> memref<512xi32, #tpu.memory_space<hbm>>
      tpu.wait_dma2 semaphore(%run_scoped3A : memref<!tpu.dma_semaphore, #tpu.memory_space<semaphore_mem>>) src(%dma_wait3A_407 : memref<512xi32, #tpu.memory_space<hbm>>) dst(%arg9 : memref<512xi32, #tpu.memory_space<vmem>>)
      tpu.yield
    }) : () -> ()
    %scan3A = arith.constant 0 : i32
    %scan3A_3 = arith.constant 0 : i32
    %scan3A_4 = arith.constant 16 : i32
    %scan3A_5 = arith.addi %scan3A_3, %scan3A_4 : i32
    %scan3A_6 = arith.constant 1 : i32
    scf.for %scan3A_405 = %scan3A_3 to %scan3A_5 step %scan3A_6  : i32 {
      %mul3A_406 = arith.constant 16 : i32
      %mul3A_407 = arith.muli %scan3A_405, %mul3A_406 : i32
      %add3A_408 = arith.constant 0 : i32
      %add3A_409 = arith.addi %add3A_408, %mul3A_407 : i32
      %get3A = arith.index_cast %add3A_409 : i32 to index
      %get3A_410 = tpu.vector_load %arg8[%get3A] {strides = array<i32>} : memref<512xi32, #tpu.memory_space<vmem>>, vector<16xi32>,
      %get3A_411 = vector.shape_cast %get3A_410 : vector<16xi32> to vector<16xi32>
      %get3A_412 = arith.index_cast %add3A_409 : i32 to index
      %get3A_413 = tpu.vector_load %arg9[%get3A_412] {strides = array<i32>} : memref<512xi32, #tpu.memory_space<vmem>>, vector<16xi32>,
      %get3A_414 = vector.shape_cast %get3A_413 : vector<16xi32> to vector<16xi32>
      %mul3A_415 = arith.constant 16 : i32
      %mul3A_416 = arith.muli %scan3A_405, %mul3A_415 : i32
      %add3A_417 = arith.constant 0 : i32
      %add3A_418 = arith.addi %mul3A_416, %add3A_417 : i32
      %slice3A = vector.extract_strided_slice %get3A_411 {offsets = [0], sizes = [1], strides = [1]} : vector<16xi32> to vector<1xi32>
      %squeeze3A = vector.extract %slice3A[0] : i32 from vector<1xi32>
      %dma_start3A = arith.constant 0 : i32
      %dma_start3A_419 = tpu.memref_slice %arg10[%add3A_418, %dma_start3A] : memref<256x32xf32, #tpu.memory_space<vmem>> -> memref<1x32xf32, #tpu.memory_space<vmem>>
      %dma_start3A_420 = tpu.memref_squeeze %dma_start3A_419 : memref<1x32xf32, #tpu.memory_space<vmem>> -> memref<32xf32, #tpu.memory_space<vmem>>
      %dma_start3A_421 = arith.constant 0 : i32
      %dma_start3A_422 = tpu.memref_slice %arg4[%squeeze3A, %dma_start3A_421] : memref<1000000x32xf32, #tpu.memory_space<hbm>> -> memref<1x32xf32, #tpu.memory_space<hbm>>
      %dma_start3A_423 = tpu.memref_squeeze %dma_start3A_422 : memref<1x32xf32, #tpu.memory_space<hbm>> -> memref<32xf32, #tpu.memory_space<hbm>>
      %dma_start3A_424 = arith.constant 0 : i32
      %dma_start3A_425 = tpu.memref_slice %arg10[%add3A_418, %dma_start3A_424] : memref<256x32xf32, #tpu.memory_space<vmem>> -> memref<1x32xf32, #tpu.memory_space<vmem>>
      %dma_start3A_426 = tpu.memref_squeeze %dma_start3A_425 : memref<1x32xf32, #tpu.memory_space<vmem>> -> memref<32xf32, #tpu.memory_space<vmem>>
      %dma_start3A_427 = arith.constant 0 : i32
      %dma_start3A_428 = tpu.memref_slice %arg4[%squeeze3A, %dma_start3A_427] : memref<1000000x32xf32, #tpu.memory_space<hbm>> -> memref<1x32xf32, #tpu.memory_space<hbm>>
      %dma_start3A_429 = tpu.memref_squeeze %dma_start3A_428 : memref<1x32xf32, #tpu.memory_space<hbm>> -> memref<32xf32, #tpu.memory_space<hbm>>
      tpu.enqueue_dma source(%dma_start3A_429 : memref<32xf32, #tpu.memory_space<hbm>>) target(%dma_start3A_426 : memref<32xf32, #tpu.memory_space<vmem>>) target_semaphore(%arg12 : memref<!tpu.dma_semaphore, #tpu.memory_space<semaphore_mem>>)
      %slice3A_430 = vector.extract_strided_slice %get3A_414 {offsets = [0], sizes = [1], strides = [1]} : vector<16xi32> to vector<1xi32>
      %squeeze3A_431 = vector.extract %slice3A_430[0] : i32 from vector<1xi32>
      %dma_start3A_432 = arith.constant 0 : i32
      %dma_start3A_433 = tpu.memref_slice %arg11[%add3A_418, %dma_start3A_432] : memref<256x32xf32, #tpu.memory_space<vmem>> -> memref<1x32xf32, #tpu.memory_space<vmem>>
      %dma_start3A_434 = tpu.memref_squeeze %dma_start3A_433 : memref<1x32xf32, #tpu.memory_space<vmem>> -> memref<32xf32, #tpu.memory_space<vmem>>
      %dma_start3A_435 = arith.constant 0 : i32
      %dma_start3A_436 = tpu.memref_slice %arg5[%squeeze3A_431, %dma_start3A_435] : memref<1000000x32xf32, #tpu.memory_space<hbm>> -> memref<1x32xf32, #tpu.memory_space<hbm>>
      %dma_start3A_437 = tpu.memref_squeeze %dma_start3A_436 : memref<1x32xf32, #tpu.memory_space<hbm>> -> memref<32xf32, #tpu.memory_space<hbm>>
      %dma_start3A_438 = arith.constant 0 : i32
      %dma_start3A_439 = tpu.memref_slice %arg11[%add3A_418, %dma_start3A_438] : memref<256x32xf32, #tpu.memory_space<vmem>> -> memref<1x32xf32, #tpu.memory_space<vmem>>
      %dma_start3A_440 = tpu.memref_squeeze %dma_start3A_439 : memref<1x32xf32, #tpu.memory_space<vmem>> -> memref<32xf32, #tpu.memory_space<vmem>>
      %dma_start3A_441 = arith.constant 0 : i32
      %dma_start3A_442 = tpu.memref_slice %arg5[%squeeze3A_431, %dma_start3A_441] : memref<1000000x32xf32, #tpu.memory_space<hbm>> -> memref<1x32xf32, #tpu.memory_space<hbm>>
      %dma_start3A_443 = tpu.memref_squeeze %dma_start3A_442 : memref<1x32xf32, #tpu.memory_space<hbm>> -> memref<32xf32, #tpu.memory_space<hbm>>
      tpu.enqueue_dma source(%dma_start3A_443 : memref<32xf32, #tpu.memory_space<hbm>>) target(%dma_start3A_440 : memref<32xf32, #tpu.memory_space<vmem>>) target_semaphore(%arg20 : memref<!tpu.dma_semaphore, #tpu.memory_space<semaphore_mem>>)
      %mul3A_444 = arith.constant 16 : i32
      %mul3A_445 = arith.muli %scan3A_405, %mul3A_444 : i32
      %add3A_446 = arith.constant 1 : i32
      %add3A_447 = arith.addi %mul3A_445, %add3A_446 : i32
      %slice3A_448 = vector.extract_strided_slice %get3A_411 {offsets = [1], sizes = [1], strides = [1]} : vector<16xi32> to vector<1xi32>
      %squeeze3A_449 = vector.extract %slice3A_448[0] : i32 from vector<1xi32>
      %dma_start3A_450 = arith.constant 0 : i32
      %dma_start3A_451 = tpu.memref_slice %arg10[%add3A_447, %dma_start3A_450] : memref<256x32xf32, #tpu.memory_space<vmem>> -> memref<1x32xf32, #tpu.memory_space<vmem>>
      %dma_start3A_452 = tpu.memref_squeeze %dma_start3A_451 : memref<1x32xf32, #tpu.memory_space<vmem>> -> memref<32xf32, #tpu.memory_space<vmem>>
      %dma_start3A_453 = arith.constant 0 : i32
      %dma_start3A_454 = tpu.memref_slice %arg4[%squeeze3A_449, %dma_start3A_453] : memref<1000000x32xf32, #tpu.memory_space<hbm>> -> memref<1x32xf32, #tpu.memory_space<hbm>>
      %dma_start3A_455 = tpu.memref_squeeze %dma_start3A_454 : memref<1x32xf32, #tpu.memory_space<hbm>> -> memref<32xf32, #tpu.memory_space<hbm>>
      %dma_start3A_456 = arith.constant 0 : i32
      %dma_start3A_457 = tpu.memref_slice %arg10[%add3A_447, %dma_start3A_456] : memref<256x32xf32, #tpu.memory_space<vmem>> -> memref<1x32xf32, #tpu.memory_space<vmem>>
      %dma_start3A_458 = tpu.memref_squeeze %dma_start3A_457 : memref<1x32xf32, #tpu.memory_space<vmem>> -> memref<32xf32, #tpu.memory_space<vmem>>
      %dma_start3A_459 = arith.constant 0 : i32
      %dma_start3A_460 = tpu.memref_slice %arg4[%squeeze3A_449, %dma_start3A_459] : memref<1000000x32xf32, #tpu.memory_space<hbm>> -> memref<1x32xf32, #tpu.memory_space<hbm>>
      %dma_start3A_461 = tpu.memref_squeeze %dma_start3A_460 : memref<1x32xf32, #tpu.memory_space<hbm>> -> memref<32xf32, #tpu.memory_space<hbm>>
      tpu.enqueue_dma source(%dma_start3A_461 : memref<32xf32, #tpu.memory_space<hbm>>) target(%dma_start3A_458 : memref<32xf32, #tpu.memory_space<vmem>>) target_semaphore(%arg13 : memref<!tpu.dma_semaphore, #tpu.memory_space<semaphore_mem>>)
      %slice3A_462 = vector.extract_strided_slice %get3A_414 {offsets = [1], sizes = [1], strides = [1]} : vector<16xi32> to vector<1xi32>
      %squeeze3A_463 = vector.extract %slice3A_462[0] : i32 from vector<1xi32>
      %dma_start3A_464 = arith.constant 0 : i32
      %dma_start3A_465 = tpu.memref_slice %arg11[%add3A_447, %dma_start3A_464] : memref<256x32xf32, #tpu.memory_space<vmem>> -> memref<1x32xf32, #tpu.memory_space<vmem>>
      %dma_start3A_466 = tpu.memref_squeeze %dma_start3A_465 : memref<1x32xf32, #tpu.memory_space<vmem>> -> memref<32xf32, #tpu.memory_space<vmem>>
      %dma_start3A_467 = arith.constant 0 : i32
      %dma_start3A_468 = tpu.memref_slice %arg5[%squeeze3A_463, %dma_start3A_467] : memref<1000000x32xf32, #tpu.memory_space<hbm>> -> memref<1x32xf32, #tpu.memory_space<hbm>>
      %dma_start3A_469 = tpu.memref_squeeze %dma_start3A_468 : memref<1x32xf32, #tpu.memory_space<hbm>> -> memref<32xf32, #tpu.memory_space<hbm>>
      %dma_start3A_470 = arith.constant 0 : i32
      %dma_start3A_471 = tpu.memref_slice %arg11[%add3A_447, %dma_start3A_470] : memref<256x32xf32, #tpu.memory_space<vmem>> -> memref<1x32xf32, #tpu.memory_space<vmem>>
      %dma_start3A_472 = tpu.memref_squeeze %dma_start3A_471 : memref<1x32xf32, #tpu.memory_space<vmem>> -> memref<32xf32, #tpu.memory_space<vmem>>
      %dma_start3A_473 = arith.constant 0 : i32
      %dma_start3A_474 = tpu.memref_slice %arg5[%squeeze3A_463, %dma_start3A_473] : memref<1000000x32xf32, #tpu.memory_space<hbm>> -> memref<1x32xf32, #tpu.memory_space<hbm>>
      %dma_start3A_475 = tpu.memref_squeeze %dma_start3A_474 : memref<1x32xf32, #tpu.memory_space<hbm>> -> memref<32xf32, #tpu.memory_space<hbm>>
      tpu.enqueue_dma source(%dma_start3A_475 : memref<32xf32, #tpu.memory_space<hbm>>) target(%dma_start3A_472 : memref<32xf32, #tpu.memory_space<vmem>>) target_semaphore(%arg21 : memref<!tpu.dma_semaphore, #tpu.memory_space<semaphore_mem>>)
      %mul3A_476 = arith.constant 16 : i32
      %mul3A_477 = arith.muli %scan3A_405, %mul3A_476 : i32
      %add3A_478 = arith.constant 2 : i32
      %add3A_479 = arith.addi %mul3A_477, %add3A_478 : i32
      %slice3A_480 = vector.extract_strided_slice %get3A_411 {offsets = [2], sizes = [1], strides = [1]} : vector<16xi32> to vector<1xi32>
      %squeeze3A_481 = vector.extract %slice3A_480[0] : i32 from vector<1xi32>
      %dma_start3A_482 = arith.constant 0 : i32
      %dma_start3A_483 = tpu.memref_slice %arg10[%add3A_479, %dma_start3A_482] : memref<256x32xf32, #tpu.memory_space<vmem>> -> memref<1x32xf32, #tpu.memory_space<vmem>>
      %dma_start3A_484 = tpu.memref_squeeze %dma_start3A_483 : memref<1x32xf32, #tpu.memory_space<vmem>> -> memref<32xf32, #tpu.memory_space<vmem>>
      %dma_start3A_485 = arith.constant 0 : i32
      %dma_start3A_486 = tpu.memref_slice %arg4[%squeeze3A_481, %dma_start3A_485] : memref<1000000x32xf32, #tpu.memory_space<hbm>> -> memref<1x32xf32, #tpu.memory_space<hbm>>
      %dma_start3A_487 = tpu.memref_squeeze %dma_start3A_486 : memref<1x32xf32, #tpu.memory_space<hbm>> -> memref<32xf32, #tpu.memory_space<hbm>>
      %dma_start3A_488 = arith.constant 0 : i32
      %dma_start3A_489 = tpu.memref_slice %arg10[%add3A_479, %dma_start3A_488] : memref<256x32xf32, #tpu.memory_space<vmem>> -> memref<1x32xf32, #tpu.memory_space<vmem>>
      %dma_start3A_490 = tpu.memref_squeeze %dma_start3A_489 : memref<1x32xf32, #tpu.memory_space<vmem>> -> memref<32xf32, #tpu.memory_space<vmem>>
      %dma_start3A_491 = arith.constant 0 : i32
      %dma_start3A_492 = tpu.memref_slice %arg4[%squeeze3A_481, %dma_start3A_491] : memref<1000000x32xf32, #tpu.memory_space<hbm>> -> memref<1x32xf32, #tpu.memory_space<hbm>>
      %dma_start3A_493 = tpu.memref_squeeze %dma_start3A_492 : memref<1x32xf32, #tpu.memory_space<hbm>> -> memref<32xf32, #tpu.memory_space<hbm>>
      tpu.enqueue_dma source(%dma_start3A_493 : memref<32xf32, #tpu.memory_space<hbm>>) target(%dma_start3A_490 : memref<32xf32, #tpu.memory_space<vmem>>) target_semaphore(%arg14 : memref<!tpu.dma_semaphore, #tpu.memory_space<semaphore_mem>>)
      %slice3A_494 = vector.extract_strided_slice %get3A_414 {offsets = [2], sizes = [1], strides = [1]} : vector<16xi32> to vector<1xi32>
      %squeeze3A_495 = vector.extract %slice3A_494[0] : i32 from vector<1xi32>
      %dma_start3A_496 = arith.constant 0 : i32
      %dma_start3A_497 = tpu.memref_slice %arg11[%add3A_479, %dma_start3A_496] : memref<256x32xf32, #tpu.memory_space<vmem>> -> memref<1x32xf32, #tpu.memory_space<vmem>>
      %dma_start3A_498 = tpu.memref_squeeze %dma_start3A_497 : memref<1x32xf32, #tpu.memory_space<vmem>> -> memref<32xf32, #tpu.memory_space<vmem>>
      %dma_start3A_499 = arith.constant 0 : i32
      %dma_start3A_500 = tpu.memref_slice %arg5[%squeeze3A_495, %dma_start3A_499] : memref<1000000x32xf32, #tpu.memory_space<hbm>> -> memref<1x32xf32, #tpu.memory_space<hbm>>
      %dma_start3A_501 = tpu.memref_squeeze %dma_start3A_500 : memref<1x32xf32, #tpu.memory_space<hbm>> -> memref<32xf32, #tpu.memory_space<hbm>>
      %dma_start3A_502 = arith.constant 0 : i32
      %dma_start3A_503 = tpu.memref_slice %arg11[%add3A_479, %dma_start3A_502] : memref<256x32xf32, #tpu.memory_space<vmem>> -> memref<1x32xf32, #tpu.memory_space<vmem>>
      %dma_start3A_504 = tpu.memref_squeeze %dma_start3A_503 : memref<1x32xf32, #tpu.memory_space<vmem>> -> memref<32xf32, #tpu.memory_space<vmem>>
      %dma_start3A_505 = arith.constant 0 : i32
      %dma_start3A_506 = tpu.memref_slice %arg5[%squeeze3A_495, %dma_start3A_505] : memref<1000000x32xf32, #tpu.memory_space<hbm>> -> memref<1x32xf32, #tpu.memory_space<hbm>>
      %dma_start3A_507 = tpu.memref_squeeze %dma_start3A_506 : memref<1x32xf32, #tpu.memory_space<hbm>> -> memref<32xf32, #tpu.memory_space<hbm>>
      tpu.enqueue_dma source(%dma_start3A_507 : memref<32xf32, #tpu.memory_space<hbm>>) target(%dma_start3A_504 : memref<32xf32, #tpu.memory_space<vmem>>) target_semaphore(%arg22 : memref<!tpu.dma_semaphore, #tpu.memory_space<semaphore_mem>>)
      %mul3A_508 = arith.constant 16 : i32
      %mul3A_509 = arith.muli %scan3A_405, %mul3A_508 : i32
      %add3A_510 = arith.constant 3 : i32
      %add3A_511 = arith.addi %mul3A_509, %add3A_510 : i32
      %slice3A_512 = vector.extract_strided_slice %get3A_411 {offsets = [3], sizes = [1], strides = [1]} : vector<16xi32> to vector<1xi32>
      %squeeze3A_513 = vector.extract %slice3A_512[0] : i32 from vector<1xi32>
      %dma_start3A_514 = arith.constant 0 : i32
      %dma_start3A_515 = tpu.memref_slice %arg10[%add3A_511, %dma_start3A_514] : memref<256x32xf32, #tpu.memory_space<vmem>> -> memref<1x32xf32, #tpu.memory_space<vmem>>
      %dma_start3A_516 = tpu.memref_squeeze %dma_start3A_515 : memref<1x32xf32, #tpu.memory_space<vmem>> -> memref<32xf32, #tpu.memory_space<vmem>>
      %dma_start3A_517 = arith.constant 0 : i32
      %dma_start3A_518 = tpu.memref_slice %arg4[%squeeze3A_513, %dma_start3A_517] : memref<1000000x32xf32, #tpu.memory_space<hbm>> -> memref<1x32xf32, #tpu.memory_space<hbm>>
      %dma_start3A_519 = tpu.memref_squeeze %dma_start3A_518 : memref<1x32xf32, #tpu.memory_space<hbm>> -> memref<32xf32, #tpu.memory_space<hbm>>
      %dma_start3A_520 = arith.constant 0 : i32
      %dma_start3A_521 = tpu.memref_slice %arg10[%add3A_511, %dma_start3A_520] : memref<256x32xf32, #tpu.memory_space<vmem>> -> memref<1x32xf32, #tpu.memory_space<vmem>>
      %dma_start3A_522 = tpu.memref_squeeze %dma_start3A_521 : memref<1x32xf32, #tpu.memory_space<vmem>> -> memref<32xf32, #tpu.memory_space<vmem>>
      %dma_start3A_523 = arith.constant 0 : i32
      %dma_start3A_524 = tpu.memref_slice %arg4[%squeeze3A_513, %dma_start3A_523] : memref<1000000x32xf32, #tpu.memory_space<hbm>> -> memref<1x32xf32, #tpu.memory_space<hbm>>
      %dma_start3A_525 = tpu.memref_squeeze %dma_start3A_524 : memref<1x32xf32, #tpu.memory_space<hbm>> -> memref<32xf32, #tpu.memory_space<hbm>>
      tpu.enqueue_dma source(%dma_start3A_525 : memref<32xf32, #tpu.memory_space<hbm>>) target(%dma_start3A_522 : memref<32xf32, #tpu.memory_space<vmem>>) target_semaphore(%arg15 : memref<!tpu.dma_semaphore, #tpu.memory_space<semaphore_mem>>)
      %slice3A_526 = vector.extract_strided_slice %get3A_414 {offsets = [3], sizes = [1], strides = [1]} : vector<16xi32> to vector<1xi32>
      %squeeze3A_527 = vector.extract %slice3A_526[0] : i32 from vector<1xi32>
      %dma_start3A_528 = arith.constant 0 : i32
      %dma_start3A_529 = tpu.memref_slice %arg11[%add3A_511, %dma_start3A_528] : memref<256x32xf32, #tpu.memory_space<vmem>> -> memref<1x32xf32, #tpu.memory_space<vmem>>
      %dma_start3A_530 = tpu.memref_squeeze %dma_start3A_529 : memref<1x32xf32, #tpu.memory_space<vmem>> -> memref<32xf32, #tpu.memory_space<vmem>>
      %dma_start3A_531 = arith.constant 0 : i32
      %dma_start3A_532 = tpu.memref_slice %arg5[%squeeze3A_527, %dma_start3A_531] : memref<1000000x32xf32, #tpu.memory_space<hbm>> -> memref<1x32xf32, #tpu.memory_space<hbm>>
      %dma_start3A_533 = tpu.memref_squeeze %dma_start3A_532 : memref<1x32xf32, #tpu.memory_space<hbm>> -> memref<32xf32, #tpu.memory_space<hbm>>
      %dma_start3A_534 = arith.constant 0 : i32
      %dma_start3A_535 = tpu.memref_slice %arg11[%add3A_511, %dma_start3A_534] : memref<256x32xf32, #tpu.memory_space<vmem>> -> memref<1x32xf32, #tpu.memory_space<vmem>>
      %dma_start3A_536 = tpu.memref_squeeze %dma_start3A_535 : memref<1x32xf32, #tpu.memory_space<vmem>> -> memref<32xf32, #tpu.memory_space<vmem>>
      %dma_start3A_537 = arith.constant 0 : i32
      %dma_start3A_538 = tpu.memref_slice %arg5[%squeeze3A_527, %dma_start3A_537] : memref<1000000x32xf32, #tpu.memory_space<hbm>> -> memref<1x32xf32, #tpu.memory_space<hbm>>
      %dma_start3A_539 = tpu.memref_squeeze %dma_start3A_538 : memref<1x32xf32, #tpu.memory_space<hbm>> -> memref<32xf32, #tpu.memory_space<hbm>>
      tpu.enqueue_dma source(%dma_start3A_539 : memref<32xf32, #tpu.memory_space<hbm>>) target(%dma_start3A_536 : memref<32xf32, #tpu.memory_space<vmem>>) target_semaphore(%arg23 : memref<!tpu.dma_semaphore, #tpu.memory_space<semaphore_mem>>)
      %mul3A_540 = arith.constant 16 : i32
      %mul3A_541 = arith.muli %scan3A_405, %mul3A_540 : i32
      %add3A_542 = arith.constant 4 : i32
      %add3A_543 = arith.addi %mul3A_541, %add3A_542 : i32
      %slice3A_544 = vector.extract_strided_slice %get3A_411 {offsets = [4], sizes = [1], strides = [1]} : vector<16xi32> to vector<1xi32>
      %squeeze3A_545 = vector.extract %slice3A_544[0] : i32 from vector<1xi32>
      %dma_start3A_546 = arith.constant 0 : i32
      %dma_start3A_547 = tpu.memref_slice %arg10[%add3A_543, %dma_start3A_546] : memref<256x32xf32, #tpu.memory_space<vmem>> -> memref<1x32xf32, #tpu.memory_space<vmem>>
      %dma_start3A_548 = tpu.memref_squeeze %dma_start3A_547 : memref<1x32xf32, #tpu.memory_space<vmem>> -> memref<32xf32, #tpu.memory_space<vmem>>
      %dma_start3A_549 = arith.constant 0 : i32
      %dma_start3A_550 = tpu.memref_slice %arg4[%squeeze3A_545, %dma_start3A_549] : memref<1000000x32xf32, #tpu.memory_space<hbm>> -> memref<1x32xf32, #tpu.memory_space<hbm>>
      %dma_start3A_551 = tpu.memref_squeeze %dma_start3A_550 : memref<1x32xf32, #tpu.memory_space<hbm>> -> memref<32xf32, #tpu.memory_space<hbm>>
      %dma_start3A_552 = arith.constant 0 : i32
      %dma_start3A_553 = tpu.memref_slice %arg10[%add3A_543, %dma_start3A_552] : memref<256x32xf32, #tpu.memory_space<vmem>> -> memref<1x32xf32, #tpu.memory_space<vmem>>
      %dma_start3A_554 = tpu.memref_squeeze %dma_start3A_553 : memref<1x32xf32, #tpu.memory_space<vmem>> -> memref<32xf32, #tpu.memory_space<vmem>>
      %dma_start3A_555 = arith.constant 0 : i32
      %dma_start3A_556 = tpu.memref_slice %arg4[%squeeze3A_545, %dma_start3A_555] : memref<1000000x32xf32, #tpu.memory_space<hbm>> -> memref<1x32xf32, #tpu.memory_space<hbm>>
      %dma_start3A_557 = tpu.memref_squeeze %dma_start3A_556 : memref<1x32xf32, #tpu.memory_space<hbm>> -> memref<32xf32, #tpu.memory_space<hbm>>
      tpu.enqueue_dma source(%dma_start3A_557 : memref<32xf32, #tpu.memory_space<hbm>>) target(%dma_start3A_554 : memref<32xf32, #tpu.memory_space<vmem>>) target_semaphore(%arg16 : memref<!tpu.dma_semaphore, #tpu.memory_space<semaphore_mem>>)
      %slice3A_558 = vector.extract_strided_slice %get3A_414 {offsets = [4], sizes = [1], strides = [1]} : vector<16xi32> to vector<1xi32>
      %squeeze3A_559 = vector.extract %slice3A_558[0] : i32 from vector<1xi32>
      %dma_start3A_560 = arith.constant 0 : i32
      %dma_start3A_561 = tpu.memref_slice %arg11[%add3A_543, %dma_start3A_560] : memref<256x32xf32, #tpu.memory_space<vmem>> -> memref<1x32xf32, #tpu.memory_space<vmem>>
      %dma_start3A_562 = tpu.memref_squeeze %dma_start3A_561 : memref<1x32xf32, #tpu.memory_space<vmem>> -> memref<32xf32, #tpu.memory_space<vmem>>
      %dma_start3A_563 = arith.constant 0 : i32
      %dma_start3A_564 = tpu.memref_slice %arg5[%squeeze3A_559, %dma_start3A_563] : memref<1000000x32xf32, #tpu.memory_space<hbm>> -> memref<1x32xf32, #tpu.memory_space<hbm>>
      %dma_start3A_565 = tpu.memref_squeeze %dma_start3A_564 : memref<1x32xf32, #tpu.memory_space<hbm>> -> memref<32xf32, #tpu.memory_space<hbm>>
      %dma_start3A_566 = arith.constant 0 : i32
      %dma_start3A_567 = tpu.memref_slice %arg11[%add3A_543, %dma_start3A_566] : memref<256x32xf32, #tpu.memory_space<vmem>> -> memref<1x32xf32, #tpu.memory_space<vmem>>
      %dma_start3A_568 = tpu.memref_squeeze %dma_start3A_567 : memref<1x32xf32, #tpu.memory_space<vmem>> -> memref<32xf32, #tpu.memory_space<vmem>>
      %dma_start3A_569 = arith.constant 0 : i32
      %dma_start3A_570 = tpu.memref_slice %arg5[%squeeze3A_559, %dma_start3A_569] : memref<1000000x32xf32, #tpu.memory_space<hbm>> -> memref<1x32xf32, #tpu.memory_space<hbm>>
      %dma_start3A_571 = tpu.memref_squeeze %dma_start3A_570 : memref<1x32xf32, #tpu.memory_space<hbm>> -> memref<32xf32, #tpu.memory_space<hbm>>
      tpu.enqueue_dma source(%dma_start3A_571 : memref<32xf32, #tpu.memory_space<hbm>>) target(%dma_start3A_568 : memref<32xf32, #tpu.memory_space<vmem>>) target_semaphore(%arg24 : memref<!tpu.dma_semaphore, #tpu.memory_space<semaphore_mem>>)
      %mul3A_572 = arith.constant 16 : i32
      %mul3A_573 = arith.muli %scan3A_405, %mul3A_572 : i32
      %add3A_574 = arith.constant 5 : i32
      %add3A_575 = arith.addi %mul3A_573, %add3A_574 : i32
      %slice3A_576 = vector.extract_strided_slice %get3A_411 {offsets = [5], sizes = [1], strides = [1]} : vector<16xi32> to vector<1xi32>
      %squeeze3A_577 = vector.extract %slice3A_576[0] : i32 from vector<1xi32>
      %dma_start3A_578 = arith.constant 0 : i32
      %dma_start3A_579 = tpu.memref_slice %arg10[%add3A_575, %dma_start3A_578] : memref<256x32xf32, #tpu.memory_space<vmem>> -> memref<1x32xf32, #tpu.memory_space<vmem>>
      %dma_start3A_580 = tpu.memref_squeeze %dma_start3A_579 : memref<1x32xf32, #tpu.memory_space<vmem>> -> memref<32xf32, #tpu.memory_space<vmem>>
      %dma_start3A_581 = arith.constant 0 : i32
      %dma_start3A_582 = tpu.memref_slice %arg4[%squeeze3A_577, %dma_start3A_581] : memref<1000000x32xf32, #tpu.memory_space<hbm>> -> memref<1x32xf32, #tpu.memory_space<hbm>>
      %dma_start3A_583 = tpu.memref_squeeze %dma_start3A_582 : memref<1x32xf32, #tpu.memory_space<hbm>> -> memref<32xf32, #tpu.memory_space<hbm>>
      %dma_start3A_584 = arith.constant 0 : i32
      %dma_start3A_585 = tpu.memref_slice %arg10[%add3A_575, %dma_start3A_584] : memref<256x32xf32, #tpu.memory_space<vmem>> -> memref<1x32xf32, #tpu.memory_space<vmem>>
      %dma_start3A_586 = tpu.memref_squeeze %dma_start3A_585 : memref<1x32xf32, #tpu.memory_space<vmem>> -> memref<32xf32, #tpu.memory_space<vmem>>
      %dma_start3A_587 = arith.constant 0 : i32
      %dma_start3A_588 = tpu.memref_slice %arg4[%squeeze3A_577, %dma_start3A_587] : memref<1000000x32xf32, #tpu.memory_space<hbm>> -> memref<1x32xf32, #tpu.memory_space<hbm>>
      %dma_start3A_589 = tpu.memref_squeeze %dma_start3A_588 : memref<1x32xf32, #tpu.memory_space<hbm>> -> memref<32xf32, #tpu.memory_space<hbm>>
      tpu.enqueue_dma source(%dma_start3A_589 : memref<32xf32, #tpu.memory_space<hbm>>) target(%dma_start3A_586 : memref<32xf32, #tpu.memory_space<vmem>>) target_semaphore(%arg17 : memref<!tpu.dma_semaphore, #tpu.memory_space<semaphore_mem>>)
      %slice3A_590 = vector.extract_strided_slice %get3A_414 {offsets = [5], sizes = [1], strides = [1]} : vector<16xi32> to vector<1xi32>
      %squeeze3A_591 = vector.extract %slice3A_590[0] : i32 from vector<1xi32>
      %dma_start3A_592 = arith.constant 0 : i32
      %dma_start3A_593 = tpu.memref_slice %arg11[%add3A_575, %dma_start3A_592] : memref<256x32xf32, #tpu.memory_space<vmem>> -> memref<1x32xf32, #tpu.memory_space<vmem>>
      %dma_start3A_594 = tpu.memref_squeeze %dma_start3A_593 : memref<1x32xf32, #tpu.memory_space<vmem>> -> memref<32xf32, #tpu.memory_space<vmem>>
      %dma_start3A_595 = arith.constant 0 : i32
      %dma_start3A_596 = tpu.memref_slice %arg5[%squeeze3A_591, %dma_start3A_595] : memref<1000000x32xf32, #tpu.memory_space<hbm>> -> memref<1x32xf32, #tpu.memory_space<hbm>>
      %dma_start3A_597 = tpu.memref_squeeze %dma_start3A_596 : memref<1x32xf32, #tpu.memory_space<hbm>> -> memref<32xf32, #tpu.memory_space<hbm>>
      %dma_start3A_598 = arith.constant 0 : i32
      %dma_start3A_599 = tpu.memref_slice %arg11[%add3A_575, %dma_start3A_598] : memref<256x32xf32, #tpu.memory_space<vmem>> -> memref<1x32xf32, #tpu.memory_space<vmem>>
      %dma_start3A_600 = tpu.memref_squeeze %dma_start3A_599 : memref<1x32xf32, #tpu.memory_space<vmem>> -> memref<32xf32, #tpu.memory_space<vmem>>
      %dma_start3A_601 = arith.constant 0 : i32
      %dma_start3A_602 = tpu.memref_slice %arg5[%squeeze3A_591, %dma_start3A_601] : memref<1000000x32xf32, #tpu.memory_space<hbm>> -> memref<1x32xf32, #tpu.memory_space<hbm>>
      %dma_start3A_603 = tpu.memref_squeeze %dma_start3A_602 : memref<1x32xf32, #tpu.memory_space<hbm>> -> memref<32xf32, #tpu.memory_space<hbm>>
      tpu.enqueue_dma source(%dma_start3A_603 : memref<32xf32, #tpu.memory_space<hbm>>) target(%dma_start3A_600 : memref<32xf32, #tpu.memory_space<vmem>>) target_semaphore(%arg25 : memref<!tpu.dma_semaphore, #tpu.memory_space<semaphore_mem>>)
      %mul3A_604 = arith.constant 16 : i32
      %mul3A_605 = arith.muli %scan3A_405, %mul3A_604 : i32
      %add3A_606 = arith.constant 6 : i32
      %add3A_607 = arith.addi %mul3A_605, %add3A_606 : i32
      %slice3A_608 = vector.extract_strided_slice %get3A_411 {offsets = [6], sizes = [1], strides = [1]} : vector<16xi32> to vector<1xi32>
      %squeeze3A_609 = vector.extract %slice3A_608[0] : i32 from vector<1xi32>
      %dma_start3A_610 = arith.constant 0 : i32
      %dma_start3A_611 = tpu.memref_slice %arg10[%add3A_607, %dma_start3A_610] : memref<256x32xf32, #tpu.memory_space<vmem>> -> memref<1x32xf32, #tpu.memory_space<vmem>>
      %dma_start3A_612 = tpu.memref_squeeze %dma_start3A_611 : memref<1x32xf32, #tpu.memory_space<vmem>> -> memref<32xf32, #tpu.memory_space<vmem>>
      %dma_start3A_613 = arith.constant 0 : i32
      %dma_start3A_614 = tpu.memref_slice %arg4[%squeeze3A_609, %dma_start3A_613] : memref<1000000x32xf32, #tpu.memory_space<hbm>> -> memref<1x32xf32, #tpu.memory_space<hbm>>
      %dma_start3A_615 = tpu.memref_squeeze %dma_start3A_614 : memref<1x32xf32, #tpu.memory_space<hbm>> -> memref<32xf32, #tpu.memory_space<hbm>>
      %dma_start3A_616 = arith.constant 0 : i32
      %dma_start3A_617 = tpu.memref_slice %arg10[%add3A_607, %dma_start3A_616] : memref<256x32xf32, #tpu.memory_space<vmem>> -> memref<1x32xf32, #tpu.memory_space<vmem>>
      %dma_start3A_618 = tpu.memref_squeeze %dma_start3A_617 : memref<1x32xf32, #tpu.memory_space<vmem>> -> memref<32xf32, #tpu.memory_space<vmem>>
      %dma_start3A_619 = arith.constant 0 : i32
      %dma_start3A_620 = tpu.memref_slice %arg4[%squeeze3A_609, %dma_start3A_619] : memref<1000000x32xf32, #tpu.memory_space<hbm>> -> memref<1x32xf32, #tpu.memory_space<hbm>>
      %dma_start3A_621 = tpu.memref_squeeze %dma_start3A_620 : memref<1x32xf32, #tpu.memory_space<hbm>> -> memref<32xf32, #tpu.memory_space<hbm>>
      tpu.enqueue_dma source(%dma_start3A_621 : memref<32xf32, #tpu.memory_space<hbm>>) target(%dma_start3A_618 : memref<32xf32, #tpu.memory_space<vmem>>) target_semaphore(%arg18 : memref<!tpu.dma_semaphore, #tpu.memory_space<semaphore_mem>>)
      %slice3A_622 = vector.extract_strided_slice %get3A_414 {offsets = [6], sizes = [1], strides = [1]} : vector<16xi32> to vector<1xi32>
      %squeeze3A_623 = vector.extract %slice3A_622[0] : i32 from vector<1xi32>
      %dma_start3A_624 = arith.constant 0 : i32
      %dma_start3A_625 = tpu.memref_slice %arg11[%add3A_607, %dma_start3A_624] : memref<256x32xf32, #tpu.memory_space<vmem>> -> memref<1x32xf32, #tpu.memory_space<vmem>>
      %dma_start3A_626 = tpu.memref_squeeze %dma_start3A_625 : memref<1x32xf32, #tpu.memory_space<vmem>> -> memref<32xf32, #tpu.memory_space<vmem>>
      %dma_start3A_627 = arith.constant 0 : i32
      %dma_start3A_628 = tpu.memref_slice %arg5[%squeeze3A_623, %dma_start3A_627] : memref<1000000x32xf32, #tpu.memory_space<hbm>> -> memref<1x32xf32, #tpu.memory_space<hbm>>
      %dma_start3A_629 = tpu.memref_squeeze %dma_start3A_628 : memref<1x32xf32, #tpu.memory_space<hbm>> -> memref<32xf32, #tpu.memory_space<hbm>>
      %dma_start3A_630 = arith.constant 0 : i32
      %dma_start3A_631 = tpu.memref_slice %arg11[%add3A_607, %dma_start3A_630] : memref<256x32xf32, #tpu.memory_space<vmem>> -> memref<1x32xf32, #tpu.memory_space<vmem>>
      %dma_start3A_632 = tpu.memref_squeeze %dma_start3A_631 : memref<1x32xf32, #tpu.memory_space<vmem>> -> memref<32xf32, #tpu.memory_space<vmem>>
      %dma_start3A_633 = arith.constant 0 : i32
      %dma_start3A_634 = tpu.memref_slice %arg5[%squeeze3A_623, %dma_start3A_633] : memref<1000000x32xf32, #tpu.memory_space<hbm>> -> memref<1x32xf32, #tpu.memory_space<hbm>>
      %dma_start3A_635 = tpu.memref_squeeze %dma_start3A_634 : memref<1x32xf32, #tpu.memory_space<hbm>> -> memref<32xf32, #tpu.memory_space<hbm>>
      tpu.enqueue_dma source(%dma_start3A_635 : memref<32xf32, #tpu.memory_space<hbm>>) target(%dma_start3A_632 : memref<32xf32, #tpu.memory_space<vmem>>) target_semaphore(%arg26 : memref<!tpu.dma_semaphore, #tpu.memory_space<semaphore_mem>>)
      %mul3A_636 = arith.constant 16 : i32
      %mul3A_637 = arith.muli %scan3A_405, %mul3A_636 : i32
      %add3A_638 = arith.constant 7 : i32
      %add3A_639 = arith.addi %mul3A_637, %add3A_638 : i32
      %slice3A_640 = vector.extract_strided_slice %get3A_411 {offsets = [7], sizes = [1], strides = [1]} : vector<16xi32> to vector<1xi32>
      %squeeze3A_641 = vector.extract %slice3A_640[0] : i32 from vector<1xi32>
      %dma_start3A_642 = arith.constant 0 : i32
      %dma_start3A_643 = tpu.memref_slice %arg10[%add3A_639, %dma_start3A_642] : memref<256x32xf32, #tpu.memory_space<vmem>> -> memref<1x32xf32, #tpu.memory_space<vmem>>
      %dma_start3A_644 = tpu.memref_squeeze %dma_start3A_643 : memref<1x32xf32, #tpu.memory_space<vmem>> -> memref<32xf32, #tpu.memory_space<vmem>>
      %dma_start3A_645 = arith.constant 0 : i32
      %dma_start3A_646 = tpu.memref_slice %arg4[%squeeze3A_641, %dma_start3A_645] : memref<1000000x32xf32, #tpu.memory_space<hbm>> -> memref<1x32xf32, #tpu.memory_space<hbm>>
      %dma_start3A_647 = tpu.memref_squeeze %dma_start3A_646 : memref<1x32xf32, #tpu.memory_space<hbm>> -> memref<32xf32, #tpu.memory_space<hbm>>
      %dma_start3A_648 = arith.constant 0 : i32
      %dma_start3A_649 = tpu.memref_slice %arg10[%add3A_639, %dma_start3A_648] : memref<256x32xf32, #tpu.memory_space<vmem>> -> memref<1x32xf32, #tpu.memory_space<vmem>>
      %dma_start3A_650 = tpu.memref_squeeze %dma_start3A_649 : memref<1x32xf32, #tpu.memory_space<vmem>> -> memref<32xf32, #tpu.memory_space<vmem>>
      %dma_start3A_651 = arith.constant 0 : i32
      %dma_start3A_652 = tpu.memref_slice %arg4[%squeeze3A_641, %dma_start3A_651] : memref<1000000x32xf32, #tpu.memory_space<hbm>> -> memref<1x32xf32, #tpu.memory_space<hbm>>
      %dma_start3A_653 = tpu.memref_squeeze %dma_start3A_652 : memref<1x32xf32, #tpu.memory_space<hbm>> -> memref<32xf32, #tpu.memory_space<hbm>>
      tpu.enqueue_dma source(%dma_start3A_653 : memref<32xf32, #tpu.memory_space<hbm>>) target(%dma_start3A_650 : memref<32xf32, #tpu.memory_space<vmem>>) target_semaphore(%arg19 : memref<!tpu.dma_semaphore, #tpu.memory_space<semaphore_mem>>)
      %slice3A_654 = vector.extract_strided_slice %get3A_414 {offsets = [7], sizes = [1], strides = [1]} : vector<16xi32> to vector<1xi32>
      %squeeze3A_655 = vector.extract %slice3A_654[0] : i32 from vector<1xi32>
      %dma_start3A_656 = arith.constant 0 : i32
      %dma_start3A_657 = tpu.memref_slice %arg11[%add3A_639, %dma_start3A_656] : memref<256x32xf32, #tpu.memory_space<vmem>> -> memref<1x32xf32, #tpu.memory_space<vmem>>
      %dma_start3A_658 = tpu.memref_squeeze %dma_start3A_657 : memref<1x32xf32, #tpu.memory_space<vmem>> -> memref<32xf32, #tpu.memory_space<vmem>>
      %dma_start3A_659 = arith.constant 0 : i32
      %dma_start3A_660 = tpu.memref_slice %arg5[%squeeze3A_655, %dma_start3A_659] : memref<1000000x32xf32, #tpu.memory_space<hbm>> -> memref<1x32xf32, #tpu.memory_space<hbm>>
      %dma_start3A_661 = tpu.memref_squeeze %dma_start3A_660 : memref<1x32xf32, #tpu.memory_space<hbm>> -> memref<32xf32, #tpu.memory_space<hbm>>
      %dma_start3A_662 = arith.constant 0 : i32
      %dma_start3A_663 = tpu.memref_slice %arg11[%add3A_639, %dma_start3A_662] : memref<256x32xf32, #tpu.memory_space<vmem>> -> memref<1x32xf32, #tpu.memory_space<vmem>>
      %dma_start3A_664 = tpu.memref_squeeze %dma_start3A_663 : memref<1x32xf32, #tpu.memory_space<vmem>> -> memref<32xf32, #tpu.memory_space<vmem>>
      %dma_start3A_665 = arith.constant 0 : i32
      %dma_start3A_666 = tpu.memref_slice %arg5[%squeeze3A_655, %dma_start3A_665] : memref<1000000x32xf32, #tpu.memory_space<hbm>> -> memref<1x32xf32, #tpu.memory_space<hbm>>
      %dma_start3A_667 = tpu.memref_squeeze %dma_start3A_666 : memref<1x32xf32, #tpu.memory_space<hbm>> -> memref<32xf32, #tpu.memory_space<hbm>>
      tpu.enqueue_dma source(%dma_start3A_667 : memref<32xf32, #tpu.memory_space<hbm>>) target(%dma_start3A_664 : memref<32xf32, #tpu.memory_space<vmem>>) target_semaphore(%arg27 : memref<!tpu.dma_semaphore, #tpu.memory_space<semaphore_mem>>)
      %mul3A_668 = arith.constant 16 : i32
      %mul3A_669 = arith.muli %scan3A_405, %mul3A_668 : i32
      %add3A_670 = arith.constant 8 : i32
      %add3A_671 = arith.addi %mul3A_669, %add3A_670 : i32
      %slice3A_672 = vector.extract_strided_slice %get3A_411 {offsets = [8], sizes = [1], strides = [1]} : vector<16xi32> to vector<1xi32>
      %squeeze3A_673 = vector.extract %slice3A_672[0] : i32 from vector<1xi32>
      %dma_start3A_674 = arith.constant 0 : i32
      %dma_start3A_675 = tpu.memref_slice %arg10[%add3A_671, %dma_start3A_674] : memref<256x32xf32, #tpu.memory_space<vmem>> -> memref<1x32xf32, #tpu.memory_space<vmem>>
      %dma_start3A_676 = tpu.memref_squeeze %dma_start3A_675 : memref<1x32xf32, #tpu.memory_space<vmem>> -> memref<32xf32, #tpu.memory_space<vmem>>
      %dma_start3A_677 = arith.constant 0 : i32
      %dma_start3A_678 = tpu.memref_slice %arg4[%squeeze3A_673, %dma_start3A_677] : memref<1000000x32xf32, #tpu.memory_space<hbm>> -> memref<1x32xf32, #tpu.memory_space<hbm>>
      %dma_start3A_679 = tpu.memref_squeeze %dma_start3A_678 : memref<1x32xf32, #tpu.memory_space<hbm>> -> memref<32xf32, #tpu.memory_space<hbm>>
      %dma_start3A_680 = arith.constant 0 : i32
      %dma_start3A_681 = tpu.memref_slice %arg10[%add3A_671, %dma_start3A_680] : memref<256x32xf32, #tpu.memory_space<vmem>> -> memref<1x32xf32, #tpu.memory_space<vmem>>
      %dma_start3A_682 = tpu.memref_squeeze %dma_start3A_681 : memref<1x32xf32, #tpu.memory_space<vmem>> -> memref<32xf32, #tpu.memory_space<vmem>>
      %dma_start3A_683 = arith.constant 0 : i32
      %dma_start3A_684 = tpu.memref_slice %arg4[%squeeze3A_673, %dma_start3A_683] : memref<1000000x32xf32, #tpu.memory_space<hbm>> -> memref<1x32xf32, #tpu.memory_space<hbm>>
      %dma_start3A_685 = tpu.memref_squeeze %dma_start3A_684 : memref<1x32xf32, #tpu.memory_space<hbm>> -> memref<32xf32, #tpu.memory_space<hbm>>
      tpu.enqueue_dma source(%dma_start3A_685 : memref<32xf32, #tpu.memory_space<hbm>>) target(%dma_start3A_682 : memref<32xf32, #tpu.memory_space<vmem>>) target_semaphore(%arg12 : memref<!tpu.dma_semaphore, #tpu.memory_space<semaphore_mem>>)
      %slice3A_686 = vector.extract_strided_slice %get3A_414 {offsets = [8], sizes = [1], strides = [1]} : vector<16xi32> to vector<1xi32>
      %squeeze3A_687 = vector.extract %slice3A_686[0] : i32 from vector<1xi32>
      %dma_start3A_688 = arith.constant 0 : i32
      %dma_start3A_689 = tpu.memref_slice %arg11[%add3A_671, %dma_start3A_688] : memref<256x32xf32, #tpu.memory_space<vmem>> -> memref<1x32xf32, #tpu.memory_space<vmem>>
      %dma_start3A_690 = tpu.memref_squeeze %dma_start3A_689 : memref<1x32xf32, #tpu.memory_space<vmem>> -> memref<32xf32, #tpu.memory_space<vmem>>
      %dma_start3A_691 = arith.constant 0 : i32
      %dma_start3A_692 = tpu.memref_slice %arg5[%squeeze3A_687, %dma_start3A_691] : memref<1000000x32xf32, #tpu.memory_space<hbm>> -> memref<1x32xf32, #tpu.memory_space<hbm>>
      %dma_start3A_693 = tpu.memref_squeeze %dma_start3A_692 : memref<1x32xf32, #tpu.memory_space<hbm>> -> memref<32xf32, #tpu.memory_space<hbm>>
      %dma_start3A_694 = arith.constant 0 : i32
      %dma_start3A_695 = tpu.memref_slice %arg11[%add3A_671, %dma_start3A_694] : memref<256x32xf32, #tpu.memory_space<vmem>> -> memref<1x32xf32, #tpu.memory_space<vmem>>
      %dma_start3A_696 = tpu.memref_squeeze %dma_start3A_695 : memref<1x32xf32, #tpu.memory_space<vmem>> -> memref<32xf32, #tpu.memory_space<vmem>>
      %dma_start3A_697 = arith.constant 0 : i32
      %dma_start3A_698 = tpu.memref_slice %arg5[%squeeze3A_687, %dma_start3A_697] : memref<1000000x32xf32, #tpu.memory_space<hbm>> -> memref<1x32xf32, #tpu.memory_space<hbm>>
      %dma_start3A_699 = tpu.memref_squeeze %dma_start3A_698 : memref<1x32xf32, #tpu.memory_space<hbm>> -> memref<32xf32, #tpu.memory_space<hbm>>
      tpu.enqueue_dma source(%dma_start3A_699 : memref<32xf32, #tpu.memory_space<hbm>>) target(%dma_start3A_696 : memref<32xf32, #tpu.memory_space<vmem>>) target_semaphore(%arg20 : memref<!tpu.dma_semaphore, #tpu.memory_space<semaphore_mem>>)
      %mul3A_700 = arith.constant 16 : i32
      %mul3A_701 = arith.muli %scan3A_405, %mul3A_700 : i32
      %add3A_702 = arith.constant 9 : i32
      %add3A_703 = arith.addi %mul3A_701, %add3A_702 : i32
      %slice3A_704 = vector.extract_strided_slice %get3A_411 {offsets = [9], sizes = [1], strides = [1]} : vector<16xi32> to vector<1xi32>
      %squeeze3A_705 = vector.extract %slice3A_704[0] : i32 from vector<1xi32>
      %dma_start3A_706 = arith.constant 0 : i32
      %dma_start3A_707 = tpu.memref_slice %arg10[%add3A_703, %dma_start3A_706] : memref<256x32xf32, #tpu.memory_space<vmem>> -> memref<1x32xf32, #tpu.memory_space<vmem>>
      %dma_start3A_708 = tpu.memref_squeeze %dma_start3A_707 : memref<1x32xf32, #tpu.memory_space<vmem>> -> memref<32xf32, #tpu.memory_space<vmem>>
      %dma_start3A_709 = arith.constant 0 : i32
      %dma_start3A_710 = tpu.memref_slice %arg4[%squeeze3A_705, %dma_start3A_709] : memref<1000000x32xf32, #tpu.memory_space<hbm>> -> memref<1x32xf32, #tpu.memory_space<hbm>>
      %dma_start3A_711 = tpu.memref_squeeze %dma_start3A_710 : memref<1x32xf32, #tpu.memory_space<hbm>> -> memref<32xf32, #tpu.memory_space<hbm>>
      %dma_start3A_712 = arith.constant 0 : i32
      %dma_start3A_713 = tpu.memref_slice %arg10[%add3A_703, %dma_start3A_712] : memref<256x32xf32, #tpu.memory_space<vmem>> -> memref<1x32xf32, #tpu.memory_space<vmem>>
      %dma_start3A_714 = tpu.memref_squeeze %dma_start3A_713 : memref<1x32xf32, #tpu.memory_space<vmem>> -> memref<32xf32, #tpu.memory_space<vmem>>
      %dma_start3A_715 = arith.constant 0 : i32
      %dma_start3A_716 = tpu.memref_slice %arg4[%squeeze3A_705, %dma_start3A_715] : memref<1000000x32xf32, #tpu.memory_space<hbm>> -> memref<1x32xf32, #tpu.memory_space<hbm>>
      %dma_start3A_717 = tpu.memref_squeeze %dma_start3A_716 : memref<1x32xf32, #tpu.memory_space<hbm>> -> memref<32xf32, #tpu.memory_space<hbm>>
      tpu.enqueue_dma source(%dma_start3A_717 : memref<32xf32, #tpu.memory_space<hbm>>) target(%dma_start3A_714 : memref<32xf32, #tpu.memory_space<vmem>>) target_semaphore(%arg13 : memref<!tpu.dma_semaphore, #tpu.memory_space<semaphore_mem>>)
      %slice3A_718 = vector.extract_strided_slice %get3A_414 {offsets = [9], sizes = [1], strides = [1]} : vector<16xi32> to vector<1xi32>
      %squeeze3A_719 = vector.extract %slice3A_718[0] : i32 from vector<1xi32>
      %dma_start3A_720 = arith.constant 0 : i32
      %dma_start3A_721 = tpu.memref_slice %arg11[%add3A_703, %dma_start3A_720] : memref<256x32xf32, #tpu.memory_space<vmem>> -> memref<1x32xf32, #tpu.memory_space<vmem>>
      %dma_start3A_722 = tpu.memref_squeeze %dma_start3A_721 : memref<1x32xf32, #tpu.memory_space<vmem>> -> memref<32xf32, #tpu.memory_space<vmem>>
      %dma_start3A_723 = arith.constant 0 : i32
      %dma_start3A_724 = tpu.memref_slice %arg5[%squeeze3A_719, %dma_start3A_723] : memref<1000000x32xf32, #tpu.memory_space<hbm>> -> memref<1x32xf32, #tpu.memory_space<hbm>>
      %dma_start3A_725 = tpu.memref_squeeze %dma_start3A_724 : memref<1x32xf32, #tpu.memory_space<hbm>> -> memref<32xf32, #tpu.memory_space<hbm>>
      %dma_start3A_726 = arith.constant 0 : i32
      %dma_start3A_727 = tpu.memref_slice %arg11[%add3A_703, %dma_start3A_726] : memref<256x32xf32, #tpu.memory_space<vmem>> -> memref<1x32xf32, #tpu.memory_space<vmem>>
      %dma_start3A_728 = tpu.memref_squeeze %dma_start3A_727 : memref<1x32xf32, #tpu.memory_space<vmem>> -> memref<32xf32, #tpu.memory_space<vmem>>
      %dma_start3A_729 = arith.constant 0 : i32
      %dma_start3A_730 = tpu.memref_slice %arg5[%squeeze3A_719, %dma_start3A_729] : memref<1000000x32xf32, #tpu.memory_space<hbm>> -> memref<1x32xf32, #tpu.memory_space<hbm>>
      %dma_start3A_731 = tpu.memref_squeeze %dma_start3A_730 : memref<1x32xf32, #tpu.memory_space<hbm>> -> memref<32xf32, #tpu.memory_space<hbm>>
      tpu.enqueue_dma source(%dma_start3A_731 : memref<32xf32, #tpu.memory_space<hbm>>) target(%dma_start3A_728 : memref<32xf32, #tpu.memory_space<vmem>>) target_semaphore(%arg21 : memref<!tpu.dma_semaphore, #tpu.memory_space<semaphore_mem>>)
      %mul3A_732 = arith.constant 16 : i32
      %mul3A_733 = arith.muli %scan3A_405, %mul3A_732 : i32
      %add3A_734 = arith.constant 10 : i32
      %add3A_735 = arith.addi %mul3A_733, %add3A_734 : i32
      %slice3A_736 = vector.extract_strided_slice %get3A_411 {offsets = [10], sizes = [1], strides = [1]} : vector<16xi32> to vector<1xi32>
      %squeeze3A_737 = vector.extract %slice3A_736[0] : i32 from vector<1xi32>
      %dma_start3A_738 = arith.constant 0 : i32
      %dma_start3A_739 = tpu.memref_slice %arg10[%add3A_735, %dma_start3A_738] : memref<256x32xf32, #tpu.memory_space<vmem>> -> memref<1x32xf32, #tpu.memory_space<vmem>>
      %dma_start3A_740 = tpu.memref_squeeze %dma_start3A_739 : memref<1x32xf32, #tpu.memory_space<vmem>> -> memref<32xf32, #tpu.memory_space<vmem>>
      %dma_start3A_741 = arith.constant 0 : i32
      %dma_start3A_742 = tpu.memref_slice %arg4[%squeeze3A_737, %dma_start3A_741] : memref<1000000x32xf32, #tpu.memory_space<hbm>> -> memref<1x32xf32, #tpu.memory_space<hbm>>
      %dma_start3A_743 = tpu.memref_squeeze %dma_start3A_742 : memref<1x32xf32, #tpu.memory_space<hbm>> -> memref<32xf32, #tpu.memory_space<hbm>>
      %dma_start3A_744 = arith.constant 0 : i32
      %dma_start3A_745 = tpu.memref_slice %arg10[%add3A_735, %dma_start3A_744] : memref<256x32xf32, #tpu.memory_space<vmem>> -> memref<1x32xf32, #tpu.memory_space<vmem>>
      %dma_start3A_746 = tpu.memref_squeeze %dma_start3A_745 : memref<1x32xf32, #tpu.memory_space<vmem>> -> memref<32xf32, #tpu.memory_space<vmem>>
      %dma_start3A_747 = arith.constant 0 : i32
      %dma_start3A_748 = tpu.memref_slice %arg4[%squeeze3A_737, %dma_start3A_747] : memref<1000000x32xf32, #tpu.memory_space<hbm>> -> memref<1x32xf32, #tpu.memory_space<hbm>>
      %dma_start3A_749 = tpu.memref_squeeze %dma_start3A_748 : memref<1x32xf32, #tpu.memory_space<hbm>> -> memref<32xf32, #tpu.memory_space<hbm>>
      tpu.enqueue_dma source(%dma_start3A_749 : memref<32xf32, #tpu.memory_space<hbm>>) target(%dma_start3A_746 : memref<32xf32, #tpu.memory_space<vmem>>) target_semaphore(%arg14 : memref<!tpu.dma_semaphore, #tpu.memory_space<semaphore_mem>>)
      %slice3A_750 = vector.extract_strided_slice %get3A_414 {offsets = [10], sizes = [1], strides = [1]} : vector<16xi32> to vector<1xi32>
      %squeeze3A_751 = vector.extract %slice3A_750[0] : i32 from vector<1xi32>
      %dma_start3A_752 = arith.constant 0 : i32
      %dma_start3A_753 = tpu.memref_slice %arg11[%add3A_735, %dma_start3A_752] : memref<256x32xf32, #tpu.memory_space<vmem>> -> memref<1x32xf32, #tpu.memory_space<vmem>>
      %dma_start3A_754 = tpu.memref_squeeze %dma_start3A_753 : memref<1x32xf32, #tpu.memory_space<vmem>> -> memref<32xf32, #tpu.memory_space<vmem>>
      %dma_start3A_755 = arith.constant 0 : i32
      %dma_start3A_756 = tpu.memref_slice %arg5[%squeeze3A_751, %dma_start3A_755] : memref<1000000x32xf32, #tpu.memory_space<hbm>> -> memref<1x32xf32, #tpu.memory_space<hbm>>
      %dma_start3A_757 = tpu.memref_squeeze %dma_start3A_756 : memref<1x32xf32, #tpu.memory_space<hbm>> -> memref<32xf32, #tpu.memory_space<hbm>>
      %dma_start3A_758 = arith.constant 0 : i32
      %dma_start3A_759 = tpu.memref_slice %arg11[%add3A_735, %dma_start3A_758] : memref<256x32xf32, #tpu.memory_space<vmem>> -> memref<1x32xf32, #tpu.memory_space<vmem>>
      %dma_start3A_760 = tpu.memref_squeeze %dma_start3A_759 : memref<1x32xf32, #tpu.memory_space<vmem>> -> memref<32xf32, #tpu.memory_space<vmem>>
      %dma_start3A_761 = arith.constant 0 : i32
      %dma_start3A_762 = tpu.memref_slice %arg5[%squeeze3A_751, %dma_start3A_761] : memref<1000000x32xf32, #tpu.memory_space<hbm>> -> memref<1x32xf32, #tpu.memory_space<hbm>>
      %dma_start3A_763 = tpu.memref_squeeze %dma_start3A_762 : memref<1x32xf32, #tpu.memory_space<hbm>> -> memref<32xf32, #tpu.memory_space<hbm>>
      tpu.enqueue_dma source(%dma_start3A_763 : memref<32xf32, #tpu.memory_space<hbm>>) target(%dma_start3A_760 : memref<32xf32, #tpu.memory_space<vmem>>) target_semaphore(%arg22 : memref<!tpu.dma_semaphore, #tpu.memory_space<semaphore_mem>>)
      %mul3A_764 = arith.constant 16 : i32
      %mul3A_765 = arith.muli %scan3A_405, %mul3A_764 : i32
      %add3A_766 = arith.constant 11 : i32
      %add3A_767 = arith.addi %mul3A_765, %add3A_766 : i32
      %slice3A_768 = vector.extract_strided_slice %get3A_411 {offsets = [11], sizes = [1], strides = [1]} : vector<16xi32> to vector<1xi32>
      %squeeze3A_769 = vector.extract %slice3A_768[0] : i32 from vector<1xi32>
      %dma_start3A_770 = arith.constant 0 : i32
      %dma_start3A_771 = tpu.memref_slice %arg10[%add3A_767, %dma_start3A_770] : memref<256x32xf32, #tpu.memory_space<vmem>> -> memref<1x32xf32, #tpu.memory_space<vmem>>
      %dma_start3A_772 = tpu.memref_squeeze %dma_start3A_771 : memref<1x32xf32, #tpu.memory_space<vmem>> -> memref<32xf32, #tpu.memory_space<vmem>>
      %dma_start3A_773 = arith.constant 0 : i32
      %dma_start3A_774 = tpu.memref_slice %arg4[%squeeze3A_769, %dma_start3A_773] : memref<1000000x32xf32, #tpu.memory_space<hbm>> -> memref<1x32xf32, #tpu.memory_space<hbm>>
      %dma_start3A_775 = tpu.memref_squeeze %dma_start3A_774 : memref<1x32xf32, #tpu.memory_space<hbm>> -> memref<32xf32, #tpu.memory_space<hbm>>
      %dma_start3A_776 = arith.constant 0 : i32
      %dma_start3A_777 = tpu.memref_slice %arg10[%add3A_767, %dma_start3A_776] : memref<256x32xf32, #tpu.memory_space<vmem>> -> memref<1x32xf32, #tpu.memory_space<vmem>>
      %dma_start3A_778 = tpu.memref_squeeze %dma_start3A_777 : memref<1x32xf32, #tpu.memory_space<vmem>> -> memref<32xf32, #tpu.memory_space<vmem>>
      %dma_start3A_779 = arith.constant 0 : i32
      %dma_start3A_780 = tpu.memref_slice %arg4[%squeeze3A_769, %dma_start3A_779] : memref<1000000x32xf32, #tpu.memory_space<hbm>> -> memref<1x32xf32, #tpu.memory_space<hbm>>
      %dma_start3A_781 = tpu.memref_squeeze %dma_start3A_780 : memref<1x32xf32, #tpu.memory_space<hbm>> -> memref<32xf32, #tpu.memory_space<hbm>>
      tpu.enqueue_dma source(%dma_start3A_781 : memref<32xf32, #tpu.memory_space<hbm>>) target(%dma_start3A_778 : memref<32xf32, #tpu.memory_space<vmem>>) target_semaphore(%arg15 : memref<!tpu.dma_semaphore, #tpu.memory_space<semaphore_mem>>)
      %slice3A_782 = vector.extract_strided_slice %get3A_414 {offsets = [11], sizes = [1], strides = [1]} : vector<16xi32> to vector<1xi32>
      %squeeze3A_783 = vector.extract %slice3A_782[0] : i32 from vector<1xi32>
      %dma_start3A_784 = arith.constant 0 : i32
      %dma_start3A_785 = tpu.memref_slice %arg11[%add3A_767, %dma_start3A_784] : memref<256x32xf32, #tpu.memory_space<vmem>> -> memref<1x32xf32, #tpu.memory_space<vmem>>
      %dma_start3A_786 = tpu.memref_squeeze %dma_start3A_785 : memref<1x32xf32, #tpu.memory_space<vmem>> -> memref<32xf32, #tpu.memory_space<vmem>>
      %dma_start3A_787 = arith.constant 0 : i32
      %dma_start3A_788 = tpu.memref_slice %arg5[%squeeze3A_783, %dma_start3A_787] : memref<1000000x32xf32, #tpu.memory_space<hbm>> -> memref<1x32xf32, #tpu.memory_space<hbm>>
      %dma_start3A_789 = tpu.memref_squeeze %dma_start3A_788 : memref<1x32xf32, #tpu.memory_space<hbm>> -> memref<32xf32, #tpu.memory_space<hbm>>
      %dma_start3A_790 = arith.constant 0 : i32
      %dma_start3A_791 = tpu.memref_slice %arg11[%add3A_767, %dma_start3A_790] : memref<256x32xf32, #tpu.memory_space<vmem>> -> memref<1x32xf32, #tpu.memory_space<vmem>>
      %dma_start3A_792 = tpu.memref_squeeze %dma_start3A_791 : memref<1x32xf32, #tpu.memory_space<vmem>> -> memref<32xf32, #tpu.memory_space<vmem>>
      %dma_start3A_793 = arith.constant 0 : i32
      %dma_start3A_794 = tpu.memref_slice %arg5[%squeeze3A_783, %dma_start3A_793] : memref<1000000x32xf32, #tpu.memory_space<hbm>> -> memref<1x32xf32, #tpu.memory_space<hbm>>
      %dma_start3A_795 = tpu.memref_squeeze %dma_start3A_794 : memref<1x32xf32, #tpu.memory_space<hbm>> -> memref<32xf32, #tpu.memory_space<hbm>>
      tpu.enqueue_dma source(%dma_start3A_795 : memref<32xf32, #tpu.memory_space<hbm>>) target(%dma_start3A_792 : memref<32xf32, #tpu.memory_space<vmem>>) target_semaphore(%arg23 : memref<!tpu.dma_semaphore, #tpu.memory_space<semaphore_mem>>)
      %mul3A_796 = arith.constant 16 : i32
      %mul3A_797 = arith.muli %scan3A_405, %mul3A_796 : i32
      %add3A_798 = arith.constant 12 : i32
      %add3A_799 = arith.addi %mul3A_797, %add3A_798 : i32
      %slice3A_800 = vector.extract_strided_slice %get3A_411 {offsets = [12], sizes = [1], strides = [1]} : vector<16xi32> to vector<1xi32>
      %squeeze3A_801 = vector.extract %slice3A_800[0] : i32 from vector<1xi32>
      %dma_start3A_802 = arith.constant 0 : i32
      %dma_start3A_803 = tpu.memref_slice %arg10[%add3A_799, %dma_start3A_802] : memref<256x32xf32, #tpu.memory_space<vmem>> -> memref<1x32xf32, #tpu.memory_space<vmem>>
      %dma_start3A_804 = tpu.memref_squeeze %dma_start3A_803 : memref<1x32xf32, #tpu.memory_space<vmem>> -> memref<32xf32, #tpu.memory_space<vmem>>
      %dma_start3A_805 = arith.constant 0 : i32
      %dma_start3A_806 = tpu.memref_slice %arg4[%squeeze3A_801, %dma_start3A_805] : memref<1000000x32xf32, #tpu.memory_space<hbm>> -> memref<1x32xf32, #tpu.memory_space<hbm>>
      %dma_start3A_807 = tpu.memref_squeeze %dma_start3A_806 : memref<1x32xf32, #tpu.memory_space<hbm>> -> memref<32xf32, #tpu.memory_space<hbm>>
      %dma_start3A_808 = arith.constant 0 : i32
      %dma_start3A_809 = tpu.memref_slice %arg10[%add3A_799, %dma_start3A_808] : memref<256x32xf32, #tpu.memory_space<vmem>> -> memref<1x32xf32, #tpu.memory_space<vmem>>
      %dma_start3A_810 = tpu.memref_squeeze %dma_start3A_809 : memref<1x32xf32, #tpu.memory_space<vmem>> -> memref<32xf32, #tpu.memory_space<vmem>>
      %dma_start3A_811 = arith.constant 0 : i32
      %dma_start3A_812 = tpu.memref_slice %arg4[%squeeze3A_801, %dma_start3A_811] : memref<1000000x32xf32, #tpu.memory_space<hbm>> -> memref<1x32xf32, #tpu.memory_space<hbm>>
      %dma_start3A_813 = tpu.memref_squeeze %dma_start3A_812 : memref<1x32xf32, #tpu.memory_space<hbm>> -> memref<32xf32, #tpu.memory_space<hbm>>
      tpu.enqueue_dma source(%dma_start3A_813 : memref<32xf32, #tpu.memory_space<hbm>>) target(%dma_start3A_810 : memref<32xf32, #tpu.memory_space<vmem>>) target_semaphore(%arg16 : memref<!tpu.dma_semaphore, #tpu.memory_space<semaphore_mem>>)
      %slice3A_814 = vector.extract_strided_slice %get3A_414 {offsets = [12], sizes = [1], strides = [1]} : vector<16xi32> to vector<1xi32>
      %squeeze3A_815 = vector.extract %slice3A_814[0] : i32 from vector<1xi32>
      %dma_start3A_816 = arith.constant 0 : i32
      %dma_start3A_817 = tpu.memref_slice %arg11[%add3A_799, %dma_start3A_816] : memref<256x32xf32, #tpu.memory_space<vmem>> -> memref<1x32xf32, #tpu.memory_space<vmem>>
      %dma_start3A_818 = tpu.memref_squeeze %dma_start3A_817 : memref<1x32xf32, #tpu.memory_space<vmem>> -> memref<32xf32, #tpu.memory_space<vmem>>
      %dma_start3A_819 = arith.constant 0 : i32
      %dma_start3A_820 = tpu.memref_slice %arg5[%squeeze3A_815, %dma_start3A_819] : memref<1000000x32xf32, #tpu.memory_space<hbm>> -> memref<1x32xf32, #tpu.memory_space<hbm>>
      %dma_start3A_821 = tpu.memref_squeeze %dma_start3A_820 : memref<1x32xf32, #tpu.memory_space<hbm>> -> memref<32xf32, #tpu.memory_space<hbm>>
      %dma_start3A_822 = arith.constant 0 : i32
      %dma_start3A_823 = tpu.memref_slice %arg11[%add3A_799, %dma_start3A_822] : memref<256x32xf32, #tpu.memory_space<vmem>> -> memref<1x32xf32, #tpu.memory_space<vmem>>
      %dma_start3A_824 = tpu.memref_squeeze %dma_start3A_823 : memref<1x32xf32, #tpu.memory_space<vmem>> -> memref<32xf32, #tpu.memory_space<vmem>>
      %dma_start3A_825 = arith.constant 0 : i32
      %dma_start3A_826 = tpu.memref_slice %arg5[%squeeze3A_815, %dma_start3A_825] : memref<1000000x32xf32, #tpu.memory_space<hbm>> -> memref<1x32xf32, #tpu.memory_space<hbm>>
      %dma_start3A_827 = tpu.memref_squeeze %dma_start3A_826 : memref<1x32xf32, #tpu.memory_space<hbm>> -> memref<32xf32, #tpu.memory_space<hbm>>
      tpu.enqueue_dma source(%dma_start3A_827 : memref<32xf32, #tpu.memory_space<hbm>>) target(%dma_start3A_824 : memref<32xf32, #tpu.memory_space<vmem>>) target_semaphore(%arg24 : memref<!tpu.dma_semaphore, #tpu.memory_space<semaphore_mem>>)
      %mul3A_828 = arith.constant 16 : i32
      %mul3A_829 = arith.muli %scan3A_405, %mul3A_828 : i32
      %add3A_830 = arith.constant 13 : i32
      %add3A_831 = arith.addi %mul3A_829, %add3A_830 : i32
      %slice3A_832 = vector.extract_strided_slice %get3A_411 {offsets = [13], sizes = [1], strides = [1]} : vector<16xi32> to vector<1xi32>
      %squeeze3A_833 = vector.extract %slice3A_832[0] : i32 from vector<1xi32>
      %dma_start3A_834 = arith.constant 0 : i32
      %dma_start3A_835 = tpu.memref_slice %arg10[%add3A_831, %dma_start3A_834] : memref<256x32xf32, #tpu.memory_space<vmem>> -> memref<1x32xf32, #tpu.memory_space<vmem>>
      %dma_start3A_836 = tpu.memref_squeeze %dma_start3A_835 : memref<1x32xf32, #tpu.memory_space<vmem>> -> memref<32xf32, #tpu.memory_space<vmem>>
      %dma_start3A_837 = arith.constant 0 : i32
      %dma_start3A_838 = tpu.memref_slice %arg4[%squeeze3A_833, %dma_start3A_837] : memref<1000000x32xf32, #tpu.memory_space<hbm>> -> memref<1x32xf32, #tpu.memory_space<hbm>>
      %dma_start3A_839 = tpu.memref_squeeze %dma_start3A_838 : memref<1x32xf32, #tpu.memory_space<hbm>> -> memref<32xf32, #tpu.memory_space<hbm>>
      %dma_start3A_840 = arith.constant 0 : i32
      %dma_start3A_841 = tpu.memref_slice %arg10[%add3A_831, %dma_start3A_840] : memref<256x32xf32, #tpu.memory_space<vmem>> -> memref<1x32xf32, #tpu.memory_space<vmem>>
      %dma_start3A_842 = tpu.memref_squeeze %dma_start3A_841 : memref<1x32xf32, #tpu.memory_space<vmem>> -> memref<32xf32, #tpu.memory_space<vmem>>
      %dma_start3A_843 = arith.constant 0 : i32
      %dma_start3A_844 = tpu.memref_slice %arg4[%squeeze3A_833, %dma_start3A_843] : memref<1000000x32xf32, #tpu.memory_space<hbm>> -> memref<1x32xf32, #tpu.memory_space<hbm>>
      %dma_start3A_845 = tpu.memref_squeeze %dma_start3A_844 : memref<1x32xf32, #tpu.memory_space<hbm>> -> memref<32xf32, #tpu.memory_space<hbm>>
      tpu.enqueue_dma source(%dma_start3A_845 : memref<32xf32, #tpu.memory_space<hbm>>) target(%dma_start3A_842 : memref<32xf32, #tpu.memory_space<vmem>>) target_semaphore(%arg17 : memref<!tpu.dma_semaphore, #tpu.memory_space<semaphore_mem>>)
      %slice3A_846 = vector.extract_strided_slice %get3A_414 {offsets = [13], sizes = [1], strides = [1]} : vector<16xi32> to vector<1xi32>
      %squeeze3A_847 = vector.extract %slice3A_846[0] : i32 from vector<1xi32>
      %dma_start3A_848 = arith.constant 0 : i32
      %dma_start3A_849 = tpu.memref_slice %arg11[%add3A_831, %dma_start3A_848] : memref<256x32xf32, #tpu.memory_space<vmem>> -> memref<1x32xf32, #tpu.memory_space<vmem>>
      %dma_start3A_850 = tpu.memref_squeeze %dma_start3A_849 : memref<1x32xf32, #tpu.memory_space<vmem>> -> memref<32xf32, #tpu.memory_space<vmem>>
      %dma_start3A_851 = arith.constant 0 : i32
      %dma_start3A_852 = tpu.memref_slice %arg5[%squeeze3A_847, %dma_start3A_851] : memref<1000000x32xf32, #tpu.memory_space<hbm>> -> memref<1x32xf32, #tpu.memory_space<hbm>>
      %dma_start3A_853 = tpu.memref_squeeze %dma_start3A_852 : memref<1x32xf32, #tpu.memory_space<hbm>> -> memref<32xf32, #tpu.memory_space<hbm>>
      %dma_start3A_854 = arith.constant 0 : i32
      %dma_start3A_855 = tpu.memref_slice %arg11[%add3A_831, %dma_start3A_854] : memref<256x32xf32, #tpu.memory_space<vmem>> -> memref<1x32xf32, #tpu.memory_space<vmem>>
      %dma_start3A_856 = tpu.memref_squeeze %dma_start3A_855 : memref<1x32xf32, #tpu.memory_space<vmem>> -> memref<32xf32, #tpu.memory_space<vmem>>
      %dma_start3A_857 = arith.constant 0 : i32
      %dma_start3A_858 = tpu.memref_slice %arg5[%squeeze3A_847, %dma_start3A_857] : memref<1000000x32xf32, #tpu.memory_space<hbm>> -> memref<1x32xf32, #tpu.memory_space<hbm>>
      %dma_start3A_859 = tpu.memref_squeeze %dma_start3A_858 : memref<1x32xf32, #tpu.memory_space<hbm>> -> memref<32xf32, #tpu.memory_space<hbm>>
      tpu.enqueue_dma source(%dma_start3A_859 : memref<32xf32, #tpu.memory_space<hbm>>) target(%dma_start3A_856 : memref<32xf32, #tpu.memory_space<vmem>>) target_semaphore(%arg25 : memref<!tpu.dma_semaphore, #tpu.memory_space<semaphore_mem>>)
      %mul3A_860 = arith.constant 16 : i32
      %mul3A_861 = arith.muli %scan3A_405, %mul3A_860 : i32
      %add3A_862 = arith.constant 14 : i32
      %add3A_863 = arith.addi %mul3A_861, %add3A_862 : i32
      %slice3A_864 = vector.extract_strided_slice %get3A_411 {offsets = [14], sizes = [1], strides = [1]} : vector<16xi32> to vector<1xi32>
      %squeeze3A_865 = vector.extract %slice3A_864[0] : i32 from vector<1xi32>
      %dma_start3A_866 = arith.constant 0 : i32
      %dma_start3A_867 = tpu.memref_slice %arg10[%add3A_863, %dma_start3A_866] : memref<256x32xf32, #tpu.memory_space<vmem>> -> memref<1x32xf32, #tpu.memory_space<vmem>>
      %dma_start3A_868 = tpu.memref_squeeze %dma_start3A_867 : memref<1x32xf32, #tpu.memory_space<vmem>> -> memref<32xf32, #tpu.memory_space<vmem>>
      %dma_start3A_869 = arith.constant 0 : i32
      %dma_start3A_870 = tpu.memref_slice %arg4[%squeeze3A_865, %dma_start3A_869] : memref<1000000x32xf32, #tpu.memory_space<hbm>> -> memref<1x32xf32, #tpu.memory_space<hbm>>
      %dma_start3A_871 = tpu.memref_squeeze %dma_start3A_870 : memref<1x32xf32, #tpu.memory_space<hbm>> -> memref<32xf32, #tpu.memory_space<hbm>>
      %dma_start3A_872 = arith.constant 0 : i32
      %dma_start3A_873 = tpu.memref_slice %arg10[%add3A_863, %dma_start3A_872] : memref<256x32xf32, #tpu.memory_space<vmem>> -> memref<1x32xf32, #tpu.memory_space<vmem>>
      %dma_start3A_874 = tpu.memref_squeeze %dma_start3A_873 : memref<1x32xf32, #tpu.memory_space<vmem>> -> memref<32xf32, #tpu.memory_space<vmem>>
      %dma_start3A_875 = arith.constant 0 : i32
      %dma_start3A_876 = tpu.memref_slice %arg4[%squeeze3A_865, %dma_start3A_875] : memref<1000000x32xf32, #tpu.memory_space<hbm>> -> memref<1x32xf32, #tpu.memory_space<hbm>>
      %dma_start3A_877 = tpu.memref_squeeze %dma_start3A_876 : memref<1x32xf32, #tpu.memory_space<hbm>> -> memref<32xf32, #tpu.memory_space<hbm>>
      tpu.enqueue_dma source(%dma_start3A_877 : memref<32xf32, #tpu.memory_space<hbm>>) target(%dma_start3A_874 : memref<32xf32, #tpu.memory_space<vmem>>) target_semaphore(%arg18 : memref<!tpu.dma_semaphore, #tpu.memory_space<semaphore_mem>>)
      %slice3A_878 = vector.extract_strided_slice %get3A_414 {offsets = [14], sizes = [1], strides = [1]} : vector<16xi32> to vector<1xi32>
      %squeeze3A_879 = vector.extract %slice3A_878[0] : i32 from vector<1xi32>
      %dma_start3A_880 = arith.constant 0 : i32
      %dma_start3A_881 = tpu.memref_slice %arg11[%add3A_863, %dma_start3A_880] : memref<256x32xf32, #tpu.memory_space<vmem>> -> memref<1x32xf32, #tpu.memory_space<vmem>>
      %dma_start3A_882 = tpu.memref_squeeze %dma_start3A_881 : memref<1x32xf32, #tpu.memory_space<vmem>> -> memref<32xf32, #tpu.memory_space<vmem>>
      %dma_start3A_883 = arith.constant 0 : i32
      %dma_start3A_884 = tpu.memref_slice %arg5[%squeeze3A_879, %dma_start3A_883] : memref<1000000x32xf32, #tpu.memory_space<hbm>> -> memref<1x32xf32, #tpu.memory_space<hbm>>
      %dma_start3A_885 = tpu.memref_squeeze %dma_start3A_884 : memref<1x32xf32, #tpu.memory_space<hbm>> -> memref<32xf32, #tpu.memory_space<hbm>>
      %dma_start3A_886 = arith.constant 0 : i32
      %dma_start3A_887 = tpu.memref_slice %arg11[%add3A_863, %dma_start3A_886] : memref<256x32xf32, #tpu.memory_space<vmem>> -> memref<1x32xf32, #tpu.memory_space<vmem>>
      %dma_start3A_888 = tpu.memref_squeeze %dma_start3A_887 : memref<1x32xf32, #tpu.memory_space<vmem>> -> memref<32xf32, #tpu.memory_space<vmem>>
      %dma_start3A_889 = arith.constant 0 : i32
      %dma_start3A_890 = tpu.memref_slice %arg5[%squeeze3A_879, %dma_start3A_889] : memref<1000000x32xf32, #tpu.memory_space<hbm>> -> memref<1x32xf32, #tpu.memory_space<hbm>>
      %dma_start3A_891 = tpu.memref_squeeze %dma_start3A_890 : memref<1x32xf32, #tpu.memory_space<hbm>> -> memref<32xf32, #tpu.memory_space<hbm>>
      tpu.enqueue_dma source(%dma_start3A_891 : memref<32xf32, #tpu.memory_space<hbm>>) target(%dma_start3A_888 : memref<32xf32, #tpu.memory_space<vmem>>) target_semaphore(%arg26 : memref<!tpu.dma_semaphore, #tpu.memory_space<semaphore_mem>>)
      %mul3A_892 = arith.constant 16 : i32
      %mul3A_893 = arith.muli %scan3A_405, %mul3A_892 : i32
      %add3A_894 = arith.constant 15 : i32
      %add3A_895 = arith.addi %mul3A_893, %add3A_894 : i32
      %slice3A_896 = vector.extract_strided_slice %get3A_411 {offsets = [15], sizes = [1], strides = [1]} : vector<16xi32> to vector<1xi32>
      %squeeze3A_897 = vector.extract %slice3A_896[0] : i32 from vector<1xi32>
      %dma_start3A_898 = arith.constant 0 : i32
      %dma_start3A_899 = tpu.memref_slice %arg10[%add3A_895, %dma_start3A_898] : memref<256x32xf32, #tpu.memory_space<vmem>> -> memref<1x32xf32, #tpu.memory_space<vmem>>
      %dma_start3A_900 = tpu.memref_squeeze %dma_start3A_899 : memref<1x32xf32, #tpu.memory_space<vmem>> -> memref<32xf32, #tpu.memory_space<vmem>>
      %dma_start3A_901 = arith.constant 0 : i32
      %dma_start3A_902 = tpu.memref_slice %arg4[%squeeze3A_897, %dma_start3A_901] : memref<1000000x32xf32, #tpu.memory_space<hbm>> -> memref<1x32xf32, #tpu.memory_space<hbm>>
      %dma_start3A_903 = tpu.memref_squeeze %dma_start3A_902 : memref<1x32xf32, #tpu.memory_space<hbm>> -> memref<32xf32, #tpu.memory_space<hbm>>
      %dma_start3A_904 = arith.constant 0 : i32
      %dma_start3A_905 = tpu.memref_slice %arg10[%add3A_895, %dma_start3A_904] : memref<256x32xf32, #tpu.memory_space<vmem>> -> memref<1x32xf32, #tpu.memory_space<vmem>>
      %dma_start3A_906 = tpu.memref_squeeze %dma_start3A_905 : memref<1x32xf32, #tpu.memory_space<vmem>> -> memref<32xf32, #tpu.memory_space<vmem>>
      %dma_start3A_907 = arith.constant 0 : i32
      %dma_start3A_908 = tpu.memref_slice %arg4[%squeeze3A_897, %dma_start3A_907] : memref<1000000x32xf32, #tpu.memory_space<hbm>> -> memref<1x32xf32, #tpu.memory_space<hbm>>
      %dma_start3A_909 = tpu.memref_squeeze %dma_start3A_908 : memref<1x32xf32, #tpu.memory_space<hbm>> -> memref<32xf32, #tpu.memory_space<hbm>>
      tpu.enqueue_dma source(%dma_start3A_909 : memref<32xf32, #tpu.memory_space<hbm>>) target(%dma_start3A_906 : memref<32xf32, #tpu.memory_space<vmem>>) target_semaphore(%arg19 : memref<!tpu.dma_semaphore, #tpu.memory_space<semaphore_mem>>)
      %slice3A_910 = vector.extract_strided_slice %get3A_414 {offsets = [15], sizes = [1], strides = [1]} : vector<16xi32> to vector<1xi32>
      %squeeze3A_911 = vector.extract %slice3A_910[0] : i32 from vector<1xi32>
      %dma_start3A_912 = arith.constant 0 : i32
      %dma_start3A_913 = tpu.memref_slice %arg11[%add3A_895, %dma_start3A_912] : memref<256x32xf32, #tpu.memory_space<vmem>> -> memref<1x32xf32, #tpu.memory_space<vmem>>
      %dma_start3A_914 = tpu.memref_squeeze %dma_start3A_913 : memref<1x32xf32, #tpu.memory_space<vmem>> -> memref<32xf32, #tpu.memory_space<vmem>>
      %dma_start3A_915 = arith.constant 0 : i32
      %dma_start3A_916 = tpu.memref_slice %arg5[%squeeze3A_911, %dma_start3A_915] : memref<1000000x32xf32, #tpu.memory_space<hbm>> -> memref<1x32xf32, #tpu.memory_space<hbm>>
      %dma_start3A_917 = tpu.memref_squeeze %dma_start3A_916 : memref<1x32xf32, #tpu.memory_space<hbm>> -> memref<32xf32, #tpu.memory_space<hbm>>
      %dma_start3A_918 = arith.constant 0 : i32
      %dma_start3A_919 = tpu.memref_slice %arg11[%add3A_895, %dma_start3A_918] : memref<256x32xf32, #tpu.memory_space<vmem>> -> memref<1x32xf32, #tpu.memory_space<vmem>>
      %dma_start3A_920 = tpu.memref_squeeze %dma_start3A_919 : memref<1x32xf32, #tpu.memory_space<vmem>> -> memref<32xf32, #tpu.memory_space<vmem>>
      %dma_start3A_921 = arith.constant 0 : i32
      %dma_start3A_922 = tpu.memref_slice %arg5[%squeeze3A_911, %dma_start3A_921] : memref<1000000x32xf32, #tpu.memory_space<hbm>> -> memref<1x32xf32, #tpu.memory_space<hbm>>
      %dma_start3A_923 = tpu.memref_squeeze %dma_start3A_922 : memref<1x32xf32, #tpu.memory_space<hbm>> -> memref<32xf32, #tpu.memory_space<hbm>>
      tpu.enqueue_dma source(%dma_start3A_923 : memref<32xf32, #tpu.memory_space<hbm>>) target(%dma_start3A_920 : memref<32xf32, #tpu.memory_space<vmem>>) target_semaphore(%arg27 : memref<!tpu.dma_semaphore, #tpu.memory_space<semaphore_mem>>)
    }
    %scan3A_7 = arith.constant 16 : i32
    %dma_wait3A = arith.constant 0 : i32
    %dma_wait3A_8 = arith.constant 0 : i32
    %dma_wait3A_9 = tpu.memref_slice %arg10[%dma_wait3A, %dma_wait3A_8] : memref<256x32xf32, #tpu.memory_space<vmem>> -> memref<32x32xf32, #tpu.memory_space<vmem>>
    %dma_wait3A_10 = arith.constant 0 : i32
    %dma_wait3A_11 = arith.constant 0 : i32
    %dma_wait3A_12 = tpu.memref_slice %arg4[%dma_wait3A_10, %dma_wait3A_11] : memref<1000000x32xf32, #tpu.memory_space<hbm>> -> memref<32x32xf32, #tpu.memory_space<hbm>>
    %dma_wait3A_13 = arith.constant 0 : i32
    %dma_wait3A_14 = arith.constant 0 : i32
    %dma_wait3A_15 = tpu.memref_slice %arg10[%dma_wait3A_13, %dma_wait3A_14] : memref<256x32xf32, #tpu.memory_space<vmem>> -> memref<32x32xf32, #tpu.memory_space<vmem>>
    %dma_wait3A_16 = arith.constant 0 : i32
    %dma_wait3A_17 = arith.constant 0 : i32
    %dma_wait3A_18 = tpu.memref_slice %arg4[%dma_wait3A_16, %dma_wait3A_17] : memref<1000000x32xf32, #tpu.memory_space<hbm>> -> memref<32x32xf32, #tpu.memory_space<hbm>>
    tpu.wait_dma2 semaphore(%arg12 : memref<!tpu.dma_semaphore, #tpu.memory_space<semaphore_mem>>) src(%dma_wait3A_18 : memref<32x32xf32, #tpu.memory_space<hbm>>) dst(%dma_wait3A_15 : memref<32x32xf32, #tpu.memory_space<vmem>>)
    %dma_wait3A_19 = arith.constant 0 : i32
    %dma_wait3A_20 = arith.constant 0 : i32
    %dma_wait3A_21 = tpu.memref_slice %arg11[%dma_wait3A_19, %dma_wait3A_20] : memref<256x32xf32, #tpu.memory_space<vmem>> -> memref<32x32xf32, #tpu.memory_space<vmem>>
    %dma_wait3A_22 = arith.constant 0 : i32
    %dma_wait3A_23 = arith.constant 0 : i32
    %dma_wait3A_24 = tpu.memref_slice %arg5[%dma_wait3A_22, %dma_wait3A_23] : memref<1000000x32xf32, #tpu.memory_space<hbm>> -> memref<32x32xf32, #tpu.memory_space<hbm>>
    %dma_wait3A_25 = arith.constant 0 : i32
    %dma_wait3A_26 = arith.constant 0 : i32
    %dma_wait3A_27 = tpu.memref_slice %arg11[%dma_wait3A_25, %dma_wait3A_26] : memref<256x32xf32, #tpu.memory_space<vmem>> -> memref<32x32xf32, #tpu.memory_space<vmem>>
    %dma_wait3A_28 = arith.constant 0 : i32
    %dma_wait3A_29 = arith.constant 0 : i32
    %dma_wait3A_30 = tpu.memref_slice %arg5[%dma_wait3A_28, %dma_wait3A_29] : memref<1000000x32xf32, #tpu.memory_space<hbm>> -> memref<32x32xf32, #tpu.memory_space<hbm>>
    tpu.wait_dma2 semaphore(%arg20 : memref<!tpu.dma_semaphore, #tpu.memory_space<semaphore_mem>>) src(%dma_wait3A_30 : memref<32x32xf32, #tpu.memory_space<hbm>>) dst(%dma_wait3A_27 : memref<32x32xf32, #tpu.memory_space<vmem>>)
    %dma_wait3A_31 = arith.constant 0 : i32
    %dma_wait3A_32 = arith.constant 0 : i32
    %dma_wait3A_33 = tpu.memref_slice %arg10[%dma_wait3A_31, %dma_wait3A_32] : memref<256x32xf32, #tpu.memory_space<vmem>> -> memref<32x32xf32, #tpu.memory_space<vmem>>
    %dma_wait3A_34 = arith.constant 0 : i32
    %dma_wait3A_35 = arith.constant 0 : i32
    %dma_wait3A_36 = tpu.memref_slice %arg4[%dma_wait3A_34, %dma_wait3A_35] : memref<1000000x32xf32, #tpu.memory_space<hbm>> -> memref<32x32xf32, #tpu.memory_space<hbm>>
    %dma_wait3A_37 = arith.constant 0 : i32
    %dma_wait3A_38 = arith.constant 0 : i32
    %dma_wait3A_39 = tpu.memref_slice %arg10[%dma_wait3A_37, %dma_wait3A_38] : memref<256x32xf32, #tpu.memory_space<vmem>> -> memref<32x32xf32, #tpu.memory_space<vmem>>
    %dma_wait3A_40 = arith.constant 0 : i32
    %dma_wait3A_41 = arith.constant 0 : i32
    %dma_wait3A_42 = tpu.memref_slice %arg4[%dma_wait3A_40, %dma_wait3A_41] : memref<1000000x32xf32, #tpu.memory_space<hbm>> -> memref<32x32xf32, #tpu.memory_space<hbm>>
    tpu.wait_dma2 semaphore(%arg13 : memref<!tpu.dma_semaphore, #tpu.memory_space<semaphore_mem>>) src(%dma_wait3A_42 : memref<32x32xf32, #tpu.memory_space<hbm>>) dst(%dma_wait3A_39 : memref<32x32xf32, #tpu.memory_space<vmem>>)
    %dma_wait3A_43 = arith.constant 0 : i32
    %dma_wait3A_44 = arith.constant 0 : i32
    %dma_wait3A_45 = tpu.memref_slice %arg11[%dma_wait3A_43, %dma_wait3A_44] : memref<256x32xf32, #tpu.memory_space<vmem>> -> memref<32x32xf32, #tpu.memory_space<vmem>>
    %dma_wait3A_46 = arith.constant 0 : i32
    %dma_wait3A_47 = arith.constant 0 : i32
    %dma_wait3A_48 = tpu.memref_slice %arg5[%dma_wait3A_46, %dma_wait3A_47] : memref<1000000x32xf32, #tpu.memory_space<hbm>> -> memref<32x32xf32, #tpu.memory_space<hbm>>
    %dma_wait3A_49 = arith.constant 0 : i32
    %dma_wait3A_50 = arith.constant 0 : i32
    %dma_wait3A_51 = tpu.memref_slice %arg11[%dma_wait3A_49, %dma_wait3A_50] : memref<256x32xf32, #tpu.memory_space<vmem>> -> memref<32x32xf32, #tpu.memory_space<vmem>>
    %dma_wait3A_52 = arith.constant 0 : i32
    %dma_wait3A_53 = arith.constant 0 : i32
    %dma_wait3A_54 = tpu.memref_slice %arg5[%dma_wait3A_52, %dma_wait3A_53] : memref<1000000x32xf32, #tpu.memory_space<hbm>> -> memref<32x32xf32, #tpu.memory_space<hbm>>
    tpu.wait_dma2 semaphore(%arg21 : memref<!tpu.dma_semaphore, #tpu.memory_space<semaphore_mem>>) src(%dma_wait3A_54 : memref<32x32xf32, #tpu.memory_space<hbm>>) dst(%dma_wait3A_51 : memref<32x32xf32, #tpu.memory_space<vmem>>)
    %dma_wait3A_55 = arith.constant 0 : i32
    %dma_wait3A_56 = arith.constant 0 : i32
    %dma_wait3A_57 = tpu.memref_slice %arg10[%dma_wait3A_55, %dma_wait3A_56] : memref<256x32xf32, #tpu.memory_space<vmem>> -> memref<32x32xf32, #tpu.memory_space<vmem>>
    %dma_wait3A_58 = arith.constant 0 : i32
    %dma_wait3A_59 = arith.constant 0 : i32
    %dma_wait3A_60 = tpu.memref_slice %arg4[%dma_wait3A_58, %dma_wait3A_59] : memref<1000000x32xf32, #tpu.memory_space<hbm>> -> memref<32x32xf32, #tpu.memory_space<hbm>>
    %dma_wait3A_61 = arith.constant 0 : i32
    %dma_wait3A_62 = arith.constant 0 : i32
    %dma_wait3A_63 = tpu.memref_slice %arg10[%dma_wait3A_61, %dma_wait3A_62] : memref<256x32xf32, #tpu.memory_space<vmem>> -> memref<32x32xf32, #tpu.memory_space<vmem>>
    %dma_wait3A_64 = arith.constant 0 : i32
    %dma_wait3A_65 = arith.constant 0 : i32
    %dma_wait3A_66 = tpu.memref_slice %arg4[%dma_wait3A_64, %dma_wait3A_65] : memref<1000000x32xf32, #tpu.memory_space<hbm>> -> memref<32x32xf32, #tpu.memory_space<hbm>>
    tpu.wait_dma2 semaphore(%arg14 : memref<!tpu.dma_semaphore, #tpu.memory_space<semaphore_mem>>) src(%dma_wait3A_66 : memref<32x32xf32, #tpu.memory_space<hbm>>) dst(%dma_wait3A_63 : memref<32x32xf32, #tpu.memory_space<vmem>>)
    %dma_wait3A_67 = arith.constant 0 : i32
    %dma_wait3A_68 = arith.constant 0 : i32
    %dma_wait3A_69 = tpu.memref_slice %arg11[%dma_wait3A_67, %dma_wait3A_68] : memref<256x32xf32, #tpu.memory_space<vmem>> -> memref<32x32xf32, #tpu.memory_space<vmem>>
    %dma_wait3A_70 = arith.constant 0 : i32
    %dma_wait3A_71 = arith.constant 0 : i32
    %dma_wait3A_72 = tpu.memref_slice %arg5[%dma_wait3A_70, %dma_wait3A_71] : memref<1000000x32xf32, #tpu.memory_space<hbm>> -> memref<32x32xf32, #tpu.memory_space<hbm>>
    %dma_wait3A_73 = arith.constant 0 : i32
    %dma_wait3A_74 = arith.constant 0 : i32
    %dma_wait3A_75 = tpu.memref_slice %arg11[%dma_wait3A_73, %dma_wait3A_74] : memref<256x32xf32, #tpu.memory_space<vmem>> -> memref<32x32xf32, #tpu.memory_space<vmem>>
    %dma_wait3A_76 = arith.constant 0 : i32
    %dma_wait3A_77 = arith.constant 0 : i32
    %dma_wait3A_78 = tpu.memref_slice %arg5[%dma_wait3A_76, %dma_wait3A_77] : memref<1000000x32xf32, #tpu.memory_space<hbm>> -> memref<32x32xf32, #tpu.memory_space<hbm>>
    tpu.wait_dma2 semaphore(%arg22 : memref<!tpu.dma_semaphore, #tpu.memory_space<semaphore_mem>>) src(%dma_wait3A_78 : memref<32x32xf32, #tpu.memory_space<hbm>>) dst(%dma_wait3A_75 : memref<32x32xf32, #tpu.memory_space<vmem>>)
    %dma_wait3A_79 = arith.constant 0 : i32
    %dma_wait3A_80 = arith.constant 0 : i32
    %dma_wait3A_81 = tpu.memref_slice %arg10[%dma_wait3A_79, %dma_wait3A_80] : memref<256x32xf32, #tpu.memory_space<vmem>> -> memref<32x32xf32, #tpu.memory_space<vmem>>
    %dma_wait3A_82 = arith.constant 0 : i32
    %dma_wait3A_83 = arith.constant 0 : i32
    %dma_wait3A_84 = tpu.memref_slice %arg4[%dma_wait3A_82, %dma_wait3A_83] : memref<1000000x32xf32, #tpu.memory_space<hbm>> -> memref<32x32xf32, #tpu.memory_space<hbm>>
    %dma_wait3A_85 = arith.constant 0 : i32
    %dma_wait3A_86 = arith.constant 0 : i32
    %dma_wait3A_87 = tpu.memref_slice %arg10[%dma_wait3A_85, %dma_wait3A_86] : memref<256x32xf32, #tpu.memory_space<vmem>> -> memref<32x32xf32, #tpu.memory_space<vmem>>
    %dma_wait3A_88 = arith.constant 0 : i32
    %dma_wait3A_89 = arith.constant 0 : i32
    %dma_wait3A_90 = tpu.memref_slice %arg4[%dma_wait3A_88, %dma_wait3A_89] : memref<1000000x32xf32, #tpu.memory_space<hbm>> -> memref<32x32xf32, #tpu.memory_space<hbm>>
    tpu.wait_dma2 semaphore(%arg15 : memref<!tpu.dma_semaphore, #tpu.memory_space<semaphore_mem>>) src(%dma_wait3A_90 : memref<32x32xf32, #tpu.memory_space<hbm>>) dst(%dma_wait3A_87 : memref<32x32xf32, #tpu.memory_space<vmem>>)
    %dma_wait3A_91 = arith.constant 0 : i32
    %dma_wait3A_92 = arith.constant 0 : i32
    %dma_wait3A_93 = tpu.memref_slice %arg11[%dma_wait3A_91, %dma_wait3A_92] : memref<256x32xf32, #tpu.memory_space<vmem>> -> memref<32x32xf32, #tpu.memory_space<vmem>>
    %dma_wait3A_94 = arith.constant 0 : i32
    %dma_wait3A_95 = arith.constant 0 : i32
    %dma_wait3A_96 = tpu.memref_slice %arg5[%dma_wait3A_94, %dma_wait3A_95] : memref<1000000x32xf32, #tpu.memory_space<hbm>> -> memref<32x32xf32, #tpu.memory_space<hbm>>
    %dma_wait3A_97 = arith.constant 0 : i32
    %dma_wait3A_98 = arith.constant 0 : i32
    %dma_wait3A_99 = tpu.memref_slice %arg11[%dma_wait3A_97, %dma_wait3A_98] : memref<256x32xf32, #tpu.memory_space<vmem>> -> memref<32x32xf32, #tpu.memory_space<vmem>>
    %dma_wait3A_100 = arith.constant 0 : i32
    %dma_wait3A_101 = arith.constant 0 : i32
    %dma_wait3A_102 = tpu.memref_slice %arg5[%dma_wait3A_100, %dma_wait3A_101] : memref<1000000x32xf32, #tpu.memory_space<hbm>> -> memref<32x32xf32, #tpu.memory_space<hbm>>
    tpu.wait_dma2 semaphore(%arg23 : memref<!tpu.dma_semaphore, #tpu.memory_space<semaphore_mem>>) src(%dma_wait3A_102 : memref<32x32xf32, #tpu.memory_space<hbm>>) dst(%dma_wait3A_99 : memref<32x32xf32, #tpu.memory_space<vmem>>)
    %dma_wait3A_103 = arith.constant 0 : i32
    %dma_wait3A_104 = arith.constant 0 : i32
    %dma_wait3A_105 = tpu.memref_slice %arg10[%dma_wait3A_103, %dma_wait3A_104] : memref<256x32xf32, #tpu.memory_space<vmem>> -> memref<32x32xf32, #tpu.memory_space<vmem>>
    %dma_wait3A_106 = arith.constant 0 : i32
    %dma_wait3A_107 = arith.constant 0 : i32
    %dma_wait3A_108 = tpu.memref_slice %arg4[%dma_wait3A_106, %dma_wait3A_107] : memref<1000000x32xf32, #tpu.memory_space<hbm>> -> memref<32x32xf32, #tpu.memory_space<hbm>>
    %dma_wait3A_109 = arith.constant 0 : i32
    %dma_wait3A_110 = arith.constant 0 : i32
    %dma_wait3A_111 = tpu.memref_slice %arg10[%dma_wait3A_109, %dma_wait3A_110] : memref<256x32xf32, #tpu.memory_space<vmem>> -> memref<32x32xf32, #tpu.memory_space<vmem>>
    %dma_wait3A_112 = arith.constant 0 : i32
    %dma_wait3A_113 = arith.constant 0 : i32
    %dma_wait3A_114 = tpu.memref_slice %arg4[%dma_wait3A_112, %dma_wait3A_113] : memref<1000000x32xf32, #tpu.memory_space<hbm>> -> memref<32x32xf32, #tpu.memory_space<hbm>>
    tpu.wait_dma2 semaphore(%arg16 : memref<!tpu.dma_semaphore, #tpu.memory_space<semaphore_mem>>) src(%dma_wait3A_114 : memref<32x32xf32, #tpu.memory_space<hbm>>) dst(%dma_wait3A_111 : memref<32x32xf32, #tpu.memory_space<vmem>>)
    %dma_wait3A_115 = arith.constant 0 : i32
    %dma_wait3A_116 = arith.constant 0 : i32
    %dma_wait3A_117 = tpu.memref_slice %arg11[%dma_wait3A_115, %dma_wait3A_116] : memref<256x32xf32, #tpu.memory_space<vmem>> -> memref<32x32xf32, #tpu.memory_space<vmem>>
    %dma_wait3A_118 = arith.constant 0 : i32
    %dma_wait3A_119 = arith.constant 0 : i32
    %dma_wait3A_120 = tpu.memref_slice %arg5[%dma_wait3A_118, %dma_wait3A_119] : memref<1000000x32xf32, #tpu.memory_space<hbm>> -> memref<32x32xf32, #tpu.memory_space<hbm>>
    %dma_wait3A_121 = arith.constant 0 : i32
    %dma_wait3A_122 = arith.constant 0 : i32
    %dma_wait3A_123 = tpu.memref_slice %arg11[%dma_wait3A_121, %dma_wait3A_122] : memref<256x32xf32, #tpu.memory_space<vmem>> -> memref<32x32xf32, #tpu.memory_space<vmem>>
    %dma_wait3A_124 = arith.constant 0 : i32
    %dma_wait3A_125 = arith.constant 0 : i32
    %dma_wait3A_126 = tpu.memref_slice %arg5[%dma_wait3A_124, %dma_wait3A_125] : memref<1000000x32xf32, #tpu.memory_space<hbm>> -> memref<32x32xf32, #tpu.memory_space<hbm>>
    tpu.wait_dma2 semaphore(%arg24 : memref<!tpu.dma_semaphore, #tpu.memory_space<semaphore_mem>>) src(%dma_wait3A_126 : memref<32x32xf32, #tpu.memory_space<hbm>>) dst(%dma_wait3A_123 : memref<32x32xf32, #tpu.memory_space<vmem>>)
    %dma_wait3A_127 = arith.constant 0 : i32
    %dma_wait3A_128 = arith.constant 0 : i32
    %dma_wait3A_129 = tpu.memref_slice %arg10[%dma_wait3A_127, %dma_wait3A_128] : memref<256x32xf32, #tpu.memory_space<vmem>> -> memref<32x32xf32, #tpu.memory_space<vmem>>
    %dma_wait3A_130 = arith.constant 0 : i32
    %dma_wait3A_131 = arith.constant 0 : i32
    %dma_wait3A_132 = tpu.memref_slice %arg4[%dma_wait3A_130, %dma_wait3A_131] : memref<1000000x32xf32, #tpu.memory_space<hbm>> -> memref<32x32xf32, #tpu.memory_space<hbm>>
    %dma_wait3A_133 = arith.constant 0 : i32
    %dma_wait3A_134 = arith.constant 0 : i32
    %dma_wait3A_135 = tpu.memref_slice %arg10[%dma_wait3A_133, %dma_wait3A_134] : memref<256x32xf32, #tpu.memory_space<vmem>> -> memref<32x32xf32, #tpu.memory_space<vmem>>
    %dma_wait3A_136 = arith.constant 0 : i32
    %dma_wait3A_137 = arith.constant 0 : i32
    %dma_wait3A_138 = tpu.memref_slice %arg4[%dma_wait3A_136, %dma_wait3A_137] : memref<1000000x32xf32, #tpu.memory_space<hbm>> -> memref<32x32xf32, #tpu.memory_space<hbm>>
    tpu.wait_dma2 semaphore(%arg17 : memref<!tpu.dma_semaphore, #tpu.memory_space<semaphore_mem>>) src(%dma_wait3A_138 : memref<32x32xf32, #tpu.memory_space<hbm>>) dst(%dma_wait3A_135 : memref<32x32xf32, #tpu.memory_space<vmem>>)
    %dma_wait3A_139 = arith.constant 0 : i32
    %dma_wait3A_140 = arith.constant 0 : i32
    %dma_wait3A_141 = tpu.memref_slice %arg11[%dma_wait3A_139, %dma_wait3A_140] : memref<256x32xf32, #tpu.memory_space<vmem>> -> memref<32x32xf32, #tpu.memory_space<vmem>>
    %dma_wait3A_142 = arith.constant 0 : i32
    %dma_wait3A_143 = arith.constant 0 : i32
    %dma_wait3A_144 = tpu.memref_slice %arg5[%dma_wait3A_142, %dma_wait3A_143] : memref<1000000x32xf32, #tpu.memory_space<hbm>> -> memref<32x32xf32, #tpu.memory_space<hbm>>
    %dma_wait3A_145 = arith.constant 0 : i32
    %dma_wait3A_146 = arith.constant 0 : i32
    %dma_wait3A_147 = tpu.memref_slice %arg11[%dma_wait3A_145, %dma_wait3A_146] : memref<256x32xf32, #tpu.memory_space<vmem>> -> memref<32x32xf32, #tpu.memory_space<vmem>>
    %dma_wait3A_148 = arith.constant 0 : i32
    %dma_wait3A_149 = arith.constant 0 : i32
    %dma_wait3A_150 = tpu.memref_slice %arg5[%dma_wait3A_148, %dma_wait3A_149] : memref<1000000x32xf32, #tpu.memory_space<hbm>> -> memref<32x32xf32, #tpu.memory_space<hbm>>
    tpu.wait_dma2 semaphore(%arg25 : memref<!tpu.dma_semaphore, #tpu.memory_space<semaphore_mem>>) src(%dma_wait3A_150 : memref<32x32xf32, #tpu.memory_space<hbm>>) dst(%dma_wait3A_147 : memref<32x32xf32, #tpu.memory_space<vmem>>)
    %dma_wait3A_151 = arith.constant 0 : i32
    %dma_wait3A_152 = arith.constant 0 : i32
    %dma_wait3A_153 = tpu.memref_slice %arg10[%dma_wait3A_151, %dma_wait3A_152] : memref<256x32xf32, #tpu.memory_space<vmem>> -> memref<32x32xf32, #tpu.memory_space<vmem>>
    %dma_wait3A_154 = arith.constant 0 : i32
    %dma_wait3A_155 = arith.constant 0 : i32
    %dma_wait3A_156 = tpu.memref_slice %arg4[%dma_wait3A_154, %dma_wait3A_155] : memref<1000000x32xf32, #tpu.memory_space<hbm>> -> memref<32x32xf32, #tpu.memory_space<hbm>>
    %dma_wait3A_157 = arith.constant 0 : i32
    %dma_wait3A_158 = arith.constant 0 : i32
    %dma_wait3A_159 = tpu.memref_slice %arg10[%dma_wait3A_157, %dma_wait3A_158] : memref<256x32xf32, #tpu.memory_space<vmem>> -> memref<32x32xf32, #tpu.memory_space<vmem>>
    %dma_wait3A_160 = arith.constant 0 : i32
    %dma_wait3A_161 = arith.constant 0 : i32
    %dma_wait3A_162 = tpu.memref_slice %arg4[%dma_wait3A_160, %dma_wait3A_161] : memref<1000000x32xf32, #tpu.memory_space<hbm>> -> memref<32x32xf32, #tpu.memory_space<hbm>>
    tpu.wait_dma2 semaphore(%arg18 : memref<!tpu.dma_semaphore, #tpu.memory_space<semaphore_mem>>) src(%dma_wait3A_162 : memref<32x32xf32, #tpu.memory_space<hbm>>) dst(%dma_wait3A_159 : memref<32x32xf32, #tpu.memory_space<vmem>>)
    %dma_wait3A_163 = arith.constant 0 : i32
    %dma_wait3A_164 = arith.constant 0 : i32
    %dma_wait3A_165 = tpu.memref_slice %arg11[%dma_wait3A_163, %dma_wait3A_164] : memref<256x32xf32, #tpu.memory_space<vmem>> -> memref<32x32xf32, #tpu.memory_space<vmem>>
    %dma_wait3A_166 = arith.constant 0 : i32
    %dma_wait3A_167 = arith.constant 0 : i32
    %dma_wait3A_168 = tpu.memref_slice %arg5[%dma_wait3A_166, %dma_wait3A_167] : memref<1000000x32xf32, #tpu.memory_space<hbm>> -> memref<32x32xf32, #tpu.memory_space<hbm>>
    %dma_wait3A_169 = arith.constant 0 : i32
    %dma_wait3A_170 = arith.constant 0 : i32
    %dma_wait3A_171 = tpu.memref_slice %arg11[%dma_wait3A_169, %dma_wait3A_170] : memref<256x32xf32, #tpu.memory_space<vmem>> -> memref<32x32xf32, #tpu.memory_space<vmem>>
    %dma_wait3A_172 = arith.constant 0 : i32
    %dma_wait3A_173 = arith.constant 0 : i32
    %dma_wait3A_174 = tpu.memref_slice %arg5[%dma_wait3A_172, %dma_wait3A_173] : memref<1000000x32xf32, #tpu.memory_space<hbm>> -> memref<32x32xf32, #tpu.memory_space<hbm>>
    tpu.wait_dma2 semaphore(%arg26 : memref<!tpu.dma_semaphore, #tpu.memory_space<semaphore_mem>>) src(%dma_wait3A_174 : memref<32x32xf32, #tpu.memory_space<hbm>>) dst(%dma_wait3A_171 : memref<32x32xf32, #tpu.memory_space<vmem>>)
    %dma_wait3A_175 = arith.constant 0 : i32
    %dma_wait3A_176 = arith.constant 0 : i32
    %dma_wait3A_177 = tpu.memref_slice %arg10[%dma_wait3A_175, %dma_wait3A_176] : memref<256x32xf32, #tpu.memory_space<vmem>> -> memref<32x32xf32, #tpu.memory_space<vmem>>
    %dma_wait3A_178 = arith.constant 0 : i32
    %dma_wait3A_179 = arith.constant 0 : i32
    %dma_wait3A_180 = tpu.memref_slice %arg4[%dma_wait3A_178, %dma_wait3A_179] : memref<1000000x32xf32, #tpu.memory_space<hbm>> -> memref<32x32xf32, #tpu.memory_space<hbm>>
    %dma_wait3A_181 = arith.constant 0 : i32
    %dma_wait3A_182 = arith.constant 0 : i32
    %dma_wait3A_183 = tpu.memref_slice %arg10[%dma_wait3A_181, %dma_wait3A_182] : memref<256x32xf32, #tpu.memory_space<vmem>> -> memref<32x32xf32, #tpu.memory_space<vmem>>
    %dma_wait3A_184 = arith.constant 0 : i32
    %dma_wait3A_185 = arith.constant 0 : i32
    %dma_wait3A_186 = tpu.memref_slice %arg4[%dma_wait3A_184, %dma_wait3A_185] : memref<1000000x32xf32, #tpu.memory_space<hbm>> -> memref<32x32xf32, #tpu.memory_space<hbm>>
    tpu.wait_dma2 semaphore(%arg19 : memref<!tpu.dma_semaphore, #tpu.memory_space<semaphore_mem>>) src(%dma_wait3A_186 : memref<32x32xf32, #tpu.memory_space<hbm>>) dst(%dma_wait3A_183 : memref<32x32xf32, #tpu.memory_space<vmem>>)
    %dma_wait3A_187 = arith.constant 0 : i32
    %dma_wait3A_188 = arith.constant 0 : i32
    %dma_wait3A_189 = tpu.memref_slice %arg11[%dma_wait3A_187, %dma_wait3A_188] : memref<256x32xf32, #tpu.memory_space<vmem>> -> memref<32x32xf32, #tpu.memory_space<vmem>>
    %dma_wait3A_190 = arith.constant 0 : i32
    %dma_wait3A_191 = arith.constant 0 : i32
    %dma_wait3A_192 = tpu.memref_slice %arg5[%dma_wait3A_190, %dma_wait3A_191] : memref<1000000x32xf32, #tpu.memory_space<hbm>> -> memref<32x32xf32, #tpu.memory_space<hbm>>
    %dma_wait3A_193 = arith.constant 0 : i32
    %dma_wait3A_194 = arith.constant 0 : i32
    %dma_wait3A_195 = tpu.memref_slice %arg11[%dma_wait3A_193, %dma_wait3A_194] : memref<256x32xf32, #tpu.memory_space<vmem>> -> memref<32x32xf32, #tpu.memory_space<vmem>>
    %dma_wait3A_196 = arith.constant 0 : i32
    %dma_wait3A_197 = arith.constant 0 : i32
    %dma_wait3A_198 = tpu.memref_slice %arg5[%dma_wait3A_196, %dma_wait3A_197] : memref<1000000x32xf32, #tpu.memory_space<hbm>> -> memref<32x32xf32, #tpu.memory_space<hbm>>
    tpu.wait_dma2 semaphore(%arg27 : memref<!tpu.dma_semaphore, #tpu.memory_space<semaphore_mem>>) src(%dma_wait3A_198 : memref<32x32xf32, #tpu.memory_space<hbm>>) dst(%dma_wait3A_195 : memref<32x32xf32, #tpu.memory_space<vmem>>)
    %add3A_199 = arith.constant 0 : i32
    %add3A_200 = arith.addi %mul3A_2, %add3A_199 : i32
    "tpu.region"() ({
      %run_scoped3A = tpu.sem_alloc : memref<!tpu.dma_semaphore, #tpu.memory_space<semaphore_mem>>
      %dma_start3A = arith.constant 0 : i32
      %dma_start3A_405 = tpu.memref_slice %arg6[%add3A_200, %dma_start3A] : memref<16384x32xf32, #tpu.memory_space<hbm>> -> memref<256x32xf32, #tpu.memory_space<hbm>>
      %dma_start3A_406 = arith.constant 0 : i32
      %dma_start3A_407 = tpu.memref_slice %arg6[%add3A_200, %dma_start3A_406] : memref<16384x32xf32, #tpu.memory_space<hbm>> -> memref<256x32xf32, #tpu.memory_space<hbm>>
      tpu.enqueue_dma source(%arg10 : memref<256x32xf32, #tpu.memory_space<vmem>>) target(%dma_start3A_407 : memref<256x32xf32, #tpu.memory_space<hbm>>) target_semaphore(%run_scoped3A : memref<!tpu.dma_semaphore, #tpu.memory_space<semaphore_mem>>)
      %dma_wait3A_408 = arith.constant 0 : i32
      %dma_wait3A_409 = tpu.memref_slice %arg6[%add3A_200, %dma_wait3A_408] : memref<16384x32xf32, #tpu.memory_space<hbm>> -> memref<256x32xf32, #tpu.memory_space<hbm>>
      %dma_wait3A_410 = arith.constant 0 : i32
      %dma_wait3A_411 = tpu.memref_slice %arg6[%add3A_200, %dma_wait3A_410] : memref<16384x32xf32, #tpu.memory_space<hbm>> -> memref<256x32xf32, #tpu.memory_space<hbm>>
      tpu.wait_dma2 semaphore(%run_scoped3A : memref<!tpu.dma_semaphore, #tpu.memory_space<semaphore_mem>>) src(%arg10 : memref<256x32xf32, #tpu.memory_space<vmem>>) dst(%dma_wait3A_411 : memref<256x32xf32, #tpu.memory_space<hbm>>)
      tpu.yield
    }) : () -> ()
    %add3A_201 = arith.constant 0 : i32
    %add3A_202 = arith.addi %mul3A_2, %add3A_201 : i32
    "tpu.region"() ({
      %run_scoped3A = tpu.sem_alloc : memref<!tpu.dma_semaphore, #tpu.memory_space<semaphore_mem>>
      %dma_start3A = arith.constant 0 : i32
      %dma_start3A_405 = tpu.memref_slice %arg7[%add3A_202, %dma_start3A] : memref<16384x32xf32, #tpu.memory_space<hbm>> -> memref<256x32xf32, #tpu.memory_space<hbm>>
      %dma_start3A_406 = arith.constant 0 : i32
      %dma_start3A_407 = tpu.memref_slice %arg7[%add3A_202, %dma_start3A_406] : memref<16384x32xf32, #tpu.memory_space<hbm>> -> memref<256x32xf32, #tpu.memory_space<hbm>>
      tpu.enqueue_dma source(%arg11 : memref<256x32xf32, #tpu.memory_space<vmem>>) target(%dma_start3A_407 : memref<256x32xf32, #tpu.memory_space<hbm>>) target_semaphore(%run_scoped3A : memref<!tpu.dma_semaphore, #tpu.memory_space<semaphore_mem>>)
      %dma_wait3A_408 = arith.constant 0 : i32
      %dma_wait3A_409 = tpu.memref_slice %arg7[%add3A_202, %dma_wait3A_408] : memref<16384x32xf32, #tpu.memory_space<hbm>> -> memref<256x32xf32, #tpu.memory_space<hbm>>
      %dma_wait3A_410 = arith.constant 0 : i32
      %dma_wait3A_411 = tpu.memref_slice %arg7[%add3A_202, %dma_wait3A_410] : memref<16384x32xf32, #tpu.memory_space<hbm>> -> memref<256x32xf32, #tpu.memory_space<hbm>>
      tpu.wait_dma2 semaphore(%run_scoped3A : memref<!tpu.dma_semaphore, #tpu.memory_space<semaphore_mem>>) src(%arg11 : memref<256x32xf32, #tpu.memory_space<vmem>>) dst(%dma_wait3A_411 : memref<256x32xf32, #tpu.memory_space<hbm>>)
      tpu.yield
    }) : () -> ()
    %scan3A_203 = arith.constant 0 : i32
    %scan3A_204 = arith.constant 0 : i32
    %scan3A_205 = arith.constant 16 : i32
    %scan3A_206 = arith.addi %scan3A_204, %scan3A_205 : i32
    %scan3A_207 = arith.constant 1 : i32
    scf.for %scan3A_405 = %scan3A_204 to %scan3A_206 step %scan3A_207  : i32 {
      %mul3A_406 = arith.constant 16 : i32
      %mul3A_407 = arith.muli %scan3A_405, %mul3A_406 : i32
      %add3A_408 = arith.constant 256 : i32
      %add3A_409 = arith.addi %add3A_408, %mul3A_407 : i32
      %get3A = arith.index_cast %add3A_409 : i32 to index
      %get3A_410 = tpu.vector_load %arg8[%get3A] {strides = array<i32>} : memref<512xi32, #tpu.memory_space<vmem>>, vector<16xi32>,
      %get3A_411 = vector.shape_cast %get3A_410 : vector<16xi32> to vector<16xi32>
      %get3A_412 = arith.index_cast %add3A_409 : i32 to index
      %get3A_413 = tpu.vector_load %arg9[%get3A_412] {strides = array<i32>} : memref<512xi32, #tpu.memory_space<vmem>>, vector<16xi32>,
      %get3A_414 = vector.shape_cast %get3A_413 : vector<16xi32> to vector<16xi32>
      %mul3A_415 = arith.constant 16 : i32
      %mul3A_416 = arith.muli %scan3A_405, %mul3A_415 : i32
      %add3A_417 = arith.constant 0 : i32
      %add3A_418 = arith.addi %mul3A_416, %add3A_417 : i32
      %slice3A = vector.extract_strided_slice %get3A_411 {offsets = [0], sizes = [1], strides = [1]} : vector<16xi32> to vector<1xi32>
      %squeeze3A = vector.extract %slice3A[0] : i32 from vector<1xi32>
      %dma_start3A = arith.constant 0 : i32
      %dma_start3A_419 = tpu.memref_slice %arg10[%add3A_418, %dma_start3A] : memref<256x32xf32, #tpu.memory_space<vmem>> -> memref<1x32xf32, #tpu.memory_space<vmem>>
      %dma_start3A_420 = tpu.memref_squeeze %dma_start3A_419 : memref<1x32xf32, #tpu.memory_space<vmem>> -> memref<32xf32, #tpu.memory_space<vmem>>
      %dma_start3A_421 = arith.constant 0 : i32
      %dma_start3A_422 = tpu.memref_slice %arg4[%squeeze3A, %dma_start3A_421] : memref<1000000x32xf32, #tpu.memory_space<hbm>> -> memref<1x32xf32, #tpu.memory_space<hbm>>
      %dma_start3A_423 = tpu.memref_squeeze %dma_start3A_422 : memref<1x32xf32, #tpu.memory_space<hbm>> -> memref<32xf32, #tpu.memory_space<hbm>>
      %dma_start3A_424 = arith.constant 0 : i32
      %dma_start3A_425 = tpu.memref_slice %arg10[%add3A_418, %dma_start3A_424] : memref<256x32xf32, #tpu.memory_space<vmem>> -> memref<1x32xf32, #tpu.memory_space<vmem>>
      %dma_start3A_426 = tpu.memref_squeeze %dma_start3A_425 : memref<1x32xf32, #tpu.memory_space<vmem>> -> memref<32xf32, #tpu.memory_space<vmem>>
      %dma_start3A_427 = arith.constant 0 : i32
      %dma_start3A_428 = tpu.memref_slice %arg4[%squeeze3A, %dma_start3A_427] : memref<1000000x32xf32, #tpu.memory_space<hbm>> -> memref<1x32xf32, #tpu.memory_space<hbm>>
      %dma_start3A_429 = tpu.memref_squeeze %dma_start3A_428 : memref<1x32xf32, #tpu.memory_space<hbm>> -> memref<32xf32, #tpu.memory_space<hbm>>
      tpu.enqueue_dma source(%dma_start3A_429 : memref<32xf32, #tpu.memory_space<hbm>>) target(%dma_start3A_426 : memref<32xf32, #tpu.memory_space<vmem>>) target_semaphore(%arg12 : memref<!tpu.dma_semaphore, #tpu.memory_space<semaphore_mem>>)
      %slice3A_430 = vector.extract_strided_slice %get3A_414 {offsets = [0], sizes = [1], strides = [1]} : vector<16xi32> to vector<1xi32>
      %squeeze3A_431 = vector.extract %slice3A_430[0] : i32 from vector<1xi32>
      %dma_start3A_432 = arith.constant 0 : i32
      %dma_start3A_433 = tpu.memref_slice %arg11[%add3A_418, %dma_start3A_432] : memref<256x32xf32, #tpu.memory_space<vmem>> -> memref<1x32xf32, #tpu.memory_space<vmem>>
      %dma_start3A_434 = tpu.memref_squeeze %dma_start3A_433 : memref<1x32xf32, #tpu.memory_space<vmem>> -> memref<32xf32, #tpu.memory_space<vmem>>
      %dma_start3A_435 = arith.constant 0 : i32
      %dma_start3A_436 = tpu.memref_slice %arg5[%squeeze3A_431, %dma_start3A_435] : memref<1000000x32xf32, #tpu.memory_space<hbm>> -> memref<1x32xf32, #tpu.memory_space<hbm>>
      %dma_start3A_437 = tpu.memref_squeeze %dma_start3A_436 : memref<1x32xf32, #tpu.memory_space<hbm>> -> memref<32xf32, #tpu.memory_space<hbm>>
      %dma_start3A_438 = arith.constant 0 : i32
      %dma_start3A_439 = tpu.memref_slice %arg11[%add3A_418, %dma_start3A_438] : memref<256x32xf32, #tpu.memory_space<vmem>> -> memref<1x32xf32, #tpu.memory_space<vmem>>
      %dma_start3A_440 = tpu.memref_squeeze %dma_start3A_439 : memref<1x32xf32, #tpu.memory_space<vmem>> -> memref<32xf32, #tpu.memory_space<vmem>>
      %dma_start3A_441 = arith.constant 0 : i32
      %dma_start3A_442 = tpu.memref_slice %arg5[%squeeze3A_431, %dma_start3A_441] : memref<1000000x32xf32, #tpu.memory_space<hbm>> -> memref<1x32xf32, #tpu.memory_space<hbm>>
      %dma_start3A_443 = tpu.memref_squeeze %dma_start3A_442 : memref<1x32xf32, #tpu.memory_space<hbm>> -> memref<32xf32, #tpu.memory_space<hbm>>
      tpu.enqueue_dma source(%dma_start3A_443 : memref<32xf32, #tpu.memory_space<hbm>>) target(%dma_start3A_440 : memref<32xf32, #tpu.memory_space<vmem>>) target_semaphore(%arg20 : memref<!tpu.dma_semaphore, #tpu.memory_space<semaphore_mem>>)
      %mul3A_444 = arith.constant 16 : i32
      %mul3A_445 = arith.muli %scan3A_405, %mul3A_444 : i32
      %add3A_446 = arith.constant 1 : i32
      %add3A_447 = arith.addi %mul3A_445, %add3A_446 : i32
      %slice3A_448 = vector.extract_strided_slice %get3A_411 {offsets = [1], sizes = [1], strides = [1]} : vector<16xi32> to vector<1xi32>
      %squeeze3A_449 = vector.extract %slice3A_448[0] : i32 from vector<1xi32>
      %dma_start3A_450 = arith.constant 0 : i32
      %dma_start3A_451 = tpu.memref_slice %arg10[%add3A_447, %dma_start3A_450] : memref<256x32xf32, #tpu.memory_space<vmem>> -> memref<1x32xf32, #tpu.memory_space<vmem>>
      %dma_start3A_452 = tpu.memref_squeeze %dma_start3A_451 : memref<1x32xf32, #tpu.memory_space<vmem>> -> memref<32xf32, #tpu.memory_space<vmem>>
      %dma_start3A_453 = arith.constant 0 : i32
      %dma_start3A_454 = tpu.memref_slice %arg4[%squeeze3A_449, %dma_start3A_453] : memref<1000000x32xf32, #tpu.memory_space<hbm>> -> memref<1x32xf32, #tpu.memory_space<hbm>>
      %dma_start3A_455 = tpu.memref_squeeze %dma_start3A_454 : memref<1x32xf32, #tpu.memory_space<hbm>> -> memref<32xf32, #tpu.memory_space<hbm>>
      %dma_start3A_456 = arith.constant 0 : i32
      %dma_start3A_457 = tpu.memref_slice %arg10[%add3A_447, %dma_start3A_456] : memref<256x32xf32, #tpu.memory_space<vmem>> -> memref<1x32xf32, #tpu.memory_space<vmem>>
      %dma_start3A_458 = tpu.memref_squeeze %dma_start3A_457 : memref<1x32xf32, #tpu.memory_space<vmem>> -> memref<32xf32, #tpu.memory_space<vmem>>
      %dma_start3A_459 = arith.constant 0 : i32
      %dma_start3A_460 = tpu.memref_slice %arg4[%squeeze3A_449, %dma_start3A_459] : memref<1000000x32xf32, #tpu.memory_space<hbm>> -> memref<1x32xf32, #tpu.memory_space<hbm>>
      %dma_start3A_461 = tpu.memref_squeeze %dma_start3A_460 : memref<1x32xf32, #tpu.memory_space<hbm>> -> memref<32xf32, #tpu.memory_space<hbm>>
      tpu.enqueue_dma source(%dma_start3A_461 : memref<32xf32, #tpu.memory_space<hbm>>) target(%dma_start3A_458 : memref<32xf32, #tpu.memory_space<vmem>>) target_semaphore(%arg13 : memref<!tpu.dma_semaphore, #tpu.memory_space<semaphore_mem>>)
      %slice3A_462 = vector.extract_strided_slice %get3A_414 {offsets = [1], sizes = [1], strides = [1]} : vector<16xi32> to vector<1xi32>
      %squeeze3A_463 = vector.extract %slice3A_462[0] : i32 from vector<1xi32>
      %dma_start3A_464 = arith.constant 0 : i32
      %dma_start3A_465 = tpu.memref_slice %arg11[%add3A_447, %dma_start3A_464] : memref<256x32xf32, #tpu.memory_space<vmem>> -> memref<1x32xf32, #tpu.memory_space<vmem>>
      %dma_start3A_466 = tpu.memref_squeeze %dma_start3A_465 : memref<1x32xf32, #tpu.memory_space<vmem>> -> memref<32xf32, #tpu.memory_space<vmem>>
      %dma_start3A_467 = arith.constant 0 : i32
      %dma_start3A_468 = tpu.memref_slice %arg5[%squeeze3A_463, %dma_start3A_467] : memref<1000000x32xf32, #tpu.memory_space<hbm>> -> memref<1x32xf32, #tpu.memory_space<hbm>>
      %dma_start3A_469 = tpu.memref_squeeze %dma_start3A_468 : memref<1x32xf32, #tpu.memory_space<hbm>> -> memref<32xf32, #tpu.memory_space<hbm>>
      %dma_start3A_470 = arith.constant 0 : i32
      %dma_start3A_471 = tpu.memref_slice %arg11[%add3A_447, %dma_start3A_470] : memref<256x32xf32, #tpu.memory_space<vmem>> -> memref<1x32xf32, #tpu.memory_space<vmem>>
      %dma_start3A_472 = tpu.memref_squeeze %dma_start3A_471 : memref<1x32xf32, #tpu.memory_space<vmem>> -> memref<32xf32, #tpu.memory_space<vmem>>
      %dma_start3A_473 = arith.constant 0 : i32
      %dma_start3A_474 = tpu.memref_slice %arg5[%squeeze3A_463, %dma_start3A_473] : memref<1000000x32xf32, #tpu.memory_space<hbm>> -> memref<1x32xf32, #tpu.memory_space<hbm>>
      %dma_start3A_475 = tpu.memref_squeeze %dma_start3A_474 : memref<1x32xf32, #tpu.memory_space<hbm>> -> memref<32xf32, #tpu.memory_space<hbm>>
      tpu.enqueue_dma source(%dma_start3A_475 : memref<32xf32, #tpu.memory_space<hbm>>) target(%dma_start3A_472 : memref<32xf32, #tpu.memory_space<vmem>>) target_semaphore(%arg21 : memref<!tpu.dma_semaphore, #tpu.memory_space<semaphore_mem>>)
      %mul3A_476 = arith.constant 16 : i32
      %mul3A_477 = arith.muli %scan3A_405, %mul3A_476 : i32
      %add3A_478 = arith.constant 2 : i32
      %add3A_479 = arith.addi %mul3A_477, %add3A_478 : i32
      %slice3A_480 = vector.extract_strided_slice %get3A_411 {offsets = [2], sizes = [1], strides = [1]} : vector<16xi32> to vector<1xi32>
      %squeeze3A_481 = vector.extract %slice3A_480[0] : i32 from vector<1xi32>
      %dma_start3A_482 = arith.constant 0 : i32
      %dma_start3A_483 = tpu.memref_slice %arg10[%add3A_479, %dma_start3A_482] : memref<256x32xf32, #tpu.memory_space<vmem>> -> memref<1x32xf32, #tpu.memory_space<vmem>>
      %dma_start3A_484 = tpu.memref_squeeze %dma_start3A_483 : memref<1x32xf32, #tpu.memory_space<vmem>> -> memref<32xf32, #tpu.memory_space<vmem>>
      %dma_start3A_485 = arith.constant 0 : i32
      %dma_start3A_486 = tpu.memref_slice %arg4[%squeeze3A_481, %dma_start3A_485] : memref<1000000x32xf32, #tpu.memory_space<hbm>> -> memref<1x32xf32, #tpu.memory_space<hbm>>
      %dma_start3A_487 = tpu.memref_squeeze %dma_start3A_486 : memref<1x32xf32, #tpu.memory_space<hbm>> -> memref<32xf32, #tpu.memory_space<hbm>>
      %dma_start3A_488 = arith.constant 0 : i32
      %dma_start3A_489 = tpu.memref_slice %arg10[%add3A_479, %dma_start3A_488] : memref<256x32xf32, #tpu.memory_space<vmem>> -> memref<1x32xf32, #tpu.memory_space<vmem>>
      %dma_start3A_490 = tpu.memref_squeeze %dma_start3A_489 : memref<1x32xf32, #tpu.memory_space<vmem>> -> memref<32xf32, #tpu.memory_space<vmem>>
      %dma_start3A_491 = arith.constant 0 : i32
      %dma_start3A_492 = tpu.memref_slice %arg4[%squeeze3A_481, %dma_start3A_491] : memref<1000000x32xf32, #tpu.memory_space<hbm>> -> memref<1x32xf32, #tpu.memory_space<hbm>>
      %dma_start3A_493 = tpu.memref_squeeze %dma_start3A_492 : memref<1x32xf32, #tpu.memory_space<hbm>> -> memref<32xf32, #tpu.memory_space<hbm>>
      tpu.enqueue_dma source(%dma_start3A_493 : memref<32xf32, #tpu.memory_space<hbm>>) target(%dma_start3A_490 : memref<32xf32, #tpu.memory_space<vmem>>) target_semaphore(%arg14 : memref<!tpu.dma_semaphore, #tpu.memory_space<semaphore_mem>>)
      %slice3A_494 = vector.extract_strided_slice %get3A_414 {offsets = [2], sizes = [1], strides = [1]} : vector<16xi32> to vector<1xi32>
      %squeeze3A_495 = vector.extract %slice3A_494[0] : i32 from vector<1xi32>
      %dma_start3A_496 = arith.constant 0 : i32
      %dma_start3A_497 = tpu.memref_slice %arg11[%add3A_479, %dma_start3A_496] : memref<256x32xf32, #tpu.memory_space<vmem>> -> memref<1x32xf32, #tpu.memory_space<vmem>>
      %dma_start3A_498 = tpu.memref_squeeze %dma_start3A_497 : memref<1x32xf32, #tpu.memory_space<vmem>> -> memref<32xf32, #tpu.memory_space<vmem>>
      %dma_start3A_499 = arith.constant 0 : i32
      %dma_start3A_500 = tpu.memref_slice %arg5[%squeeze3A_495, %dma_start3A_499] : memref<1000000x32xf32, #tpu.memory_space<hbm>> -> memref<1x32xf32, #tpu.memory_space<hbm>>
      %dma_start3A_501 = tpu.memref_squeeze %dma_start3A_500 : memref<1x32xf32, #tpu.memory_space<hbm>> -> memref<32xf32, #tpu.memory_space<hbm>>
      %dma_start3A_502 = arith.constant 0 : i32
      %dma_start3A_503 = tpu.memref_slice %arg11[%add3A_479, %dma_start3A_502] : memref<256x32xf32, #tpu.memory_space<vmem>> -> memref<1x32xf32, #tpu.memory_space<vmem>>
      %dma_start3A_504 = tpu.memref_squeeze %dma_start3A_503 : memref<1x32xf32, #tpu.memory_space<vmem>> -> memref<32xf32, #tpu.memory_space<vmem>>
      %dma_start3A_505 = arith.constant 0 : i32
      %dma_start3A_506 = tpu.memref_slice %arg5[%squeeze3A_495, %dma_start3A_505] : memref<1000000x32xf32, #tpu.memory_space<hbm>> -> memref<1x32xf32, #tpu.memory_space<hbm>>
      %dma_start3A_507 = tpu.memref_squeeze %dma_start3A_506 : memref<1x32xf32, #tpu.memory_space<hbm>> -> memref<32xf32, #tpu.memory_space<hbm>>
      tpu.enqueue_dma source(%dma_start3A_507 : memref<32xf32, #tpu.memory_space<hbm>>) target(%dma_start3A_504 : memref<32xf32, #tpu.memory_space<vmem>>) target_semaphore(%arg22 : memref<!tpu.dma_semaphore, #tpu.memory_space<semaphore_mem>>)
      %mul3A_508 = arith.constant 16 : i32
      %mul3A_509 = arith.muli %scan3A_405, %mul3A_508 : i32
      %add3A_510 = arith.constant 3 : i32
      %add3A_511 = arith.addi %mul3A_509, %add3A_510 : i32
      %slice3A_512 = vector.extract_strided_slice %get3A_411 {offsets = [3], sizes = [1], strides = [1]} : vector<16xi32> to vector<1xi32>
      %squeeze3A_513 = vector.extract %slice3A_512[0] : i32 from vector<1xi32>
      %dma_start3A_514 = arith.constant 0 : i32
      %dma_start3A_515 = tpu.memref_slice %arg10[%add3A_511, %dma_start3A_514] : memref<256x32xf32, #tpu.memory_space<vmem>> -> memref<1x32xf32, #tpu.memory_space<vmem>>
      %dma_start3A_516 = tpu.memref_squeeze %dma_start3A_515 : memref<1x32xf32, #tpu.memory_space<vmem>> -> memref<32xf32, #tpu.memory_space<vmem>>
      %dma_start3A_517 = arith.constant 0 : i32
      %dma_start3A_518 = tpu.memref_slice %arg4[%squeeze3A_513, %dma_start3A_517] : memref<1000000x32xf32, #tpu.memory_space<hbm>> -> memref<1x32xf32, #tpu.memory_space<hbm>>
      %dma_start3A_519 = tpu.memref_squeeze %dma_start3A_518 : memref<1x32xf32, #tpu.memory_space<hbm>> -> memref<32xf32, #tpu.memory_space<hbm>>
      %dma_start3A_520 = arith.constant 0 : i32
      %dma_start3A_521 = tpu.memref_slice %arg10[%add3A_511, %dma_start3A_520] : memref<256x32xf32, #tpu.memory_space<vmem>> -> memref<1x32xf32, #tpu.memory_space<vmem>>
      %dma_start3A_522 = tpu.memref_squeeze %dma_start3A_521 : memref<1x32xf32, #tpu.memory_space<vmem>> -> memref<32xf32, #tpu.memory_space<vmem>>
      %dma_start3A_523 = arith.constant 0 : i32
      %dma_start3A_524 = tpu.memref_slice %arg4[%squeeze3A_513, %dma_start3A_523] : memref<1000000x32xf32, #tpu.memory_space<hbm>> -> memref<1x32xf32, #tpu.memory_space<hbm>>
      %dma_start3A_525 = tpu.memref_squeeze %dma_start3A_524 : memref<1x32xf32, #tpu.memory_space<hbm>> -> memref<32xf32, #tpu.memory_space<hbm>>
      tpu.enqueue_dma source(%dma_start3A_525 : memref<32xf32, #tpu.memory_space<hbm>>) target(%dma_start3A_522 : memref<32xf32, #tpu.memory_space<vmem>>) target_semaphore(%arg15 : memref<!tpu.dma_semaphore, #tpu.memory_space<semaphore_mem>>)
      %slice3A_526 = vector.extract_strided_slice %get3A_414 {offsets = [3], sizes = [1], strides = [1]} : vector<16xi32> to vector<1xi32>
      %squeeze3A_527 = vector.extract %slice3A_526[0] : i32 from vector<1xi32>
      %dma_start3A_528 = arith.constant 0 : i32
      %dma_start3A_529 = tpu.memref_slice %arg11[%add3A_511, %dma_start3A_528] : memref<256x32xf32, #tpu.memory_space<vmem>> -> memref<1x32xf32, #tpu.memory_space<vmem>>
      %dma_start3A_530 = tpu.memref_squeeze %dma_start3A_529 : memref<1x32xf32, #tpu.memory_space<vmem>> -> memref<32xf32, #tpu.memory_space<vmem>>
      %dma_start3A_531 = arith.constant 0 : i32
      %dma_start3A_532 = tpu.memref_slice %arg5[%squeeze3A_527, %dma_start3A_531] : memref<1000000x32xf32, #tpu.memory_space<hbm>> -> memref<1x32xf32, #tpu.memory_space<hbm>>
      %dma_start3A_533 = tpu.memref_squeeze %dma_start3A_532 : memref<1x32xf32, #tpu.memory_space<hbm>> -> memref<32xf32, #tpu.memory_space<hbm>>
      %dma_start3A_534 = arith.constant 0 : i32
      %dma_start3A_535 = tpu.memref_slice %arg11[%add3A_511, %dma_start3A_534] : memref<256x32xf32, #tpu.memory_space<vmem>> -> memref<1x32xf32, #tpu.memory_space<vmem>>
      %dma_start3A_536 = tpu.memref_squeeze %dma_start3A_535 : memref<1x32xf32, #tpu.memory_space<vmem>> -> memref<32xf32, #tpu.memory_space<vmem>>
      %dma_start3A_537 = arith.constant 0 : i32
      %dma_start3A_538 = tpu.memref_slice %arg5[%squeeze3A_527, %dma_start3A_537] : memref<1000000x32xf32, #tpu.memory_space<hbm>> -> memref<1x32xf32, #tpu.memory_space<hbm>>
      %dma_start3A_539 = tpu.memref_squeeze %dma_start3A_538 : memref<1x32xf32, #tpu.memory_space<hbm>> -> memref<32xf32, #tpu.memory_space<hbm>>
      tpu.enqueue_dma source(%dma_start3A_539 : memref<32xf32, #tpu.memory_space<hbm>>) target(%dma_start3A_536 : memref<32xf32, #tpu.memory_space<vmem>>) target_semaphore(%arg23 : memref<!tpu.dma_semaphore, #tpu.memory_space<semaphore_mem>>)
      %mul3A_540 = arith.constant 16 : i32
      %mul3A_541 = arith.muli %scan3A_405, %mul3A_540 : i32
      %add3A_542 = arith.constant 4 : i32
      %add3A_543 = arith.addi %mul3A_541, %add3A_542 : i32
      %slice3A_544 = vector.extract_strided_slice %get3A_411 {offsets = [4], sizes = [1], strides = [1]} : vector<16xi32> to vector<1xi32>
      %squeeze3A_545 = vector.extract %slice3A_544[0] : i32 from vector<1xi32>
      %dma_start3A_546 = arith.constant 0 : i32
      %dma_start3A_547 = tpu.memref_slice %arg10[%add3A_543, %dma_start3A_546] : memref<256x32xf32, #tpu.memory_space<vmem>> -> memref<1x32xf32, #tpu.memory_space<vmem>>
      %dma_start3A_548 = tpu.memref_squeeze %dma_start3A_547 : memref<1x32xf32, #tpu.memory_space<vmem>> -> memref<32xf32, #tpu.memory_space<vmem>>
      %dma_start3A_549 = arith.constant 0 : i32
      %dma_start3A_550 = tpu.memref_slice %arg4[%squeeze3A_545, %dma_start3A_549] : memref<1000000x32xf32, #tpu.memory_space<hbm>> -> memref<1x32xf32, #tpu.memory_space<hbm>>
      %dma_start3A_551 = tpu.memref_squeeze %dma_start3A_550 : memref<1x32xf32, #tpu.memory_space<hbm>> -> memref<32xf32, #tpu.memory_space<hbm>>
      %dma_start3A_552 = arith.constant 0 : i32
      %dma_start3A_553 = tpu.memref_slice %arg10[%add3A_543, %dma_start3A_552] : memref<256x32xf32, #tpu.memory_space<vmem>> -> memref<1x32xf32, #tpu.memory_space<vmem>>
      %dma_start3A_554 = tpu.memref_squeeze %dma_start3A_553 : memref<1x32xf32, #tpu.memory_space<vmem>> -> memref<32xf32, #tpu.memory_space<vmem>>
      %dma_start3A_555 = arith.constant 0 : i32
      %dma_start3A_556 = tpu.memref_slice %arg4[%squeeze3A_545, %dma_start3A_555] : memref<1000000x32xf32, #tpu.memory_space<hbm>> -> memref<1x32xf32, #tpu.memory_space<hbm>>
      %dma_start3A_557 = tpu.memref_squeeze %dma_start3A_556 : memref<1x32xf32, #tpu.memory_space<hbm>> -> memref<32xf32, #tpu.memory_space<hbm>>
      tpu.enqueue_dma source(%dma_start3A_557 : memref<32xf32, #tpu.memory_space<hbm>>) target(%dma_start3A_554 : memref<32xf32, #tpu.memory_space<vmem>>) target_semaphore(%arg16 : memref<!tpu.dma_semaphore, #tpu.memory_space<semaphore_mem>>)
      %slice3A_558 = vector.extract_strided_slice %get3A_414 {offsets = [4], sizes = [1], strides = [1]} : vector<16xi32> to vector<1xi32>
      %squeeze3A_559 = vector.extract %slice3A_558[0] : i32 from vector<1xi32>
      %dma_start3A_560 = arith.constant 0 : i32
      %dma_start3A_561 = tpu.memref_slice %arg11[%add3A_543, %dma_start3A_560] : memref<256x32xf32, #tpu.memory_space<vmem>> -> memref<1x32xf32, #tpu.memory_space<vmem>>
      %dma_start3A_562 = tpu.memref_squeeze %dma_start3A_561 : memref<1x32xf32, #tpu.memory_space<vmem>> -> memref<32xf32, #tpu.memory_space<vmem>>
      %dma_start3A_563 = arith.constant 0 : i32
      %dma_start3A_564 = tpu.memref_slice %arg5[%squeeze3A_559, %dma_start3A_563] : memref<1000000x32xf32, #tpu.memory_space<hbm>> -> memref<1x32xf32, #tpu.memory_space<hbm>>
      %dma_start3A_565 = tpu.memref_squeeze %dma_start3A_564 : memref<1x32xf32, #tpu.memory_space<hbm>> -> memref<32xf32, #tpu.memory_space<hbm>>
      %dma_start3A_566 = arith.constant 0 : i32
      %dma_start3A_567 = tpu.memref_slice %arg11[%add3A_543, %dma_start3A_566] : memref<256x32xf32, #tpu.memory_space<vmem>> -> memref<1x32xf32, #tpu.memory_space<vmem>>
      %dma_start3A_568 = tpu.memref_squeeze %dma_start3A_567 : memref<1x32xf32, #tpu.memory_space<vmem>> -> memref<32xf32, #tpu.memory_space<vmem>>
      %dma_start3A_569 = arith.constant 0 : i32
      %dma_start3A_570 = tpu.memref_slice %arg5[%squeeze3A_559, %dma_start3A_569] : memref<1000000x32xf32, #tpu.memory_space<hbm>> -> memref<1x32xf32, #tpu.memory_space<hbm>>
      %dma_start3A_571 = tpu.memref_squeeze %dma_start3A_570 : memref<1x32xf32, #tpu.memory_space<hbm>> -> memref<32xf32, #tpu.memory_space<hbm>>
      tpu.enqueue_dma source(%dma_start3A_571 : memref<32xf32, #tpu.memory_space<hbm>>) target(%dma_start3A_568 : memref<32xf32, #tpu.memory_space<vmem>>) target_semaphore(%arg24 : memref<!tpu.dma_semaphore, #tpu.memory_space<semaphore_mem>>)
      %mul3A_572 = arith.constant 16 : i32
      %mul3A_573 = arith.muli %scan3A_405, %mul3A_572 : i32
      %add3A_574 = arith.constant 5 : i32
      %add3A_575 = arith.addi %mul3A_573, %add3A_574 : i32
      %slice3A_576 = vector.extract_strided_slice %get3A_411 {offsets = [5], sizes = [1], strides = [1]} : vector<16xi32> to vector<1xi32>
      %squeeze3A_577 = vector.extract %slice3A_576[0] : i32 from vector<1xi32>
      %dma_start3A_578 = arith.constant 0 : i32
      %dma_start3A_579 = tpu.memref_slice %arg10[%add3A_575, %dma_start3A_578] : memref<256x32xf32, #tpu.memory_space<vmem>> -> memref<1x32xf32, #tpu.memory_space<vmem>>
      %dma_start3A_580 = tpu.memref_squeeze %dma_start3A_579 : memref<1x32xf32, #tpu.memory_space<vmem>> -> memref<32xf32, #tpu.memory_space<vmem>>
      %dma_start3A_581 = arith.constant 0 : i32
      %dma_start3A_582 = tpu.memref_slice %arg4[%squeeze3A_577, %dma_start3A_581] : memref<1000000x32xf32, #tpu.memory_space<hbm>> -> memref<1x32xf32, #tpu.memory_space<hbm>>
      %dma_start3A_583 = tpu.memref_squeeze %dma_start3A_582 : memref<1x32xf32, #tpu.memory_space<hbm>> -> memref<32xf32, #tpu.memory_space<hbm>>
      %dma_start3A_584 = arith.constant 0 : i32
      %dma_start3A_585 = tpu.memref_slice %arg10[%add3A_575, %dma_start3A_584] : memref<256x32xf32, #tpu.memory_space<vmem>> -> memref<1x32xf32, #tpu.memory_space<vmem>>
      %dma_start3A_586 = tpu.memref_squeeze %dma_start3A_585 : memref<1x32xf32, #tpu.memory_space<vmem>> -> memref<32xf32, #tpu.memory_space<vmem>>
      %dma_start3A_587 = arith.constant 0 : i32
      %dma_start3A_588 = tpu.memref_slice %arg4[%squeeze3A_577, %dma_start3A_587] : memref<1000000x32xf32, #tpu.memory_space<hbm>> -> memref<1x32xf32, #tpu.memory_space<hbm>>
      %dma_start3A_589 = tpu.memref_squeeze %dma_start3A_588 : memref<1x32xf32, #tpu.memory_space<hbm>> -> memref<32xf32, #tpu.memory_space<hbm>>
      tpu.enqueue_dma source(%dma_start3A_589 : memref<32xf32, #tpu.memory_space<hbm>>) target(%dma_start3A_586 : memref<32xf32, #tpu.memory_space<vmem>>) target_semaphore(%arg17 : memref<!tpu.dma_semaphore, #tpu.memory_space<semaphore_mem>>)
      %slice3A_590 = vector.extract_strided_slice %get3A_414 {offsets = [5], sizes = [1], strides = [1]} : vector<16xi32> to vector<1xi32>
      %squeeze3A_591 = vector.extract %slice3A_590[0] : i32 from vector<1xi32>
      %dma_start3A_592 = arith.constant 0 : i32
      %dma_start3A_593 = tpu.memref_slice %arg11[%add3A_575, %dma_start3A_592] : memref<256x32xf32, #tpu.memory_space<vmem>> -> memref<1x32xf32, #tpu.memory_space<vmem>>
      %dma_start3A_594 = tpu.memref_squeeze %dma_start3A_593 : memref<1x32xf32, #tpu.memory_space<vmem>> -> memref<32xf32, #tpu.memory_space<vmem>>
      %dma_start3A_595 = arith.constant 0 : i32
      %dma_start3A_596 = tpu.memref_slice %arg5[%squeeze3A_591, %dma_start3A_595] : memref<1000000x32xf32, #tpu.memory_space<hbm>> -> memref<1x32xf32, #tpu.memory_space<hbm>>
      %dma_start3A_597 = tpu.memref_squeeze %dma_start3A_596 : memref<1x32xf32, #tpu.memory_space<hbm>> -> memref<32xf32, #tpu.memory_space<hbm>>
      %dma_start3A_598 = arith.constant 0 : i32
      %dma_start3A_599 = tpu.memref_slice %arg11[%add3A_575, %dma_start3A_598] : memref<256x32xf32, #tpu.memory_space<vmem>> -> memref<1x32xf32, #tpu.memory_space<vmem>>
      %dma_start3A_600 = tpu.memref_squeeze %dma_start3A_599 : memref<1x32xf32, #tpu.memory_space<vmem>> -> memref<32xf32, #tpu.memory_space<vmem>>
      %dma_start3A_601 = arith.constant 0 : i32
      %dma_start3A_602 = tpu.memref_slice %arg5[%squeeze3A_591, %dma_start3A_601] : memref<1000000x32xf32, #tpu.memory_space<hbm>> -> memref<1x32xf32, #tpu.memory_space<hbm>>
      %dma_start3A_603 = tpu.memref_squeeze %dma_start3A_602 : memref<1x32xf32, #tpu.memory_space<hbm>> -> memref<32xf32, #tpu.memory_space<hbm>>
      tpu.enqueue_dma source(%dma_start3A_603 : memref<32xf32, #tpu.memory_space<hbm>>) target(%dma_start3A_600 : memref<32xf32, #tpu.memory_space<vmem>>) target_semaphore(%arg25 : memref<!tpu.dma_semaphore, #tpu.memory_space<semaphore_mem>>)
      %mul3A_604 = arith.constant 16 : i32
      %mul3A_605 = arith.muli %scan3A_405, %mul3A_604 : i32
      %add3A_606 = arith.constant 6 : i32
      %add3A_607 = arith.addi %mul3A_605, %add3A_606 : i32
      %slice3A_608 = vector.extract_strided_slice %get3A_411 {offsets = [6], sizes = [1], strides = [1]} : vector<16xi32> to vector<1xi32>
      %squeeze3A_609 = vector.extract %slice3A_608[0] : i32 from vector<1xi32>
      %dma_start3A_610 = arith.constant 0 : i32
      %dma_start3A_611 = tpu.memref_slice %arg10[%add3A_607, %dma_start3A_610] : memref<256x32xf32, #tpu.memory_space<vmem>> -> memref<1x32xf32, #tpu.memory_space<vmem>>
      %dma_start3A_612 = tpu.memref_squeeze %dma_start3A_611 : memref<1x32xf32, #tpu.memory_space<vmem>> -> memref<32xf32, #tpu.memory_space<vmem>>
      %dma_start3A_613 = arith.constant 0 : i32
      %dma_start3A_614 = tpu.memref_slice %arg4[%squeeze3A_609, %dma_start3A_613] : memref<1000000x32xf32, #tpu.memory_space<hbm>> -> memref<1x32xf32, #tpu.memory_space<hbm>>
      %dma_start3A_615 = tpu.memref_squeeze %dma_start3A_614 : memref<1x32xf32, #tpu.memory_space<hbm>> -> memref<32xf32, #tpu.memory_space<hbm>>
      %dma_start3A_616 = arith.constant 0 : i32
      %dma_start3A_617 = tpu.memref_slice %arg10[%add3A_607, %dma_start3A_616] : memref<256x32xf32, #tpu.memory_space<vmem>> -> memref<1x32xf32, #tpu.memory_space<vmem>>
      %dma_start3A_618 = tpu.memref_squeeze %dma_start3A_617 : memref<1x32xf32, #tpu.memory_space<vmem>> -> memref<32xf32, #tpu.memory_space<vmem>>
      %dma_start3A_619 = arith.constant 0 : i32
      %dma_start3A_620 = tpu.memref_slice %arg4[%squeeze3A_609, %dma_start3A_619] : memref<1000000x32xf32, #tpu.memory_space<hbm>> -> memref<1x32xf32, #tpu.memory_space<hbm>>
      %dma_start3A_621 = tpu.memref_squeeze %dma_start3A_620 : memref<1x32xf32, #tpu.memory_space<hbm>> -> memref<32xf32, #tpu.memory_space<hbm>>
      tpu.enqueue_dma source(%dma_start3A_621 : memref<32xf32, #tpu.memory_space<hbm>>) target(%dma_start3A_618 : memref<32xf32, #tpu.memory_space<vmem>>) target_semaphore(%arg18 : memref<!tpu.dma_semaphore, #tpu.memory_space<semaphore_mem>>)
      %slice3A_622 = vector.extract_strided_slice %get3A_414 {offsets = [6], sizes = [1], strides = [1]} : vector<16xi32> to vector<1xi32>
      %squeeze3A_623 = vector.extract %slice3A_622[0] : i32 from vector<1xi32>
      %dma_start3A_624 = arith.constant 0 : i32
      %dma_start3A_625 = tpu.memref_slice %arg11[%add3A_607, %dma_start3A_624] : memref<256x32xf32, #tpu.memory_space<vmem>> -> memref<1x32xf32, #tpu.memory_space<vmem>>
      %dma_start3A_626 = tpu.memref_squeeze %dma_start3A_625 : memref<1x32xf32, #tpu.memory_space<vmem>> -> memref<32xf32, #tpu.memory_space<vmem>>
      %dma_start3A_627 = arith.constant 0 : i32
      %dma_start3A_628 = tpu.memref_slice %arg5[%squeeze3A_623, %dma_start3A_627] : memref<1000000x32xf32, #tpu.memory_space<hbm>> -> memref<1x32xf32, #tpu.memory_space<hbm>>
      %dma_start3A_629 = tpu.memref_squeeze %dma_start3A_628 : memref<1x32xf32, #tpu.memory_space<hbm>> -> memref<32xf32, #tpu.memory_space<hbm>>
      %dma_start3A_630 = arith.constant 0 : i32
      %dma_start3A_631 = tpu.memref_slice %arg11[%add3A_607, %dma_start3A_630] : memref<256x32xf32, #tpu.memory_space<vmem>> -> memref<1x32xf32, #tpu.memory_space<vmem>>
      %dma_start3A_632 = tpu.memref_squeeze %dma_start3A_631 : memref<1x32xf32, #tpu.memory_space<vmem>> -> memref<32xf32, #tpu.memory_space<vmem>>
      %dma_start3A_633 = arith.constant 0 : i32
      %dma_start3A_634 = tpu.memref_slice %arg5[%squeeze3A_623, %dma_start3A_633] : memref<1000000x32xf32, #tpu.memory_space<hbm>> -> memref<1x32xf32, #tpu.memory_space<hbm>>
      %dma_start3A_635 = tpu.memref_squeeze %dma_start3A_634 : memref<1x32xf32, #tpu.memory_space<hbm>> -> memref<32xf32, #tpu.memory_space<hbm>>
      tpu.enqueue_dma source(%dma_start3A_635 : memref<32xf32, #tpu.memory_space<hbm>>) target(%dma_start3A_632 : memref<32xf32, #tpu.memory_space<vmem>>) target_semaphore(%arg26 : memref<!tpu.dma_semaphore, #tpu.memory_space<semaphore_mem>>)
      %mul3A_636 = arith.constant 16 : i32
      %mul3A_637 = arith.muli %scan3A_405, %mul3A_636 : i32
      %add3A_638 = arith.constant 7 : i32
      %add3A_639 = arith.addi %mul3A_637, %add3A_638 : i32
      %slice3A_640 = vector.extract_strided_slice %get3A_411 {offsets = [7], sizes = [1], strides = [1]} : vector<16xi32> to vector<1xi32>
      %squeeze3A_641 = vector.extract %slice3A_640[0] : i32 from vector<1xi32>
      %dma_start3A_642 = arith.constant 0 : i32
      %dma_start3A_643 = tpu.memref_slice %arg10[%add3A_639, %dma_start3A_642] : memref<256x32xf32, #tpu.memory_space<vmem>> -> memref<1x32xf32, #tpu.memory_space<vmem>>
      %dma_start3A_644 = tpu.memref_squeeze %dma_start3A_643 : memref<1x32xf32, #tpu.memory_space<vmem>> -> memref<32xf32, #tpu.memory_space<vmem>>
      %dma_start3A_645 = arith.constant 0 : i32
      %dma_start3A_646 = tpu.memref_slice %arg4[%squeeze3A_641, %dma_start3A_645] : memref<1000000x32xf32, #tpu.memory_space<hbm>> -> memref<1x32xf32, #tpu.memory_space<hbm>>
      %dma_start3A_647 = tpu.memref_squeeze %dma_start3A_646 : memref<1x32xf32, #tpu.memory_space<hbm>> -> memref<32xf32, #tpu.memory_space<hbm>>
      %dma_start3A_648 = arith.constant 0 : i32
      %dma_start3A_649 = tpu.memref_slice %arg10[%add3A_639, %dma_start3A_648] : memref<256x32xf32, #tpu.memory_space<vmem>> -> memref<1x32xf32, #tpu.memory_space<vmem>>
      %dma_start3A_650 = tpu.memref_squeeze %dma_start3A_649 : memref<1x32xf32, #tpu.memory_space<vmem>> -> memref<32xf32, #tpu.memory_space<vmem>>
      %dma_start3A_651 = arith.constant 0 : i32
      %dma_start3A_652 = tpu.memref_slice %arg4[%squeeze3A_641, %dma_start3A_651] : memref<1000000x32xf32, #tpu.memory_space<hbm>> -> memref<1x32xf32, #tpu.memory_space<hbm>>
      %dma_start3A_653 = tpu.memref_squeeze %dma_start3A_652 : memref<1x32xf32, #tpu.memory_space<hbm>> -> memref<32xf32, #tpu.memory_space<hbm>>
      tpu.enqueue_dma source(%dma_start3A_653 : memref<32xf32, #tpu.memory_space<hbm>>) target(%dma_start3A_650 : memref<32xf32, #tpu.memory_space<vmem>>) target_semaphore(%arg19 : memref<!tpu.dma_semaphore, #tpu.memory_space<semaphore_mem>>)
      %slice3A_654 = vector.extract_strided_slice %get3A_414 {offsets = [7], sizes = [1], strides = [1]} : vector<16xi32> to vector<1xi32>
      %squeeze3A_655 = vector.extract %slice3A_654[0] : i32 from vector<1xi32>
      %dma_start3A_656 = arith.constant 0 : i32
      %dma_start3A_657 = tpu.memref_slice %arg11[%add3A_639, %dma_start3A_656] : memref<256x32xf32, #tpu.memory_space<vmem>> -> memref<1x32xf32, #tpu.memory_space<vmem>>
      %dma_start3A_658 = tpu.memref_squeeze %dma_start3A_657 : memref<1x32xf32, #tpu.memory_space<vmem>> -> memref<32xf32, #tpu.memory_space<vmem>>
      %dma_start3A_659 = arith.constant 0 : i32
      %dma_start3A_660 = tpu.memref_slice %arg5[%squeeze3A_655, %dma_start3A_659] : memref<1000000x32xf32, #tpu.memory_space<hbm>> -> memref<1x32xf32, #tpu.memory_space<hbm>>
      %dma_start3A_661 = tpu.memref_squeeze %dma_start3A_660 : memref<1x32xf32, #tpu.memory_space<hbm>> -> memref<32xf32, #tpu.memory_space<hbm>>
      %dma_start3A_662 = arith.constant 0 : i32
      %dma_start3A_663 = tpu.memref_slice %arg11[%add3A_639, %dma_start3A_662] : memref<256x32xf32, #tpu.memory_space<vmem>> -> memref<1x32xf32, #tpu.memory_space<vmem>>
      %dma_start3A_664 = tpu.memref_squeeze %dma_start3A_663 : memref<1x32xf32, #tpu.memory_space<vmem>> -> memref<32xf32, #tpu.memory_space<vmem>>
      %dma_start3A_665 = arith.constant 0 : i32
      %dma_start3A_666 = tpu.memref_slice %arg5[%squeeze3A_655, %dma_start3A_665] : memref<1000000x32xf32, #tpu.memory_space<hbm>> -> memref<1x32xf32, #tpu.memory_space<hbm>>
      %dma_start3A_667 = tpu.memref_squeeze %dma_start3A_666 : memref<1x32xf32, #tpu.memory_space<hbm>> -> memref<32xf32, #tpu.memory_space<hbm>>
      tpu.enqueue_dma source(%dma_start3A_667 : memref<32xf32, #tpu.memory_space<hbm>>) target(%dma_start3A_664 : memref<32xf32, #tpu.memory_space<vmem>>) target_semaphore(%arg27 : memref<!tpu.dma_semaphore, #tpu.memory_space<semaphore_mem>>)
      %mul3A_668 = arith.constant 16 : i32
      %mul3A_669 = arith.muli %scan3A_405, %mul3A_668 : i32
      %add3A_670 = arith.constant 8 : i32
      %add3A_671 = arith.addi %mul3A_669, %add3A_670 : i32
      %slice3A_672 = vector.extract_strided_slice %get3A_411 {offsets = [8], sizes = [1], strides = [1]} : vector<16xi32> to vector<1xi32>
      %squeeze3A_673 = vector.extract %slice3A_672[0] : i32 from vector<1xi32>
      %dma_start3A_674 = arith.constant 0 : i32
      %dma_start3A_675 = tpu.memref_slice %arg10[%add3A_671, %dma_start3A_674] : memref<256x32xf32, #tpu.memory_space<vmem>> -> memref<1x32xf32, #tpu.memory_space<vmem>>
      %dma_start3A_676 = tpu.memref_squeeze %dma_start3A_675 : memref<1x32xf32, #tpu.memory_space<vmem>> -> memref<32xf32, #tpu.memory_space<vmem>>
      %dma_start3A_677 = arith.constant 0 : i32
      %dma_start3A_678 = tpu.memref_slice %arg4[%squeeze3A_673, %dma_start3A_677] : memref<1000000x32xf32, #tpu.memory_space<hbm>> -> memref<1x32xf32, #tpu.memory_space<hbm>>
      %dma_start3A_679 = tpu.memref_squeeze %dma_start3A_678 : memref<1x32xf32, #tpu.memory_space<hbm>> -> memref<32xf32, #tpu.memory_space<hbm>>
      %dma_start3A_680 = arith.constant 0 : i32
      %dma_start3A_681 = tpu.memref_slice %arg10[%add3A_671, %dma_start3A_680] : memref<256x32xf32, #tpu.memory_space<vmem>> -> memref<1x32xf32, #tpu.memory_space<vmem>>
      %dma_start3A_682 = tpu.memref_squeeze %dma_start3A_681 : memref<1x32xf32, #tpu.memory_space<vmem>> -> memref<32xf32, #tpu.memory_space<vmem>>
      %dma_start3A_683 = arith.constant 0 : i32
      %dma_start3A_684 = tpu.memref_slice %arg4[%squeeze3A_673, %dma_start3A_683] : memref<1000000x32xf32, #tpu.memory_space<hbm>> -> memref<1x32xf32, #tpu.memory_space<hbm>>
      %dma_start3A_685 = tpu.memref_squeeze %dma_start3A_684 : memref<1x32xf32, #tpu.memory_space<hbm>> -> memref<32xf32, #tpu.memory_space<hbm>>
      tpu.enqueue_dma source(%dma_start3A_685 : memref<32xf32, #tpu.memory_space<hbm>>) target(%dma_start3A_682 : memref<32xf32, #tpu.memory_space<vmem>>) target_semaphore(%arg12 : memref<!tpu.dma_semaphore, #tpu.memory_space<semaphore_mem>>)
      %slice3A_686 = vector.extract_strided_slice %get3A_414 {offsets = [8], sizes = [1], strides = [1]} : vector<16xi32> to vector<1xi32>
      %squeeze3A_687 = vector.extract %slice3A_686[0] : i32 from vector<1xi32>
      %dma_start3A_688 = arith.constant 0 : i32
      %dma_start3A_689 = tpu.memref_slice %arg11[%add3A_671, %dma_start3A_688] : memref<256x32xf32, #tpu.memory_space<vmem>> -> memref<1x32xf32, #tpu.memory_space<vmem>>
      %dma_start3A_690 = tpu.memref_squeeze %dma_start3A_689 : memref<1x32xf32, #tpu.memory_space<vmem>> -> memref<32xf32, #tpu.memory_space<vmem>>
      %dma_start3A_691 = arith.constant 0 : i32
      %dma_start3A_692 = tpu.memref_slice %arg5[%squeeze3A_687, %dma_start3A_691] : memref<1000000x32xf32, #tpu.memory_space<hbm>> -> memref<1x32xf32, #tpu.memory_space<hbm>>
      %dma_start3A_693 = tpu.memref_squeeze %dma_start3A_692 : memref<1x32xf32, #tpu.memory_space<hbm>> -> memref<32xf32, #tpu.memory_space<hbm>>
      %dma_start3A_694 = arith.constant 0 : i32
      %dma_start3A_695 = tpu.memref_slice %arg11[%add3A_671, %dma_start3A_694] : memref<256x32xf32, #tpu.memory_space<vmem>> -> memref<1x32xf32, #tpu.memory_space<vmem>>
      %dma_start3A_696 = tpu.memref_squeeze %dma_start3A_695 : memref<1x32xf32, #tpu.memory_space<vmem>> -> memref<32xf32, #tpu.memory_space<vmem>>
      %dma_start3A_697 = arith.constant 0 : i32
      %dma_start3A_698 = tpu.memref_slice %arg5[%squeeze3A_687, %dma_start3A_697] : memref<1000000x32xf32, #tpu.memory_space<hbm>> -> memref<1x32xf32, #tpu.memory_space<hbm>>
      %dma_start3A_699 = tpu.memref_squeeze %dma_start3A_698 : memref<1x32xf32, #tpu.memory_space<hbm>> -> memref<32xf32, #tpu.memory_space<hbm>>
      tpu.enqueue_dma source(%dma_start3A_699 : memref<32xf32, #tpu.memory_space<hbm>>) target(%dma_start3A_696 : memref<32xf32, #tpu.memory_space<vmem>>) target_semaphore(%arg20 : memref<!tpu.dma_semaphore, #tpu.memory_space<semaphore_mem>>)
      %mul3A_700 = arith.constant 16 : i32
      %mul3A_701 = arith.muli %scan3A_405, %mul3A_700 : i32
      %add3A_702 = arith.constant 9 : i32
      %add3A_703 = arith.addi %mul3A_701, %add3A_702 : i32
      %slice3A_704 = vector.extract_strided_slice %get3A_411 {offsets = [9], sizes = [1], strides = [1]} : vector<16xi32> to vector<1xi32>
      %squeeze3A_705 = vector.extract %slice3A_704[0] : i32 from vector<1xi32>
      %dma_start3A_706 = arith.constant 0 : i32
      %dma_start3A_707 = tpu.memref_slice %arg10[%add3A_703, %dma_start3A_706] : memref<256x32xf32, #tpu.memory_space<vmem>> -> memref<1x32xf32, #tpu.memory_space<vmem>>
      %dma_start3A_708 = tpu.memref_squeeze %dma_start3A_707 : memref<1x32xf32, #tpu.memory_space<vmem>> -> memref<32xf32, #tpu.memory_space<vmem>>
      %dma_start3A_709 = arith.constant 0 : i32
      %dma_start3A_710 = tpu.memref_slice %arg4[%squeeze3A_705, %dma_start3A_709] : memref<1000000x32xf32, #tpu.memory_space<hbm>> -> memref<1x32xf32, #tpu.memory_space<hbm>>
      %dma_start3A_711 = tpu.memref_squeeze %dma_start3A_710 : memref<1x32xf32, #tpu.memory_space<hbm>> -> memref<32xf32, #tpu.memory_space<hbm>>
      %dma_start3A_712 = arith.constant 0 : i32
      %dma_start3A_713 = tpu.memref_slice %arg10[%add3A_703, %dma_start3A_712] : memref<256x32xf32, #tpu.memory_space<vmem>> -> memref<1x32xf32, #tpu.memory_space<vmem>>
      %dma_start3A_714 = tpu.memref_squeeze %dma_start3A_713 : memref<1x32xf32, #tpu.memory_space<vmem>> -> memref<32xf32, #tpu.memory_space<vmem>>
      %dma_start3A_715 = arith.constant 0 : i32
      %dma_start3A_716 = tpu.memref_slice %arg4[%squeeze3A_705, %dma_start3A_715] : memref<1000000x32xf32, #tpu.memory_space<hbm>> -> memref<1x32xf32, #tpu.memory_space<hbm>>
      %dma_start3A_717 = tpu.memref_squeeze %dma_start3A_716 : memref<1x32xf32, #tpu.memory_space<hbm>> -> memref<32xf32, #tpu.memory_space<hbm>>
      tpu.enqueue_dma source(%dma_start3A_717 : memref<32xf32, #tpu.memory_space<hbm>>) target(%dma_start3A_714 : memref<32xf32, #tpu.memory_space<vmem>>) target_semaphore(%arg13 : memref<!tpu.dma_semaphore, #tpu.memory_space<semaphore_mem>>)
      %slice3A_718 = vector.extract_strided_slice %get3A_414 {offsets = [9], sizes = [1], strides = [1]} : vector<16xi32> to vector<1xi32>
      %squeeze3A_719 = vector.extract %slice3A_718[0] : i32 from vector<1xi32>
      %dma_start3A_720 = arith.constant 0 : i32
      %dma_start3A_721 = tpu.memref_slice %arg11[%add3A_703, %dma_start3A_720] : memref<256x32xf32, #tpu.memory_space<vmem>> -> memref<1x32xf32, #tpu.memory_space<vmem>>
      %dma_start3A_722 = tpu.memref_squeeze %dma_start3A_721 : memref<1x32xf32, #tpu.memory_space<vmem>> -> memref<32xf32, #tpu.memory_space<vmem>>
      %dma_start3A_723 = arith.constant 0 : i32
      %dma_start3A_724 = tpu.memref_slice %arg5[%squeeze3A_719, %dma_start3A_723] : memref<1000000x32xf32, #tpu.memory_space<hbm>> -> memref<1x32xf32, #tpu.memory_space<hbm>>
      %dma_start3A_725 = tpu.memref_squeeze %dma_start3A_724 : memref<1x32xf32, #tpu.memory_space<hbm>> -> memref<32xf32, #tpu.memory_space<hbm>>
      %dma_start3A_726 = arith.constant 0 : i32
      %dma_start3A_727 = tpu.memref_slice %arg11[%add3A_703, %dma_start3A_726] : memref<256x32xf32, #tpu.memory_space<vmem>> -> memref<1x32xf32, #tpu.memory_space<vmem>>
      %dma_start3A_728 = tpu.memref_squeeze %dma_start3A_727 : memref<1x32xf32, #tpu.memory_space<vmem>> -> memref<32xf32, #tpu.memory_space<vmem>>
      %dma_start3A_729 = arith.constant 0 : i32
      %dma_start3A_730 = tpu.memref_slice %arg5[%squeeze3A_719, %dma_start3A_729] : memref<1000000x32xf32, #tpu.memory_space<hbm>> -> memref<1x32xf32, #tpu.memory_space<hbm>>
      %dma_start3A_731 = tpu.memref_squeeze %dma_start3A_730 : memref<1x32xf32, #tpu.memory_space<hbm>> -> memref<32xf32, #tpu.memory_space<hbm>>
      tpu.enqueue_dma source(%dma_start3A_731 : memref<32xf32, #tpu.memory_space<hbm>>) target(%dma_start3A_728 : memref<32xf32, #tpu.memory_space<vmem>>) target_semaphore(%arg21 : memref<!tpu.dma_semaphore, #tpu.memory_space<semaphore_mem>>)
      %mul3A_732 = arith.constant 16 : i32
      %mul3A_733 = arith.muli %scan3A_405, %mul3A_732 : i32
      %add3A_734 = arith.constant 10 : i32
      %add3A_735 = arith.addi %mul3A_733, %add3A_734 : i32
      %slice3A_736 = vector.extract_strided_slice %get3A_411 {offsets = [10], sizes = [1], strides = [1]} : vector<16xi32> to vector<1xi32>
      %squeeze3A_737 = vector.extract %slice3A_736[0] : i32 from vector<1xi32>
      %dma_start3A_738 = arith.constant 0 : i32
      %dma_start3A_739 = tpu.memref_slice %arg10[%add3A_735, %dma_start3A_738] : memref<256x32xf32, #tpu.memory_space<vmem>> -> memref<1x32xf32, #tpu.memory_space<vmem>>
      %dma_start3A_740 = tpu.memref_squeeze %dma_start3A_739 : memref<1x32xf32, #tpu.memory_space<vmem>> -> memref<32xf32, #tpu.memory_space<vmem>>
      %dma_start3A_741 = arith.constant 0 : i32
      %dma_start3A_742 = tpu.memref_slice %arg4[%squeeze3A_737, %dma_start3A_741] : memref<1000000x32xf32, #tpu.memory_space<hbm>> -> memref<1x32xf32, #tpu.memory_space<hbm>>
      %dma_start3A_743 = tpu.memref_squeeze %dma_start3A_742 : memref<1x32xf32, #tpu.memory_space<hbm>> -> memref<32xf32, #tpu.memory_space<hbm>>
      %dma_start3A_744 = arith.constant 0 : i32
      %dma_start3A_745 = tpu.memref_slice %arg10[%add3A_735, %dma_start3A_744] : memref<256x32xf32, #tpu.memory_space<vmem>> -> memref<1x32xf32, #tpu.memory_space<vmem>>
      %dma_start3A_746 = tpu.memref_squeeze %dma_start3A_745 : memref<1x32xf32, #tpu.memory_space<vmem>> -> memref<32xf32, #tpu.memory_space<vmem>>
      %dma_start3A_747 = arith.constant 0 : i32
      %dma_start3A_748 = tpu.memref_slice %arg4[%squeeze3A_737, %dma_start3A_747] : memref<1000000x32xf32, #tpu.memory_space<hbm>> -> memref<1x32xf32, #tpu.memory_space<hbm>>
      %dma_start3A_749 = tpu.memref_squeeze %dma_start3A_748 : memref<1x32xf32, #tpu.memory_space<hbm>> -> memref<32xf32, #tpu.memory_space<hbm>>
      tpu.enqueue_dma source(%dma_start3A_749 : memref<32xf32, #tpu.memory_space<hbm>>) target(%dma_start3A_746 : memref<32xf32, #tpu.memory_space<vmem>>) target_semaphore(%arg14 : memref<!tpu.dma_semaphore, #tpu.memory_space<semaphore_mem>>)
      %slice3A_750 = vector.extract_strided_slice %get3A_414 {offsets = [10], sizes = [1], strides = [1]} : vector<16xi32> to vector<1xi32>
      %squeeze3A_751 = vector.extract %slice3A_750[0] : i32 from vector<1xi32>
      %dma_start3A_752 = arith.constant 0 : i32
      %dma_start3A_753 = tpu.memref_slice %arg11[%add3A_735, %dma_start3A_752] : memref<256x32xf32, #tpu.memory_space<vmem>> -> memref<1x32xf32, #tpu.memory_space<vmem>>
      %dma_start3A_754 = tpu.memref_squeeze %dma_start3A_753 : memref<1x32xf32, #tpu.memory_space<vmem>> -> memref<32xf32, #tpu.memory_space<vmem>>
      %dma_start3A_755 = arith.constant 0 : i32
      %dma_start3A_756 = tpu.memref_slice %arg5[%squeeze3A_751, %dma_start3A_755] : memref<1000000x32xf32, #tpu.memory_space<hbm>> -> memref<1x32xf32, #tpu.memory_space<hbm>>
      %dma_start3A_757 = tpu.memref_squeeze %dma_start3A_756 : memref<1x32xf32, #tpu.memory_space<hbm>> -> memref<32xf32, #tpu.memory_space<hbm>>
      %dma_start3A_758 = arith.constant 0 : i32
      %dma_start3A_759 = tpu.memref_slice %arg11[%add3A_735, %dma_start3A_758] : memref<256x32xf32, #tpu.memory_space<vmem>> -> memref<1x32xf32, #tpu.memory_space<vmem>>
      %dma_start3A_760 = tpu.memref_squeeze %dma_start3A_759 : memref<1x32xf32, #tpu.memory_space<vmem>> -> memref<32xf32, #tpu.memory_space<vmem>>
      %dma_start3A_761 = arith.constant 0 : i32
      %dma_start3A_762 = tpu.memref_slice %arg5[%squeeze3A_751, %dma_start3A_761] : memref<1000000x32xf32, #tpu.memory_space<hbm>> -> memref<1x32xf32, #tpu.memory_space<hbm>>
      %dma_start3A_763 = tpu.memref_squeeze %dma_start3A_762 : memref<1x32xf32, #tpu.memory_space<hbm>> -> memref<32xf32, #tpu.memory_space<hbm>>
      tpu.enqueue_dma source(%dma_start3A_763 : memref<32xf32, #tpu.memory_space<hbm>>) target(%dma_start3A_760 : memref<32xf32, #tpu.memory_space<vmem>>) target_semaphore(%arg22 : memref<!tpu.dma_semaphore, #tpu.memory_space<semaphore_mem>>)
      %mul3A_764 = arith.constant 16 : i32
      %mul3A_765 = arith.muli %scan3A_405, %mul3A_764 : i32
      %add3A_766 = arith.constant 11 : i32
      %add3A_767 = arith.addi %mul3A_765, %add3A_766 : i32
      %slice3A_768 = vector.extract_strided_slice %get3A_411 {offsets = [11], sizes = [1], strides = [1]} : vector<16xi32> to vector<1xi32>
      %squeeze3A_769 = vector.extract %slice3A_768[0] : i32 from vector<1xi32>
      %dma_start3A_770 = arith.constant 0 : i32
      %dma_start3A_771 = tpu.memref_slice %arg10[%add3A_767, %dma_start3A_770] : memref<256x32xf32, #tpu.memory_space<vmem>> -> memref<1x32xf32, #tpu.memory_space<vmem>>
      %dma_start3A_772 = tpu.memref_squeeze %dma_start3A_771 : memref<1x32xf32, #tpu.memory_space<vmem>> -> memref<32xf32, #tpu.memory_space<vmem>>
      %dma_start3A_773 = arith.constant 0 : i32
      %dma_start3A_774 = tpu.memref_slice %arg4[%squeeze3A_769, %dma_start3A_773] : memref<1000000x32xf32, #tpu.memory_space<hbm>> -> memref<1x32xf32, #tpu.memory_space<hbm>>
      %dma_start3A_775 = tpu.memref_squeeze %dma_start3A_774 : memref<1x32xf32, #tpu.memory_space<hbm>> -> memref<32xf32, #tpu.memory_space<hbm>>
      %dma_start3A_776 = arith.constant 0 : i32
      %dma_start3A_777 = tpu.memref_slice %arg10[%add3A_767, %dma_start3A_776] : memref<256x32xf32, #tpu.memory_space<vmem>> -> memref<1x32xf32, #tpu.memory_space<vmem>>
      %dma_start3A_778 = tpu.memref_squeeze %dma_start3A_777 : memref<1x32xf32, #tpu.memory_space<vmem>> -> memref<32xf32, #tpu.memory_space<vmem>>
      %dma_start3A_779 = arith.constant 0 : i32
      %dma_start3A_780 = tpu.memref_slice %arg4[%squeeze3A_769, %dma_start3A_779] : memref<1000000x32xf32, #tpu.memory_space<hbm>> -> memref<1x32xf32, #tpu.memory_space<hbm>>
      %dma_start3A_781 = tpu.memref_squeeze %dma_start3A_780 : memref<1x32xf32, #tpu.memory_space<hbm>> -> memref<32xf32, #tpu.memory_space<hbm>>
      tpu.enqueue_dma source(%dma_start3A_781 : memref<32xf32, #tpu.memory_space<hbm>>) target(%dma_start3A_778 : memref<32xf32, #tpu.memory_space<vmem>>) target_semaphore(%arg15 : memref<!tpu.dma_semaphore, #tpu.memory_space<semaphore_mem>>)
      %slice3A_782 = vector.extract_strided_slice %get3A_414 {offsets = [11], sizes = [1], strides = [1]} : vector<16xi32> to vector<1xi32>
      %squeeze3A_783 = vector.extract %slice3A_782[0] : i32 from vector<1xi32>
      %dma_start3A_784 = arith.constant 0 : i32
      %dma_start3A_785 = tpu.memref_slice %arg11[%add3A_767, %dma_start3A_784] : memref<256x32xf32, #tpu.memory_space<vmem>> -> memref<1x32xf32, #tpu.memory_space<vmem>>
      %dma_start3A_786 = tpu.memref_squeeze %dma_start3A_785 : memref<1x32xf32, #tpu.memory_space<vmem>> -> memref<32xf32, #tpu.memory_space<vmem>>
      %dma_start3A_787 = arith.constant 0 : i32
      %dma_start3A_788 = tpu.memref_slice %arg5[%squeeze3A_783, %dma_start3A_787] : memref<1000000x32xf32, #tpu.memory_space<hbm>> -> memref<1x32xf32, #tpu.memory_space<hbm>>
      %dma_start3A_789 = tpu.memref_squeeze %dma_start3A_788 : memref<1x32xf32, #tpu.memory_space<hbm>> -> memref<32xf32, #tpu.memory_space<hbm>>
      %dma_start3A_790 = arith.constant 0 : i32
      %dma_start3A_791 = tpu.memref_slice %arg11[%add3A_767, %dma_start3A_790] : memref<256x32xf32, #tpu.memory_space<vmem>> -> memref<1x32xf32, #tpu.memory_space<vmem>>
      %dma_start3A_792 = tpu.memref_squeeze %dma_start3A_791 : memref<1x32xf32, #tpu.memory_space<vmem>> -> memref<32xf32, #tpu.memory_space<vmem>>
      %dma_start3A_793 = arith.constant 0 : i32
      %dma_start3A_794 = tpu.memref_slice %arg5[%squeeze3A_783, %dma_start3A_793] : memref<1000000x32xf32, #tpu.memory_space<hbm>> -> memref<1x32xf32, #tpu.memory_space<hbm>>
      %dma_start3A_795 = tpu.memref_squeeze %dma_start3A_794 : memref<1x32xf32, #tpu.memory_space<hbm>> -> memref<32xf32, #tpu.memory_space<hbm>>
      tpu.enqueue_dma source(%dma_start3A_795 : memref<32xf32, #tpu.memory_space<hbm>>) target(%dma_start3A_792 : memref<32xf32, #tpu.memory_space<vmem>>) target_semaphore(%arg23 : memref<!tpu.dma_semaphore, #tpu.memory_space<semaphore_mem>>)
      %mul3A_796 = arith.constant 16 : i32
      %mul3A_797 = arith.muli %scan3A_405, %mul3A_796 : i32
      %add3A_798 = arith.constant 12 : i32
      %add3A_799 = arith.addi %mul3A_797, %add3A_798 : i32
      %slice3A_800 = vector.extract_strided_slice %get3A_411 {offsets = [12], sizes = [1], strides = [1]} : vector<16xi32> to vector<1xi32>
      %squeeze3A_801 = vector.extract %slice3A_800[0] : i32 from vector<1xi32>
      %dma_start3A_802 = arith.constant 0 : i32
      %dma_start3A_803 = tpu.memref_slice %arg10[%add3A_799, %dma_start3A_802] : memref<256x32xf32, #tpu.memory_space<vmem>> -> memref<1x32xf32, #tpu.memory_space<vmem>>
      %dma_start3A_804 = tpu.memref_squeeze %dma_start3A_803 : memref<1x32xf32, #tpu.memory_space<vmem>> -> memref<32xf32, #tpu.memory_space<vmem>>
      %dma_start3A_805 = arith.constant 0 : i32
      %dma_start3A_806 = tpu.memref_slice %arg4[%squeeze3A_801, %dma_start3A_805] : memref<1000000x32xf32, #tpu.memory_space<hbm>> -> memref<1x32xf32, #tpu.memory_space<hbm>>
      %dma_start3A_807 = tpu.memref_squeeze %dma_start3A_806 : memref<1x32xf32, #tpu.memory_space<hbm>> -> memref<32xf32, #tpu.memory_space<hbm>>
      %dma_start3A_808 = arith.constant 0 : i32
      %dma_start3A_809 = tpu.memref_slice %arg10[%add3A_799, %dma_start3A_808] : memref<256x32xf32, #tpu.memory_space<vmem>> -> memref<1x32xf32, #tpu.memory_space<vmem>>
      %dma_start3A_810 = tpu.memref_squeeze %dma_start3A_809 : memref<1x32xf32, #tpu.memory_space<vmem>> -> memref<32xf32, #tpu.memory_space<vmem>>
      %dma_start3A_811 = arith.constant 0 : i32
      %dma_start3A_812 = tpu.memref_slice %arg4[%squeeze3A_801, %dma_start3A_811] : memref<1000000x32xf32, #tpu.memory_space<hbm>> -> memref<1x32xf32, #tpu.memory_space<hbm>>
      %dma_start3A_813 = tpu.memref_squeeze %dma_start3A_812 : memref<1x32xf32, #tpu.memory_space<hbm>> -> memref<32xf32, #tpu.memory_space<hbm>>
      tpu.enqueue_dma source(%dma_start3A_813 : memref<32xf32, #tpu.memory_space<hbm>>) target(%dma_start3A_810 : memref<32xf32, #tpu.memory_space<vmem>>) target_semaphore(%arg16 : memref<!tpu.dma_semaphore, #tpu.memory_space<semaphore_mem>>)
      %slice3A_814 = vector.extract_strided_slice %get3A_414 {offsets = [12], sizes = [1], strides = [1]} : vector<16xi32> to vector<1xi32>
      %squeeze3A_815 = vector.extract %slice3A_814[0] : i32 from vector<1xi32>
      %dma_start3A_816 = arith.constant 0 : i32
      %dma_start3A_817 = tpu.memref_slice %arg11[%add3A_799, %dma_start3A_816] : memref<256x32xf32, #tpu.memory_space<vmem>> -> memref<1x32xf32, #tpu.memory_space<vmem>>
      %dma_start3A_818 = tpu.memref_squeeze %dma_start3A_817 : memref<1x32xf32, #tpu.memory_space<vmem>> -> memref<32xf32, #tpu.memory_space<vmem>>
      %dma_start3A_819 = arith.constant 0 : i32
      %dma_start3A_820 = tpu.memref_slice %arg5[%squeeze3A_815, %dma_start3A_819] : memref<1000000x32xf32, #tpu.memory_space<hbm>> -> memref<1x32xf32, #tpu.memory_space<hbm>>
      %dma_start3A_821 = tpu.memref_squeeze %dma_start3A_820 : memref<1x32xf32, #tpu.memory_space<hbm>> -> memref<32xf32, #tpu.memory_space<hbm>>
      %dma_start3A_822 = arith.constant 0 : i32
      %dma_start3A_823 = tpu.memref_slice %arg11[%add3A_799, %dma_start3A_822] : memref<256x32xf32, #tpu.memory_space<vmem>> -> memref<1x32xf32, #tpu.memory_space<vmem>>
      %dma_start3A_824 = tpu.memref_squeeze %dma_start3A_823 : memref<1x32xf32, #tpu.memory_space<vmem>> -> memref<32xf32, #tpu.memory_space<vmem>>
      %dma_start3A_825 = arith.constant 0 : i32
      %dma_start3A_826 = tpu.memref_slice %arg5[%squeeze3A_815, %dma_start3A_825] : memref<1000000x32xf32, #tpu.memory_space<hbm>> -> memref<1x32xf32, #tpu.memory_space<hbm>>
      %dma_start3A_827 = tpu.memref_squeeze %dma_start3A_826 : memref<1x32xf32, #tpu.memory_space<hbm>> -> memref<32xf32, #tpu.memory_space<hbm>>
      tpu.enqueue_dma source(%dma_start3A_827 : memref<32xf32, #tpu.memory_space<hbm>>) target(%dma_start3A_824 : memref<32xf32, #tpu.memory_space<vmem>>) target_semaphore(%arg24 : memref<!tpu.dma_semaphore, #tpu.memory_space<semaphore_mem>>)
      %mul3A_828 = arith.constant 16 : i32
      %mul3A_829 = arith.muli %scan3A_405, %mul3A_828 : i32
      %add3A_830 = arith.constant 13 : i32
      %add3A_831 = arith.addi %mul3A_829, %add3A_830 : i32
      %slice3A_832 = vector.extract_strided_slice %get3A_411 {offsets = [13], sizes = [1], strides = [1]} : vector<16xi32> to vector<1xi32>
      %squeeze3A_833 = vector.extract %slice3A_832[0] : i32 from vector<1xi32>
      %dma_start3A_834 = arith.constant 0 : i32
      %dma_start3A_835 = tpu.memref_slice %arg10[%add3A_831, %dma_start3A_834] : memref<256x32xf32, #tpu.memory_space<vmem>> -> memref<1x32xf32, #tpu.memory_space<vmem>>
      %dma_start3A_836 = tpu.memref_squeeze %dma_start3A_835 : memref<1x32xf32, #tpu.memory_space<vmem>> -> memref<32xf32, #tpu.memory_space<vmem>>
      %dma_start3A_837 = arith.constant 0 : i32
      %dma_start3A_838 = tpu.memref_slice %arg4[%squeeze3A_833, %dma_start3A_837] : memref<1000000x32xf32, #tpu.memory_space<hbm>> -> memref<1x32xf32, #tpu.memory_space<hbm>>
      %dma_start3A_839 = tpu.memref_squeeze %dma_start3A_838 : memref<1x32xf32, #tpu.memory_space<hbm>> -> memref<32xf32, #tpu.memory_space<hbm>>
      %dma_start3A_840 = arith.constant 0 : i32
      %dma_start3A_841 = tpu.memref_slice %arg10[%add3A_831, %dma_start3A_840] : memref<256x32xf32, #tpu.memory_space<vmem>> -> memref<1x32xf32, #tpu.memory_space<vmem>>
      %dma_start3A_842 = tpu.memref_squeeze %dma_start3A_841 : memref<1x32xf32, #tpu.memory_space<vmem>> -> memref<32xf32, #tpu.memory_space<vmem>>
      %dma_start3A_843 = arith.constant 0 : i32
      %dma_start3A_844 = tpu.memref_slice %arg4[%squeeze3A_833, %dma_start3A_843] : memref<1000000x32xf32, #tpu.memory_space<hbm>> -> memref<1x32xf32, #tpu.memory_space<hbm>>
      %dma_start3A_845 = tpu.memref_squeeze %dma_start3A_844 : memref<1x32xf32, #tpu.memory_space<hbm>> -> memref<32xf32, #tpu.memory_space<hbm>>
      tpu.enqueue_dma source(%dma_start3A_845 : memref<32xf32, #tpu.memory_space<hbm>>) target(%dma_start3A_842 : memref<32xf32, #tpu.memory_space<vmem>>) target_semaphore(%arg17 : memref<!tpu.dma_semaphore, #tpu.memory_space<semaphore_mem>>)
      %slice3A_846 = vector.extract_strided_slice %get3A_414 {offsets = [13], sizes = [1], strides = [1]} : vector<16xi32> to vector<1xi32>
      %squeeze3A_847 = vector.extract %slice3A_846[0] : i32 from vector<1xi32>
      %dma_start3A_848 = arith.constant 0 : i32
      %dma_start3A_849 = tpu.memref_slice %arg11[%add3A_831, %dma_start3A_848] : memref<256x32xf32, #tpu.memory_space<vmem>> -> memref<1x32xf32, #tpu.memory_space<vmem>>
      %dma_start3A_850 = tpu.memref_squeeze %dma_start3A_849 : memref<1x32xf32, #tpu.memory_space<vmem>> -> memref<32xf32, #tpu.memory_space<vmem>>
      %dma_start3A_851 = arith.constant 0 : i32
      %dma_start3A_852 = tpu.memref_slice %arg5[%squeeze3A_847, %dma_start3A_851] : memref<1000000x32xf32, #tpu.memory_space<hbm>> -> memref<1x32xf32, #tpu.memory_space<hbm>>
      %dma_start3A_853 = tpu.memref_squeeze %dma_start3A_852 : memref<1x32xf32, #tpu.memory_space<hbm>> -> memref<32xf32, #tpu.memory_space<hbm>>
      %dma_start3A_854 = arith.constant 0 : i32
      %dma_start3A_855 = tpu.memref_slice %arg11[%add3A_831, %dma_start3A_854] : memref<256x32xf32, #tpu.memory_space<vmem>> -> memref<1x32xf32, #tpu.memory_space<vmem>>
      %dma_start3A_856 = tpu.memref_squeeze %dma_start3A_855 : memref<1x32xf32, #tpu.memory_space<vmem>> -> memref<32xf32, #tpu.memory_space<vmem>>
      %dma_start3A_857 = arith.constant 0 : i32
      %dma_start3A_858 = tpu.memref_slice %arg5[%squeeze3A_847, %dma_start3A_857] : memref<1000000x32xf32, #tpu.memory_space<hbm>> -> memref<1x32xf32, #tpu.memory_space<hbm>>
      %dma_start3A_859 = tpu.memref_squeeze %dma_start3A_858 : memref<1x32xf32, #tpu.memory_space<hbm>> -> memref<32xf32, #tpu.memory_space<hbm>>
      tpu.enqueue_dma source(%dma_start3A_859 : memref<32xf32, #tpu.memory_space<hbm>>) target(%dma_start3A_856 : memref<32xf32, #tpu.memory_space<vmem>>) target_semaphore(%arg25 : memref<!tpu.dma_semaphore, #tpu.memory_space<semaphore_mem>>)
      %mul3A_860 = arith.constant 16 : i32
      %mul3A_861 = arith.muli %scan3A_405, %mul3A_860 : i32
      %add3A_862 = arith.constant 14 : i32
      %add3A_863 = arith.addi %mul3A_861, %add3A_862 : i32
      %slice3A_864 = vector.extract_strided_slice %get3A_411 {offsets = [14], sizes = [1], strides = [1]} : vector<16xi32> to vector<1xi32>
      %squeeze3A_865 = vector.extract %slice3A_864[0] : i32 from vector<1xi32>
      %dma_start3A_866 = arith.constant 0 : i32
      %dma_start3A_867 = tpu.memref_slice %arg10[%add3A_863, %dma_start3A_866] : memref<256x32xf32, #tpu.memory_space<vmem>> -> memref<1x32xf32, #tpu.memory_space<vmem>>
      %dma_start3A_868 = tpu.memref_squeeze %dma_start3A_867 : memref<1x32xf32, #tpu.memory_space<vmem>> -> memref<32xf32, #tpu.memory_space<vmem>>
      %dma_start3A_869 = arith.constant 0 : i32
      %dma_start3A_870 = tpu.memref_slice %arg4[%squeeze3A_865, %dma_start3A_869] : memref<1000000x32xf32, #tpu.memory_space<hbm>> -> memref<1x32xf32, #tpu.memory_space<hbm>>
      %dma_start3A_871 = tpu.memref_squeeze %dma_start3A_870 : memref<1x32xf32, #tpu.memory_space<hbm>> -> memref<32xf32, #tpu.memory_space<hbm>>
      %dma_start3A_872 = arith.constant 0 : i32
      %dma_start3A_873 = tpu.memref_slice %arg10[%add3A_863, %dma_start3A_872] : memref<256x32xf32, #tpu.memory_space<vmem>> -> memref<1x32xf32, #tpu.memory_space<vmem>>
      %dma_start3A_874 = tpu.memref_squeeze %dma_start3A_873 : memref<1x32xf32, #tpu.memory_space<vmem>> -> memref<32xf32, #tpu.memory_space<vmem>>
      %dma_start3A_875 = arith.constant 0 : i32
      %dma_start3A_876 = tpu.memref_slice %arg4[%squeeze3A_865, %dma_start3A_875] : memref<1000000x32xf32, #tpu.memory_space<hbm>> -> memref<1x32xf32, #tpu.memory_space<hbm>>
      %dma_start3A_877 = tpu.memref_squeeze %dma_start3A_876 : memref<1x32xf32, #tpu.memory_space<hbm>> -> memref<32xf32, #tpu.memory_space<hbm>>
      tpu.enqueue_dma source(%dma_start3A_877 : memref<32xf32, #tpu.memory_space<hbm>>) target(%dma_start3A_874 : memref<32xf32, #tpu.memory_space<vmem>>) target_semaphore(%arg18 : memref<!tpu.dma_semaphore, #tpu.memory_space<semaphore_mem>>)
      %slice3A_878 = vector.extract_strided_slice %get3A_414 {offsets = [14], sizes = [1], strides = [1]} : vector<16xi32> to vector<1xi32>
      %squeeze3A_879 = vector.extract %slice3A_878[0] : i32 from vector<1xi32>
      %dma_start3A_880 = arith.constant 0 : i32
      %dma_start3A_881 = tpu.memref_slice %arg11[%add3A_863, %dma_start3A_880] : memref<256x32xf32, #tpu.memory_space<vmem>> -> memref<1x32xf32, #tpu.memory_space<vmem>>
      %dma_start3A_882 = tpu.memref_squeeze %dma_start3A_881 : memref<1x32xf32, #tpu.memory_space<vmem>> -> memref<32xf32, #tpu.memory_space<vmem>>
      %dma_start3A_883 = arith.constant 0 : i32
      %dma_start3A_884 = tpu.memref_slice %arg5[%squeeze3A_879, %dma_start3A_883] : memref<1000000x32xf32, #tpu.memory_space<hbm>> -> memref<1x32xf32, #tpu.memory_space<hbm>>
      %dma_start3A_885 = tpu.memref_squeeze %dma_start3A_884 : memref<1x32xf32, #tpu.memory_space<hbm>> -> memref<32xf32, #tpu.memory_space<hbm>>
      %dma_start3A_886 = arith.constant 0 : i32
      %dma_start3A_887 = tpu.memref_slice %arg11[%add3A_863, %dma_start3A_886] : memref<256x32xf32, #tpu.memory_space<vmem>> -> memref<1x32xf32, #tpu.memory_space<vmem>>
      %dma_start3A_888 = tpu.memref_squeeze %dma_start3A_887 : memref<1x32xf32, #tpu.memory_space<vmem>> -> memref<32xf32, #tpu.memory_space<vmem>>
      %dma_start3A_889 = arith.constant 0 : i32
      %dma_start3A_890 = tpu.memref_slice %arg5[%squeeze3A_879, %dma_start3A_889] : memref<1000000x32xf32, #tpu.memory_space<hbm>> -> memref<1x32xf32, #tpu.memory_space<hbm>>
      %dma_start3A_891 = tpu.memref_squeeze %dma_start3A_890 : memref<1x32xf32, #tpu.memory_space<hbm>> -> memref<32xf32, #tpu.memory_space<hbm>>
      tpu.enqueue_dma source(%dma_start3A_891 : memref<32xf32, #tpu.memory_space<hbm>>) target(%dma_start3A_888 : memref<32xf32, #tpu.memory_space<vmem>>) target_semaphore(%arg26 : memref<!tpu.dma_semaphore, #tpu.memory_space<semaphore_mem>>)
      %mul3A_892 = arith.constant 16 : i32
      %mul3A_893 = arith.muli %scan3A_405, %mul3A_892 : i32
      %add3A_894 = arith.constant 15 : i32
      %add3A_895 = arith.addi %mul3A_893, %add3A_894 : i32
      %slice3A_896 = vector.extract_strided_slice %get3A_411 {offsets = [15], sizes = [1], strides = [1]} : vector<16xi32> to vector<1xi32>
      %squeeze3A_897 = vector.extract %slice3A_896[0] : i32 from vector<1xi32>
      %dma_start3A_898 = arith.constant 0 : i32
      %dma_start3A_899 = tpu.memref_slice %arg10[%add3A_895, %dma_start3A_898] : memref<256x32xf32, #tpu.memory_space<vmem>> -> memref<1x32xf32, #tpu.memory_space<vmem>>
      %dma_start3A_900 = tpu.memref_squeeze %dma_start3A_899 : memref<1x32xf32, #tpu.memory_space<vmem>> -> memref<32xf32, #tpu.memory_space<vmem>>
      %dma_start3A_901 = arith.constant 0 : i32
      %dma_start3A_902 = tpu.memref_slice %arg4[%squeeze3A_897, %dma_start3A_901] : memref<1000000x32xf32, #tpu.memory_space<hbm>> -> memref<1x32xf32, #tpu.memory_space<hbm>>
      %dma_start3A_903 = tpu.memref_squeeze %dma_start3A_902 : memref<1x32xf32, #tpu.memory_space<hbm>> -> memref<32xf32, #tpu.memory_space<hbm>>
      %dma_start3A_904 = arith.constant 0 : i32
      %dma_start3A_905 = tpu.memref_slice %arg10[%add3A_895, %dma_start3A_904] : memref<256x32xf32, #tpu.memory_space<vmem>> -> memref<1x32xf32, #tpu.memory_space<vmem>>
      %dma_start3A_906 = tpu.memref_squeeze %dma_start3A_905 : memref<1x32xf32, #tpu.memory_space<vmem>> -> memref<32xf32, #tpu.memory_space<vmem>>
      %dma_start3A_907 = arith.constant 0 : i32
      %dma_start3A_908 = tpu.memref_slice %arg4[%squeeze3A_897, %dma_start3A_907] : memref<1000000x32xf32, #tpu.memory_space<hbm>> -> memref<1x32xf32, #tpu.memory_space<hbm>>
      %dma_start3A_909 = tpu.memref_squeeze %dma_start3A_908 : memref<1x32xf32, #tpu.memory_space<hbm>> -> memref<32xf32, #tpu.memory_space<hbm>>
      tpu.enqueue_dma source(%dma_start3A_909 : memref<32xf32, #tpu.memory_space<hbm>>) target(%dma_start3A_906 : memref<32xf32, #tpu.memory_space<vmem>>) target_semaphore(%arg19 : memref<!tpu.dma_semaphore, #tpu.memory_space<semaphore_mem>>)
      %slice3A_910 = vector.extract_strided_slice %get3A_414 {offsets = [15], sizes = [1], strides = [1]} : vector<16xi32> to vector<1xi32>
      %squeeze3A_911 = vector.extract %slice3A_910[0] : i32 from vector<1xi32>
      %dma_start3A_912 = arith.constant 0 : i32
      %dma_start3A_913 = tpu.memref_slice %arg11[%add3A_895, %dma_start3A_912] : memref<256x32xf32, #tpu.memory_space<vmem>> -> memref<1x32xf32, #tpu.memory_space<vmem>>
      %dma_start3A_914 = tpu.memref_squeeze %dma_start3A_913 : memref<1x32xf32, #tpu.memory_space<vmem>> -> memref<32xf32, #tpu.memory_space<vmem>>
      %dma_start3A_915 = arith.constant 0 : i32
      %dma_start3A_916 = tpu.memref_slice %arg5[%squeeze3A_911, %dma_start3A_915] : memref<1000000x32xf32, #tpu.memory_space<hbm>> -> memref<1x32xf32, #tpu.memory_space<hbm>>
      %dma_start3A_917 = tpu.memref_squeeze %dma_start3A_916 : memref<1x32xf32, #tpu.memory_space<hbm>> -> memref<32xf32, #tpu.memory_space<hbm>>
      %dma_start3A_918 = arith.constant 0 : i32
      %dma_start3A_919 = tpu.memref_slice %arg11[%add3A_895, %dma_start3A_918] : memref<256x32xf32, #tpu.memory_space<vmem>> -> memref<1x32xf32, #tpu.memory_space<vmem>>
      %dma_start3A_920 = tpu.memref_squeeze %dma_start3A_919 : memref<1x32xf32, #tpu.memory_space<vmem>> -> memref<32xf32, #tpu.memory_space<vmem>>
      %dma_start3A_921 = arith.constant 0 : i32
      %dma_start3A_922 = tpu.memref_slice %arg5[%squeeze3A_911, %dma_start3A_921] : memref<1000000x32xf32, #tpu.memory_space<hbm>> -> memref<1x32xf32, #tpu.memory_space<hbm>>
      %dma_start3A_923 = tpu.memref_squeeze %dma_start3A_922 : memref<1x32xf32, #tpu.memory_space<hbm>> -> memref<32xf32, #tpu.memory_space<hbm>>
      tpu.enqueue_dma source(%dma_start3A_923 : memref<32xf32, #tpu.memory_space<hbm>>) target(%dma_start3A_920 : memref<32xf32, #tpu.memory_space<vmem>>) target_semaphore(%arg27 : memref<!tpu.dma_semaphore, #tpu.memory_space<semaphore_mem>>)
    }
    %scan3A_208 = arith.constant 16 : i32
    %dma_wait3A_209 = arith.constant 0 : i32
    %dma_wait3A_210 = arith.constant 0 : i32
    %dma_wait3A_211 = tpu.memref_slice %arg10[%dma_wait3A_209, %dma_wait3A_210] : memref<256x32xf32, #tpu.memory_space<vmem>> -> memref<32x32xf32, #tpu.memory_space<vmem>>
    %dma_wait3A_212 = arith.constant 0 : i32
    %dma_wait3A_213 = arith.constant 0 : i32
    %dma_wait3A_214 = tpu.memref_slice %arg4[%dma_wait3A_212, %dma_wait3A_213] : memref<1000000x32xf32, #tpu.memory_space<hbm>> -> memref<32x32xf32, #tpu.memory_space<hbm>>
    %dma_wait3A_215 = arith.constant 0 : i32
    %dma_wait3A_216 = arith.constant 0 : i32
    %dma_wait3A_217 = tpu.memref_slice %arg10[%dma_wait3A_215, %dma_wait3A_216] : memref<256x32xf32, #tpu.memory_space<vmem>> -> memref<32x32xf32, #tpu.memory_space<vmem>>
    %dma_wait3A_218 = arith.constant 0 : i32
    %dma_wait3A_219 = arith.constant 0 : i32
    %dma_wait3A_220 = tpu.memref_slice %arg4[%dma_wait3A_218, %dma_wait3A_219] : memref<1000000x32xf32, #tpu.memory_space<hbm>> -> memref<32x32xf32, #tpu.memory_space<hbm>>
    tpu.wait_dma2 semaphore(%arg12 : memref<!tpu.dma_semaphore, #tpu.memory_space<semaphore_mem>>) src(%dma_wait3A_220 : memref<32x32xf32, #tpu.memory_space<hbm>>) dst(%dma_wait3A_217 : memref<32x32xf32, #tpu.memory_space<vmem>>)
    %dma_wait3A_221 = arith.constant 0 : i32
    %dma_wait3A_222 = arith.constant 0 : i32
    %dma_wait3A_223 = tpu.memref_slice %arg11[%dma_wait3A_221, %dma_wait3A_222] : memref<256x32xf32, #tpu.memory_space<vmem>> -> memref<32x32xf32, #tpu.memory_space<vmem>>
    %dma_wait3A_224 = arith.constant 0 : i32
    %dma_wait3A_225 = arith.constant 0 : i32
    %dma_wait3A_226 = tpu.memref_slice %arg5[%dma_wait3A_224, %dma_wait3A_225] : memref<1000000x32xf32, #tpu.memory_space<hbm>> -> memref<32x32xf32, #tpu.memory_space<hbm>>
    %dma_wait3A_227 = arith.constant 0 : i32
    %dma_wait3A_228 = arith.constant 0 : i32
    %dma_wait3A_229 = tpu.memref_slice %arg11[%dma_wait3A_227, %dma_wait3A_228] : memref<256x32xf32, #tpu.memory_space<vmem>> -> memref<32x32xf32, #tpu.memory_space<vmem>>
    %dma_wait3A_230 = arith.constant 0 : i32
    %dma_wait3A_231 = arith.constant 0 : i32
    %dma_wait3A_232 = tpu.memref_slice %arg5[%dma_wait3A_230, %dma_wait3A_231] : memref<1000000x32xf32, #tpu.memory_space<hbm>> -> memref<32x32xf32, #tpu.memory_space<hbm>>
    tpu.wait_dma2 semaphore(%arg20 : memref<!tpu.dma_semaphore, #tpu.memory_space<semaphore_mem>>) src(%dma_wait3A_232 : memref<32x32xf32, #tpu.memory_space<hbm>>) dst(%dma_wait3A_229 : memref<32x32xf32, #tpu.memory_space<vmem>>)
    %dma_wait3A_233 = arith.constant 0 : i32
    %dma_wait3A_234 = arith.constant 0 : i32
    %dma_wait3A_235 = tpu.memref_slice %arg10[%dma_wait3A_233, %dma_wait3A_234] : memref<256x32xf32, #tpu.memory_space<vmem>> -> memref<32x32xf32, #tpu.memory_space<vmem>>
    %dma_wait3A_236 = arith.constant 0 : i32
    %dma_wait3A_237 = arith.constant 0 : i32
    %dma_wait3A_238 = tpu.memref_slice %arg4[%dma_wait3A_236, %dma_wait3A_237] : memref<1000000x32xf32, #tpu.memory_space<hbm>> -> memref<32x32xf32, #tpu.memory_space<hbm>>
    %dma_wait3A_239 = arith.constant 0 : i32
    %dma_wait3A_240 = arith.constant 0 : i32
    %dma_wait3A_241 = tpu.memref_slice %arg10[%dma_wait3A_239, %dma_wait3A_240] : memref<256x32xf32, #tpu.memory_space<vmem>> -> memref<32x32xf32, #tpu.memory_space<vmem>>
    %dma_wait3A_242 = arith.constant 0 : i32
    %dma_wait3A_243 = arith.constant 0 : i32
    %dma_wait3A_244 = tpu.memref_slice %arg4[%dma_wait3A_242, %dma_wait3A_243] : memref<1000000x32xf32, #tpu.memory_space<hbm>> -> memref<32x32xf32, #tpu.memory_space<hbm>>
    tpu.wait_dma2 semaphore(%arg13 : memref<!tpu.dma_semaphore, #tpu.memory_space<semaphore_mem>>) src(%dma_wait3A_244 : memref<32x32xf32, #tpu.memory_space<hbm>>) dst(%dma_wait3A_241 : memref<32x32xf32, #tpu.memory_space<vmem>>)
    %dma_wait3A_245 = arith.constant 0 : i32
    %dma_wait3A_246 = arith.constant 0 : i32
    %dma_wait3A_247 = tpu.memref_slice %arg11[%dma_wait3A_245, %dma_wait3A_246] : memref<256x32xf32, #tpu.memory_space<vmem>> -> memref<32x32xf32, #tpu.memory_space<vmem>>
    %dma_wait3A_248 = arith.constant 0 : i32
    %dma_wait3A_249 = arith.constant 0 : i32
    %dma_wait3A_250 = tpu.memref_slice %arg5[%dma_wait3A_248, %dma_wait3A_249] : memref<1000000x32xf32, #tpu.memory_space<hbm>> -> memref<32x32xf32, #tpu.memory_space<hbm>>
    %dma_wait3A_251 = arith.constant 0 : i32
    %dma_wait3A_252 = arith.constant 0 : i32
    %dma_wait3A_253 = tpu.memref_slice %arg11[%dma_wait3A_251, %dma_wait3A_252] : memref<256x32xf32, #tpu.memory_space<vmem>> -> memref<32x32xf32, #tpu.memory_space<vmem>>
    %dma_wait3A_254 = arith.constant 0 : i32
    %dma_wait3A_255 = arith.constant 0 : i32
    %dma_wait3A_256 = tpu.memref_slice %arg5[%dma_wait3A_254, %dma_wait3A_255] : memref<1000000x32xf32, #tpu.memory_space<hbm>> -> memref<32x32xf32, #tpu.memory_space<hbm>>
    tpu.wait_dma2 semaphore(%arg21 : memref<!tpu.dma_semaphore, #tpu.memory_space<semaphore_mem>>) src(%dma_wait3A_256 : memref<32x32xf32, #tpu.memory_space<hbm>>) dst(%dma_wait3A_253 : memref<32x32xf32, #tpu.memory_space<vmem>>)
    %dma_wait3A_257 = arith.constant 0 : i32
    %dma_wait3A_258 = arith.constant 0 : i32
    %dma_wait3A_259 = tpu.memref_slice %arg10[%dma_wait3A_257, %dma_wait3A_258] : memref<256x32xf32, #tpu.memory_space<vmem>> -> memref<32x32xf32, #tpu.memory_space<vmem>>
    %dma_wait3A_260 = arith.constant 0 : i32
    %dma_wait3A_261 = arith.constant 0 : i32
    %dma_wait3A_262 = tpu.memref_slice %arg4[%dma_wait3A_260, %dma_wait3A_261] : memref<1000000x32xf32, #tpu.memory_space<hbm>> -> memref<32x32xf32, #tpu.memory_space<hbm>>
    %dma_wait3A_263 = arith.constant 0 : i32
    %dma_wait3A_264 = arith.constant 0 : i32
    %dma_wait3A_265 = tpu.memref_slice %arg10[%dma_wait3A_263, %dma_wait3A_264] : memref<256x32xf32, #tpu.memory_space<vmem>> -> memref<32x32xf32, #tpu.memory_space<vmem>>
    %dma_wait3A_266 = arith.constant 0 : i32
    %dma_wait3A_267 = arith.constant 0 : i32
    %dma_wait3A_268 = tpu.memref_slice %arg4[%dma_wait3A_266, %dma_wait3A_267] : memref<1000000x32xf32, #tpu.memory_space<hbm>> -> memref<32x32xf32, #tpu.memory_space<hbm>>
    tpu.wait_dma2 semaphore(%arg14 : memref<!tpu.dma_semaphore, #tpu.memory_space<semaphore_mem>>) src(%dma_wait3A_268 : memref<32x32xf32, #tpu.memory_space<hbm>>) dst(%dma_wait3A_265 : memref<32x32xf32, #tpu.memory_space<vmem>>)
    %dma_wait3A_269 = arith.constant 0 : i32
    %dma_wait3A_270 = arith.constant 0 : i32
    %dma_wait3A_271 = tpu.memref_slice %arg11[%dma_wait3A_269, %dma_wait3A_270] : memref<256x32xf32, #tpu.memory_space<vmem>> -> memref<32x32xf32, #tpu.memory_space<vmem>>
    %dma_wait3A_272 = arith.constant 0 : i32
    %dma_wait3A_273 = arith.constant 0 : i32
    %dma_wait3A_274 = tpu.memref_slice %arg5[%dma_wait3A_272, %dma_wait3A_273] : memref<1000000x32xf32, #tpu.memory_space<hbm>> -> memref<32x32xf32, #tpu.memory_space<hbm>>
    %dma_wait3A_275 = arith.constant 0 : i32
    %dma_wait3A_276 = arith.constant 0 : i32
    %dma_wait3A_277 = tpu.memref_slice %arg11[%dma_wait3A_275, %dma_wait3A_276] : memref<256x32xf32, #tpu.memory_space<vmem>> -> memref<32x32xf32, #tpu.memory_space<vmem>>
    %dma_wait3A_278 = arith.constant 0 : i32
    %dma_wait3A_279 = arith.constant 0 : i32
    %dma_wait3A_280 = tpu.memref_slice %arg5[%dma_wait3A_278, %dma_wait3A_279] : memref<1000000x32xf32, #tpu.memory_space<hbm>> -> memref<32x32xf32, #tpu.memory_space<hbm>>
    tpu.wait_dma2 semaphore(%arg22 : memref<!tpu.dma_semaphore, #tpu.memory_space<semaphore_mem>>) src(%dma_wait3A_280 : memref<32x32xf32, #tpu.memory_space<hbm>>) dst(%dma_wait3A_277 : memref<32x32xf32, #tpu.memory_space<vmem>>)
    %dma_wait3A_281 = arith.constant 0 : i32
    %dma_wait3A_282 = arith.constant 0 : i32
    %dma_wait3A_283 = tpu.memref_slice %arg10[%dma_wait3A_281, %dma_wait3A_282] : memref<256x32xf32, #tpu.memory_space<vmem>> -> memref<32x32xf32, #tpu.memory_space<vmem>>
    %dma_wait3A_284 = arith.constant 0 : i32
    %dma_wait3A_285 = arith.constant 0 : i32
    %dma_wait3A_286 = tpu.memref_slice %arg4[%dma_wait3A_284, %dma_wait3A_285] : memref<1000000x32xf32, #tpu.memory_space<hbm>> -> memref<32x32xf32, #tpu.memory_space<hbm>>
    %dma_wait3A_287 = arith.constant 0 : i32
    %dma_wait3A_288 = arith.constant 0 : i32
    %dma_wait3A_289 = tpu.memref_slice %arg10[%dma_wait3A_287, %dma_wait3A_288] : memref<256x32xf32, #tpu.memory_space<vmem>> -> memref<32x32xf32, #tpu.memory_space<vmem>>
    %dma_wait3A_290 = arith.constant 0 : i32
    %dma_wait3A_291 = arith.constant 0 : i32
    %dma_wait3A_292 = tpu.memref_slice %arg4[%dma_wait3A_290, %dma_wait3A_291] : memref<1000000x32xf32, #tpu.memory_space<hbm>> -> memref<32x32xf32, #tpu.memory_space<hbm>>
    tpu.wait_dma2 semaphore(%arg15 : memref<!tpu.dma_semaphore, #tpu.memory_space<semaphore_mem>>) src(%dma_wait3A_292 : memref<32x32xf32, #tpu.memory_space<hbm>>) dst(%dma_wait3A_289 : memref<32x32xf32, #tpu.memory_space<vmem>>)
    %dma_wait3A_293 = arith.constant 0 : i32
    %dma_wait3A_294 = arith.constant 0 : i32
    %dma_wait3A_295 = tpu.memref_slice %arg11[%dma_wait3A_293, %dma_wait3A_294] : memref<256x32xf32, #tpu.memory_space<vmem>> -> memref<32x32xf32, #tpu.memory_space<vmem>>
    %dma_wait3A_296 = arith.constant 0 : i32
    %dma_wait3A_297 = arith.constant 0 : i32
    %dma_wait3A_298 = tpu.memref_slice %arg5[%dma_wait3A_296, %dma_wait3A_297] : memref<1000000x32xf32, #tpu.memory_space<hbm>> -> memref<32x32xf32, #tpu.memory_space<hbm>>
    %dma_wait3A_299 = arith.constant 0 : i32
    %dma_wait3A_300 = arith.constant 0 : i32
    %dma_wait3A_301 = tpu.memref_slice %arg11[%dma_wait3A_299, %dma_wait3A_300] : memref<256x32xf32, #tpu.memory_space<vmem>> -> memref<32x32xf32, #tpu.memory_space<vmem>>
    %dma_wait3A_302 = arith.constant 0 : i32
    %dma_wait3A_303 = arith.constant 0 : i32
    %dma_wait3A_304 = tpu.memref_slice %arg5[%dma_wait3A_302, %dma_wait3A_303] : memref<1000000x32xf32, #tpu.memory_space<hbm>> -> memref<32x32xf32, #tpu.memory_space<hbm>>
    tpu.wait_dma2 semaphore(%arg23 : memref<!tpu.dma_semaphore, #tpu.memory_space<semaphore_mem>>) src(%dma_wait3A_304 : memref<32x32xf32, #tpu.memory_space<hbm>>) dst(%dma_wait3A_301 : memref<32x32xf32, #tpu.memory_space<vmem>>)
    %dma_wait3A_305 = arith.constant 0 : i32
    %dma_wait3A_306 = arith.constant 0 : i32
    %dma_wait3A_307 = tpu.memref_slice %arg10[%dma_wait3A_305, %dma_wait3A_306] : memref<256x32xf32, #tpu.memory_space<vmem>> -> memref<32x32xf32, #tpu.memory_space<vmem>>
    %dma_wait3A_308 = arith.constant 0 : i32
    %dma_wait3A_309 = arith.constant 0 : i32
    %dma_wait3A_310 = tpu.memref_slice %arg4[%dma_wait3A_308, %dma_wait3A_309] : memref<1000000x32xf32, #tpu.memory_space<hbm>> -> memref<32x32xf32, #tpu.memory_space<hbm>>
    %dma_wait3A_311 = arith.constant 0 : i32
    %dma_wait3A_312 = arith.constant 0 : i32
    %dma_wait3A_313 = tpu.memref_slice %arg10[%dma_wait3A_311, %dma_wait3A_312] : memref<256x32xf32, #tpu.memory_space<vmem>> -> memref<32x32xf32, #tpu.memory_space<vmem>>
    %dma_wait3A_314 = arith.constant 0 : i32
    %dma_wait3A_315 = arith.constant 0 : i32
    %dma_wait3A_316 = tpu.memref_slice %arg4[%dma_wait3A_314, %dma_wait3A_315] : memref<1000000x32xf32, #tpu.memory_space<hbm>> -> memref<32x32xf32, #tpu.memory_space<hbm>>
    tpu.wait_dma2 semaphore(%arg16 : memref<!tpu.dma_semaphore, #tpu.memory_space<semaphore_mem>>) src(%dma_wait3A_316 : memref<32x32xf32, #tpu.memory_space<hbm>>) dst(%dma_wait3A_313 : memref<32x32xf32, #tpu.memory_space<vmem>>)
    %dma_wait3A_317 = arith.constant 0 : i32
    %dma_wait3A_318 = arith.constant 0 : i32
    %dma_wait3A_319 = tpu.memref_slice %arg11[%dma_wait3A_317, %dma_wait3A_318] : memref<256x32xf32, #tpu.memory_space<vmem>> -> memref<32x32xf32, #tpu.memory_space<vmem>>
    %dma_wait3A_320 = arith.constant 0 : i32
    %dma_wait3A_321 = arith.constant 0 : i32
    %dma_wait3A_322 = tpu.memref_slice %arg5[%dma_wait3A_320, %dma_wait3A_321] : memref<1000000x32xf32, #tpu.memory_space<hbm>> -> memref<32x32xf32, #tpu.memory_space<hbm>>
    %dma_wait3A_323 = arith.constant 0 : i32
    %dma_wait3A_324 = arith.constant 0 : i32
    %dma_wait3A_325 = tpu.memref_slice %arg11[%dma_wait3A_323, %dma_wait3A_324] : memref<256x32xf32, #tpu.memory_space<vmem>> -> memref<32x32xf32, #tpu.memory_space<vmem>>
    %dma_wait3A_326 = arith.constant 0 : i32
    %dma_wait3A_327 = arith.constant 0 : i32
    %dma_wait3A_328 = tpu.memref_slice %arg5[%dma_wait3A_326, %dma_wait3A_327] : memref<1000000x32xf32, #tpu.memory_space<hbm>> -> memref<32x32xf32, #tpu.memory_space<hbm>>
    tpu.wait_dma2 semaphore(%arg24 : memref<!tpu.dma_semaphore, #tpu.memory_space<semaphore_mem>>) src(%dma_wait3A_328 : memref<32x32xf32, #tpu.memory_space<hbm>>) dst(%dma_wait3A_325 : memref<32x32xf32, #tpu.memory_space<vmem>>)
    %dma_wait3A_329 = arith.constant 0 : i32
    %dma_wait3A_330 = arith.constant 0 : i32
    %dma_wait3A_331 = tpu.memref_slice %arg10[%dma_wait3A_329, %dma_wait3A_330] : memref<256x32xf32, #tpu.memory_space<vmem>> -> memref<32x32xf32, #tpu.memory_space<vmem>>
    %dma_wait3A_332 = arith.constant 0 : i32
    %dma_wait3A_333 = arith.constant 0 : i32
    %dma_wait3A_334 = tpu.memref_slice %arg4[%dma_wait3A_332, %dma_wait3A_333] : memref<1000000x32xf32, #tpu.memory_space<hbm>> -> memref<32x32xf32, #tpu.memory_space<hbm>>
    %dma_wait3A_335 = arith.constant 0 : i32
    %dma_wait3A_336 = arith.constant 0 : i32
    %dma_wait3A_337 = tpu.memref_slice %arg10[%dma_wait3A_335, %dma_wait3A_336] : memref<256x32xf32, #tpu.memory_space<vmem>> -> memref<32x32xf32, #tpu.memory_space<vmem>>
    %dma_wait3A_338 = arith.constant 0 : i32
    %dma_wait3A_339 = arith.constant 0 : i32
    %dma_wait3A_340 = tpu.memref_slice %arg4[%dma_wait3A_338, %dma_wait3A_339] : memref<1000000x32xf32, #tpu.memory_space<hbm>> -> memref<32x32xf32, #tpu.memory_space<hbm>>
    tpu.wait_dma2 semaphore(%arg17 : memref<!tpu.dma_semaphore, #tpu.memory_space<semaphore_mem>>) src(%dma_wait3A_340 : memref<32x32xf32, #tpu.memory_space<hbm>>) dst(%dma_wait3A_337 : memref<32x32xf32, #tpu.memory_space<vmem>>)
    %dma_wait3A_341 = arith.constant 0 : i32
    %dma_wait3A_342 = arith.constant 0 : i32
    %dma_wait3A_343 = tpu.memref_slice %arg11[%dma_wait3A_341, %dma_wait3A_342] : memref<256x32xf32, #tpu.memory_space<vmem>> -> memref<32x32xf32, #tpu.memory_space<vmem>>
    %dma_wait3A_344 = arith.constant 0 : i32
    %dma_wait3A_345 = arith.constant 0 : i32
    %dma_wait3A_346 = tpu.memref_slice %arg5[%dma_wait3A_344, %dma_wait3A_345] : memref<1000000x32xf32, #tpu.memory_space<hbm>> -> memref<32x32xf32, #tpu.memory_space<hbm>>
    %dma_wait3A_347 = arith.constant 0 : i32
    %dma_wait3A_348 = arith.constant 0 : i32
    %dma_wait3A_349 = tpu.memref_slice %arg11[%dma_wait3A_347, %dma_wait3A_348] : memref<256x32xf32, #tpu.memory_space<vmem>> -> memref<32x32xf32, #tpu.memory_space<vmem>>
    %dma_wait3A_350 = arith.constant 0 : i32
    %dma_wait3A_351 = arith.constant 0 : i32
    %dma_wait3A_352 = tpu.memref_slice %arg5[%dma_wait3A_350, %dma_wait3A_351] : memref<1000000x32xf32, #tpu.memory_space<hbm>> -> memref<32x32xf32, #tpu.memory_space<hbm>>
    tpu.wait_dma2 semaphore(%arg25 : memref<!tpu.dma_semaphore, #tpu.memory_space<semaphore_mem>>) src(%dma_wait3A_352 : memref<32x32xf32, #tpu.memory_space<hbm>>) dst(%dma_wait3A_349 : memref<32x32xf32, #tpu.memory_space<vmem>>)
    %dma_wait3A_353 = arith.constant 0 : i32
    %dma_wait3A_354 = arith.constant 0 : i32
    %dma_wait3A_355 = tpu.memref_slice %arg10[%dma_wait3A_353, %dma_wait3A_354] : memref<256x32xf32, #tpu.memory_space<vmem>> -> memref<32x32xf32, #tpu.memory_space<vmem>>
    %dma_wait3A_356 = arith.constant 0 : i32
    %dma_wait3A_357 = arith.constant 0 : i32
    %dma_wait3A_358 = tpu.memref_slice %arg4[%dma_wait3A_356, %dma_wait3A_357] : memref<1000000x32xf32, #tpu.memory_space<hbm>> -> memref<32x32xf32, #tpu.memory_space<hbm>>
    %dma_wait3A_359 = arith.constant 0 : i32
    %dma_wait3A_360 = arith.constant 0 : i32
    %dma_wait3A_361 = tpu.memref_slice %arg10[%dma_wait3A_359, %dma_wait3A_360] : memref<256x32xf32, #tpu.memory_space<vmem>> -> memref<32x32xf32, #tpu.memory_space<vmem>>
    %dma_wait3A_362 = arith.constant 0 : i32
    %dma_wait3A_363 = arith.constant 0 : i32
    %dma_wait3A_364 = tpu.memref_slice %arg4[%dma_wait3A_362, %dma_wait3A_363] : memref<1000000x32xf32, #tpu.memory_space<hbm>> -> memref<32x32xf32, #tpu.memory_space<hbm>>
    tpu.wait_dma2 semaphore(%arg18 : memref<!tpu.dma_semaphore, #tpu.memory_space<semaphore_mem>>) src(%dma_wait3A_364 : memref<32x32xf32, #tpu.memory_space<hbm>>) dst(%dma_wait3A_361 : memref<32x32xf32, #tpu.memory_space<vmem>>)
    %dma_wait3A_365 = arith.constant 0 : i32
    %dma_wait3A_366 = arith.constant 0 : i32
    %dma_wait3A_367 = tpu.memref_slice %arg11[%dma_wait3A_365, %dma_wait3A_366] : memref<256x32xf32, #tpu.memory_space<vmem>> -> memref<32x32xf32, #tpu.memory_space<vmem>>
    %dma_wait3A_368 = arith.constant 0 : i32
    %dma_wait3A_369 = arith.constant 0 : i32
    %dma_wait3A_370 = tpu.memref_slice %arg5[%dma_wait3A_368, %dma_wait3A_369] : memref<1000000x32xf32, #tpu.memory_space<hbm>> -> memref<32x32xf32, #tpu.memory_space<hbm>>
    %dma_wait3A_371 = arith.constant 0 : i32
    %dma_wait3A_372 = arith.constant 0 : i32
    %dma_wait3A_373 = tpu.memref_slice %arg11[%dma_wait3A_371, %dma_wait3A_372] : memref<256x32xf32, #tpu.memory_space<vmem>> -> memref<32x32xf32, #tpu.memory_space<vmem>>
    %dma_wait3A_374 = arith.constant 0 : i32
    %dma_wait3A_375 = arith.constant 0 : i32
    %dma_wait3A_376 = tpu.memref_slice %arg5[%dma_wait3A_374, %dma_wait3A_375] : memref<1000000x32xf32, #tpu.memory_space<hbm>> -> memref<32x32xf32, #tpu.memory_space<hbm>>
    tpu.wait_dma2 semaphore(%arg26 : memref<!tpu.dma_semaphore, #tpu.memory_space<semaphore_mem>>) src(%dma_wait3A_376 : memref<32x32xf32, #tpu.memory_space<hbm>>) dst(%dma_wait3A_373 : memref<32x32xf32, #tpu.memory_space<vmem>>)
    %dma_wait3A_377 = arith.constant 0 : i32
    %dma_wait3A_378 = arith.constant 0 : i32
    %dma_wait3A_379 = tpu.memref_slice %arg10[%dma_wait3A_377, %dma_wait3A_378] : memref<256x32xf32, #tpu.memory_space<vmem>> -> memref<32x32xf32, #tpu.memory_space<vmem>>
    %dma_wait3A_380 = arith.constant 0 : i32
    %dma_wait3A_381 = arith.constant 0 : i32
    %dma_wait3A_382 = tpu.memref_slice %arg4[%dma_wait3A_380, %dma_wait3A_381] : memref<1000000x32xf32, #tpu.memory_space<hbm>> -> memref<32x32xf32, #tpu.memory_space<hbm>>
    %dma_wait3A_383 = arith.constant 0 : i32
    %dma_wait3A_384 = arith.constant 0 : i32
    %dma_wait3A_385 = tpu.memref_slice %arg10[%dma_wait3A_383, %dma_wait3A_384] : memref<256x32xf32, #tpu.memory_space<vmem>> -> memref<32x32xf32, #tpu.memory_space<vmem>>
    %dma_wait3A_386 = arith.constant 0 : i32
    %dma_wait3A_387 = arith.constant 0 : i32
    %dma_wait3A_388 = tpu.memref_slice %arg4[%dma_wait3A_386, %dma_wait3A_387] : memref<1000000x32xf32, #tpu.memory_space<hbm>> -> memref<32x32xf32, #tpu.memory_space<hbm>>
    tpu.wait_dma2 semaphore(%arg19 : memref<!tpu.dma_semaphore, #tpu.memory_space<semaphore_mem>>) src(%dma_wait3A_388 : memref<32x32xf32, #tpu.memory_space<hbm>>) dst(%dma_wait3A_385 : memref<32x32xf32, #tpu.memory_space<vmem>>)
    %dma_wait3A_389 = arith.constant 0 : i32
    %dma_wait3A_390 = arith.constant 0 : i32
    %dma_wait3A_391 = tpu.memref_slice %arg11[%dma_wait3A_389, %dma_wait3A_390] : memref<256x32xf32, #tpu.memory_space<vmem>> -> memref<32x32xf32, #tpu.memory_space<vmem>>
    %dma_wait3A_392 = arith.constant 0 : i32
    %dma_wait3A_393 = arith.constant 0 : i32
    %dma_wait3A_394 = tpu.memref_slice %arg5[%dma_wait3A_392, %dma_wait3A_393] : memref<1000000x32xf32, #tpu.memory_space<hbm>> -> memref<32x32xf32, #tpu.memory_space<hbm>>
    %dma_wait3A_395 = arith.constant 0 : i32
    %dma_wait3A_396 = arith.constant 0 : i32
    %dma_wait3A_397 = tpu.memref_slice %arg11[%dma_wait3A_395, %dma_wait3A_396] : memref<256x32xf32, #tpu.memory_space<vmem>> -> memref<32x32xf32, #tpu.memory_space<vmem>>
    %dma_wait3A_398 = arith.constant 0 : i32
    %dma_wait3A_399 = arith.constant 0 : i32
    %dma_wait3A_400 = tpu.memref_slice %arg5[%dma_wait3A_398, %dma_wait3A_399] : memref<1000000x32xf32, #tpu.memory_space<hbm>> -> memref<32x32xf32, #tpu.memory_space<hbm>>
    tpu.wait_dma2 semaphore(%arg27 : memref<!tpu.dma_semaphore, #tpu.memory_space<semaphore_mem>>) src(%dma_wait3A_400 : memref<32x32xf32, #tpu.memory_space<hbm>>) dst(%dma_wait3A_397 : memref<32x32xf32, #tpu.memory_space<vmem>>)
    %add3A_401 = arith.constant 256 : i32
    %add3A_402 = arith.addi %mul3A_2, %add3A_401 : i32
    "tpu.region"() ({
      %run_scoped3A = tpu.sem_alloc : memref<!tpu.dma_semaphore, #tpu.memory_space<semaphore_mem>>
      %dma_start3A = arith.constant 0 : i32
      %dma_start3A_405 = tpu.memref_slice %arg6[%add3A_402, %dma_start3A] : memref<16384x32xf32, #tpu.memory_space<hbm>> -> memref<256x32xf32, #tpu.memory_space<hbm>>
      %dma_start3A_406 = arith.constant 0 : i32
      %dma_start3A_407 = tpu.memref_slice %arg6[%add3A_402, %dma_start3A_406] : memref<16384x32xf32, #tpu.memory_space<hbm>> -> memref<256x32xf32, #tpu.memory_space<hbm>>
      tpu.enqueue_dma source(%arg10 : memref<256x32xf32, #tpu.memory_space<vmem>>) target(%dma_start3A_407 : memref<256x32xf32, #tpu.memory_space<hbm>>) target_semaphore(%run_scoped3A : memref<!tpu.dma_semaphore, #tpu.memory_space<semaphore_mem>>)
      %dma_wait3A_408 = arith.constant 0 : i32
      %dma_wait3A_409 = tpu.memref_slice %arg6[%add3A_402, %dma_wait3A_408] : memref<16384x32xf32, #tpu.memory_space<hbm>> -> memref<256x32xf32, #tpu.memory_space<hbm>>
      %dma_wait3A_410 = arith.constant 0 : i32
      %dma_wait3A_411 = tpu.memref_slice %arg6[%add3A_402, %dma_wait3A_410] : memref<16384x32xf32, #tpu.memory_space<hbm>> -> memref<256x32xf32, #tpu.memory_space<hbm>>
      tpu.wait_dma2 semaphore(%run_scoped3A : memref<!tpu.dma_semaphore, #tpu.memory_space<semaphore_mem>>) src(%arg10 : memref<256x32xf32, #tpu.memory_space<vmem>>) dst(%dma_wait3A_411 : memref<256x32xf32, #tpu.memory_space<hbm>>)
      tpu.yield
    }) : () -> ()
    %add3A_403 = arith.constant 256 : i32
    %add3A_404 = arith.addi %mul3A_2, %add3A_403 : i32
    "tpu.region"() ({
      %run_scoped3A = tpu.sem_alloc : memref<!tpu.dma_semaphore, #tpu.memory_space<semaphore_mem>>
      %dma_start3A = arith.constant 0 : i32
      %dma_start3A_405 = tpu.memref_slice %arg7[%add3A_404, %dma_start3A] : memref<16384x32xf32, #tpu.memory_space<hbm>> -> memref<256x32xf32, #tpu.memory_space<hbm>>
      %dma_start3A_406 = arith.constant 0 : i32
      %dma_start3A_407 = tpu.memref_slice %arg7[%add3A_404, %dma_start3A_406] : memref<16384x32xf32, #tpu.memory_space<hbm>> -> memref<256x32xf32, #tpu.memory_space<hbm>>
      tpu.enqueue_dma source(%arg11 : memref<256x32xf32, #tpu.memory_space<vmem>>) target(%dma_start3A_407 : memref<256x32xf32, #tpu.memory_space<hbm>>) target_semaphore(%run_scoped3A : memref<!tpu.dma_semaphore, #tpu.memory_space<semaphore_mem>>)
      %dma_wait3A_408 = arith.constant 0 : i32
      %dma_wait3A_409 = tpu.memref_slice %arg7[%add3A_404, %dma_wait3A_408] : memref<16384x32xf32, #tpu.memory_space<hbm>> -> memref<256x32xf32, #tpu.memory_space<hbm>>
      %dma_wait3A_410 = arith.constant 0 : i32
      %dma_wait3A_411 = tpu.memref_slice %arg7[%add3A_404, %dma_wait3A_410] : memref<16384x32xf32, #tpu.memory_space<hbm>> -> memref<256x32xf32, #tpu.memory_space<hbm>>
      tpu.wait_dma2 semaphore(%run_scoped3A : memref<!tpu.dma_semaphore, #tpu.memory_space<semaphore_mem>>) src(%arg11 : memref<256x32xf32, #tpu.memory_space<vmem>>) dst(%dma_wait3A_411 : memref<256x32xf32, #tpu.memory_space<hbm>>)
      tpu.yield
    }) : () -> ()
    return
  }
}

module attributes {stable_mosaic.version = 14 : i64} {
  func.func @_mlp_body(%arg0: i32, %arg1: memref<2048x32xf32, #tpu.memory_space<vmem>>, %arg2: memref<2048x32xf32, #tpu.memory_space<vmem>>, %arg3: memref<32x64xf32, #tpu.memory_space<vmem>>, %arg4: memref<32x64xf32, #tpu.memory_space<vmem>>, %arg5: memref<1x64xf32, #tpu.memory_space<vmem>>, %arg6: memref<1x64xf32, #tpu.memory_space<vmem>>, %arg7: memref<1x1xf32, #tpu.memory_space<vmem>>, %arg8: memref<2048x1xf32, #tpu.memory_space<vmem>>) attributes {dimension_semantics = [#tpu.dimension_semantics<arbitrary>], iteration_bounds = array<i64: 8>, scalar_prefetch = 0 : i64, scratch_operands = 0 : i64, tpu.core_type = #tpu.core_type<tc>, window_params = [{transform_indices = @transform_0, window_bounds = array<i64: 2048, 32>}, {transform_indices = @transform_1, window_bounds = array<i64: 2048, 32>}, {pipeline_mode = #tpu.pipeline_mode<synchronous>, transform_indices = @transform_2, window_bounds = array<i64: 32, 64>}, {pipeline_mode = #tpu.pipeline_mode<synchronous>, transform_indices = @transform_3, window_bounds = array<i64: 32, 64>}, {pipeline_mode = #tpu.pipeline_mode<synchronous>, transform_indices = @transform_4, window_bounds = array<i64: 1, 64>}, {pipeline_mode = #tpu.pipeline_mode<synchronous>, transform_indices = @transform_5, window_bounds = array<i64: 1, 64>}, {pipeline_mode = #tpu.pipeline_mode<synchronous>, transform_indices = @transform_6, window_bounds = array<i64: 1, 1>}, {transform_indices = @transform_7, window_bounds = array<i64: 2048, 1>}]} {
    %get3A = arith.constant 0 : index
    %get3A_0 = arith.constant 0 : index
    %get3A_1 = vector.load %arg1[%get3A, %get3A_0] : memref<2048x32xf32, #tpu.memory_space<vmem>>, vector<2048x32xf32>
    %get3A_2 = arith.constant 0 : index
    %get3A_3 = arith.constant 0 : index
    %get3A_4 = vector.load %arg3[%get3A_2, %get3A_3] : memref<32x64xf32, #tpu.memory_space<vmem>>, vector<32x64xf32>
    %dot_general3A = arith.constant dense<0.000000e+00> : vector<2048x64xf32>
    %dot_general3A_5 = tpu.matmul %get3A_1, %get3A_4, %dot_general3A {dimension_numbers = #tpu.dot_dimension_numbers<[1], [0], [0], [1], [0, 0, 1, 1], [], []>, transpose_lhs_hint = false} : vector<2048x32xf32>, vector<32x64xf32>, vector<2048x64xf32> -> vector<2048x64xf32>
    %get3A_6 = arith.constant 0 : index
    %get3A_7 = arith.constant 0 : index
    %get3A_8 = vector.load %arg2[%get3A_6, %get3A_7] : memref<2048x32xf32, #tpu.memory_space<vmem>>, vector<2048x32xf32>
    %get3A_9 = arith.constant 0 : index
    %get3A_10 = arith.constant 0 : index
    %get3A_11 = vector.load %arg4[%get3A_9, %get3A_10] : memref<32x64xf32, #tpu.memory_space<vmem>>, vector<32x64xf32>
    %dot_general3A_12 = arith.constant dense<0.000000e+00> : vector<2048x64xf32>
    %dot_general3A_13 = tpu.matmul %get3A_8, %get3A_11, %dot_general3A_12 {dimension_numbers = #tpu.dot_dimension_numbers<[1], [0], [0], [1], [0, 0, 1, 1], [], []>, transpose_lhs_hint = false} : vector<2048x32xf32>, vector<32x64xf32>, vector<2048x64xf32> -> vector<2048x64xf32>
    %add3A = arith.addf %dot_general3A_5, %dot_general3A_13 : vector<2048x64xf32>
    %get3A_14 = arith.constant 0 : index
    %get3A_15 = arith.constant 0 : index
    %get3A_16 = vector.load %arg5[%get3A_14, %get3A_15] : memref<1x64xf32, #tpu.memory_space<vmem>>, vector<1x64xf32>
    %add3A_17 = vector.broadcast %get3A_16 : vector<1x64xf32> to vector<2048x64xf32>
    %add3A_18 = arith.addf %add3A, %add3A_17 : vector<2048x64xf32>
    %max3A = arith.constant 0.000000e+00 : f32
    %max3A_19 = vector.broadcast %max3A : f32 to vector<2048x64xf32>
    %max3A_20 = arith.maximumf %add3A_18, %max3A_19 : vector<2048x64xf32>
    %get3A_21 = arith.constant 0 : index
    %get3A_22 = arith.constant 0 : index
    %get3A_23 = vector.load %arg6[%get3A_21, %get3A_22] : memref<1x64xf32, #tpu.memory_space<vmem>>, vector<1x64xf32>
    %mul3A = vector.broadcast %get3A_23 : vector<1x64xf32> to vector<2048x64xf32>
    %mul3A_24 = arith.mulf %max3A_20, %mul3A : vector<2048x64xf32>
    %reduce_sum3A = arith.constant dense<0.000000e+00> : vector<2048xf32>
    %reduce_sum3A_25 = vector.multi_reduction <add>, %mul3A_24, %reduce_sum3A [1] : vector<2048x64xf32> to vector<2048xf32>
    %broadcast_in_dim3A = vector.shape_cast %reduce_sum3A_25 : vector<2048xf32> to vector<2048x1xf32>
    %get3A_26 = arith.constant 0 : index
    %get3A_27 = arith.constant 0 : index
    %get3A_28 = vector.load %arg7[%get3A_26, %get3A_27] : memref<1x1xf32, #tpu.memory_space<vmem>>, vector<1x1xf32>
    %add3A_29 = vector.broadcast %get3A_28 : vector<1x1xf32> to vector<2048x1xf32>
    %add3A_30 = arith.addf %broadcast_in_dim3A, %add3A_29 : vector<2048x1xf32>
    %neg3A = arith.constant 0.000000e+00 : f32
    %neg3A_31 = vector.broadcast %neg3A : f32 to vector<2048x1xf32>
    %neg3A_32 = arith.subf %neg3A_31, %add3A_30 : vector<2048x1xf32>
    %exp3A = math.exp %neg3A_32 : vector<2048x1xf32>
    %add3A_33 = arith.constant 1.000000e+00 : f32
    %add3A_34 = vector.broadcast %add3A_33 : f32 to vector<2048x1xf32>
    %add3A_35 = arith.addf %add3A_34, %exp3A : vector<2048x1xf32>
    %div3A = arith.constant 1.000000e+00 : f32
    %div3A_36 = vector.broadcast %div3A : f32 to vector<2048x1xf32>
    %div3A_37 = arith.divf %div3A_36, %add3A_35 : vector<2048x1xf32>
    %swap3A = arith.constant 0 : index
    %swap3A_38 = arith.constant 0 : index
    %swap3A_39 = vector.load %arg8[%swap3A, %swap3A_38] : memref<2048x1xf32, #tpu.memory_space<vmem>>, vector<2048x1xf32>
    tpu.vector_store %arg8[%swap3A, %swap3A_38], %div3A_37 {strides = array<i32>} : memref<2048x1xf32, #tpu.memory_space<vmem>>, vector<2048x1xf32>,
    return
  }
  func.func @transform_0(%arg0: i32) -> (i32, i32) {
    %c0_i32 = arith.constant 0 : i32
    %c0_i32_0 = arith.constant 0 : i32
    return %arg0, %c0_i32 : i32, i32
  }
  func.func @transform_1(%arg0: i32) -> (i32, i32) {
    %c0_i32 = arith.constant 0 : i32
    %c0_i32_0 = arith.constant 0 : i32
    return %arg0, %c0_i32 : i32, i32
  }
  func.func @transform_2(%arg0: i32) -> (i32, i32) {
    %c0_i32 = arith.constant 0 : i32
    %c0_i32_0 = arith.constant 0 : i32
    %c0_i32_1 = arith.constant 0 : i32
    return %c0_i32, %c0_i32_0 : i32, i32
  }
  func.func @transform_3(%arg0: i32) -> (i32, i32) {
    %c0_i32 = arith.constant 0 : i32
    %c0_i32_0 = arith.constant 0 : i32
    %c0_i32_1 = arith.constant 0 : i32
    return %c0_i32, %c0_i32_0 : i32, i32
  }
  func.func @transform_4(%arg0: i32) -> (i32, i32) {
    %c0_i32 = arith.constant 0 : i32
    %c0_i32_0 = arith.constant 0 : i32
    %c0_i32_1 = arith.constant 0 : i32
    return %c0_i32, %c0_i32_0 : i32, i32
  }
  func.func @transform_5(%arg0: i32) -> (i32, i32) {
    %c0_i32 = arith.constant 0 : i32
    %c0_i32_0 = arith.constant 0 : i32
    %c0_i32_1 = arith.constant 0 : i32
    return %c0_i32, %c0_i32_0 : i32, i32
  }
  func.func @transform_6(%arg0: i32) -> (i32, i32) {
    %c0_i32 = arith.constant 0 : i32
    %c0_i32_0 = arith.constant 0 : i32
    %c0_i32_1 = arith.constant 0 : i32
    return %c0_i32, %c0_i32_0 : i32, i32
  }
  func.func @transform_7(%arg0: i32) -> (i32, i32) {
    %c0_i32 = arith.constant 0 : i32
    %c0_i32_0 = arith.constant 0 : i32
    return %arg0, %c0_i32 : i32, i32
  }
}

</mosaic_0001>

<sc_bundles>
// kernel: kernel.4.cloned.1.call-start
scs
__scs_entry_jumppad:
0x0: {  	(pc) =	sbr.rel $0x88, $3  }
0x1: {  	(tag) =	ssettag $0x0;
	lr =	simm.s32 $0x1  }
0x2: {  	[smem:$0x3F99] =	sst lr;
	_ =	strace $0xD0000000  }
0x3: {  	_ = 	snop  }
0x4: {  	_ = 	snop  }
0x5: {  	_ = 	snop  }
0x6: {  	_ = 	snop  }
0x7: {  	_ = 	snop  }
__scs_overlays_trampoline_lowered:
0x8: {  	[smem:$0x3FA8] =	sst s0  }
0x9: {  	[smem:$0x3FA9] =	sst s1  }
0xa: {  	[smem:$0x3FAA] =	sst s2  }
0xb: {  	[smem:$0x3FAB] =	sst s3  }
0xc: {  	[smem:$0x3FAC] =	sst s4  }
0xd: {  	[smem:$0x3FAD] =	sst s5  }
0xe: {  	[smem:$0x3FAE] =	sst s6  }
0xf: {  	[smem:$0x3FAF] =	sst s7  }
0x10: {  	[smem:$0x3FB0] =	sst s8  }
0x11: {  	[smem:$0x3FB1] =	sst s9;
	s0 =	simm.s32 @!p0 $0x0  }
0x12: {  	s1 =	sld [smem:$0x3F97];
	s0 =	simm.s32 @p0 $0x1  }
0x13: {  	[smem:$0x3FB2] =	sst s0;
	s0 =	simm.s32 @!p1 $0x0  }
0x14: {  	s2 =	sld [smem:$0x3F96];
	s0 =	simm.s32 @p1 $0x1  }
0x15: {  	[smem:$0x3FB3] =	sst s0;
	s0 =	simm.s32 @!p2 $0x0  }
0x16: {  	s3 =	sld [smem:$0x3FDB];
	s0 =	simm.s32 @p2 $0x1  }
0x17: {  	s4 =	simm.s32 $0x1BF5;
	[smem:$0x3FB5] =	sst s0  }
0x18: {  	s0 =	sld [smem:$0x3F98];
	_ =	swait.ge [sflag:s4], $0x0  }
0x19: {  	s7 =	sld [smem:$0x3F99]  }
0x1a: {  	s8 =	sadd.s32 $0xFFFFE003, lr  }
0x1b: {  	s9 =	sadd.s32 $0xFFFFFEF7, lr;
	s5 =	simm.s32 $0xFFFFFFFF;
	p2 =	slt.u32 s8, $0xFFFFF086  }
0x1c: {  	p1 =	slt.u32 s9, $0xF7A;
	s5 =	simm.s32 @!p2 $0x0  }
0x1d: {  	s5 =	simm.s32 @p1 $0x1;
	p0 =	seq.s32 s7, s2  }
0x1e: {  	s7 =	smul.u32 @!p0 $0xF7A, s2;
	p2 =	seq.s32 @!p0 s5, $0x0  }
0x1f: {  	s9 =	smul.u32 $0xF7A, s1;
	s8 =	simm.s32 @!p0 $0x1BF5;
	p2 =	por !p2, p0  }
0x20: {  	[sflag:s8] =	ssyncset.s32 @!p0 $0xFFFFF086;
	s6 =	sadd.s32 @!p0 s3, s7;
	s7 =	simm.s32 @!p0 $0x108  }
0x21: {  	s3 =	sadd.s32 s3, s9;
	s6 =	sadd.s32 @!p0 $0x88, s6;
	s7 =	simm.s32 @p2 $0x1082  }
0x22: {  	[simem:s7], [sflag:s8] =	dma.local @!p0 [hbm:s6], $0xF7A  }
0x23: {  	s9 =	sor.u32 $0xD0000000, s2;
	s6 =	simm.s32 $0x108;
	_ =	swait.ge @!p0 [sflag:s8], $0x0  }
0x24: {  	s3 =	sadd.s32 $0x88, s3;
	s6 =	simm.s32 @!p1 $0x1082;
	[sflag:s4] =	ssyncset.s32 $0xFFFFF086  }
0x25: {  	[simem:s6], [sflag:s4] =	dma.local [hbm:s3], $0xF7A  }
0x26: {  	[smem:$0x3F99] =	sst s1;
	(tag) =	ssettag s2;
	_ =	strace s9  }
0x27: {  	s1 =	sld [smem:$0x3FA9]  }
0x28: {  	s2 =	sld [smem:$0x3FAA]  }
0x29: {  	s4 =	sld [smem:$0x3FAC]  }
0x2a: {  	p0 =	seq.s32 s5, $0x0;
	s5 =	sld [smem:$0x3FAD]  }
0x2b: {  	s6 =	sld [smem:$0x3FAE]  }
0x2c: {  	s7 =	sld [smem:$0x3FAF]  }
0x2d: {  	s3 =	simm.s32 $0x108;
	s8 =	sld [smem:$0x3FB0]  }
0x2e: {  	s3 =	simm.s32 @!p0 $0x1082;
	s9 =	sld [smem:$0x3FB1]  }
0x2f: {  	lr =	sadd.s32 s0, s3;
	s0 =	sld [smem:$0x3FA8]  }
0x30: {  	s3 =	sld [smem:$0x3FAB]  }
0x31: {  	[smem:$0x3FB4] =	sst s10  }
0x32: {  	s10 =	sld [smem:$0x3FB2];
	_ =	sdelay $0x3  }
0x33: {  	p0 =	seq.s32 s10, $0x1;
	s10 =	sld [smem:$0x3FB4];
	_ =	sdelay $0x3  }
0x34: {  	[smem:$0x3FB4] =	sst s10  }
0x35: {  	s10 =	sld [smem:$0x3FB3];
	_ =	sdelay $0x3  }
0x36: {  	p1 =	seq.s32 s10, $0x1;
	s10 =	sld [smem:$0x3FB4];
	_ =	sdelay $0x3  }
0x37: {  	[smem:$0x3FB4] =	sst s10  }
0x38: {  	s10 =	sld [smem:$0x3FB5]  }
0x39: {  	_ = 	snop;
	(pc) =	sbr.ind lr, $3  }
0x3a: {  	_ = 	snop  }
0x3b: {  	_ = 	snop  }
0x3c: {  	p2 =	seq.s32 s10, $0x1;
	s10 =	sld [smem:$0x3FB4]  }
0x3d: {  	_ =	shalt  }
0x3e: {  	_ =	shalt  }
0x3f: {  	_ =	shalt  }
0x40: {  	_ =	shalt  }
0x41: {  	_ =	shalt  }
0x42: {  	_ =	shalt  }
0x43: {  	_ =	shalt  }
0x44: {  	_ =	shalt  }
0x45: {  	_ =	shalt  }
0x46: {  	_ =	shalt  }
0x47: {  	_ =	shalt  }
0x48: {  	_ =	shalt  }
0x49: {  	_ =	shalt  }
0x4a: {  	_ =	shalt  }
0x4b: {  	_ =	shalt  }
0x4c: {  	_ =	shalt  }
0x4d: {  	_ =	shalt  }
0x4e: {  	_ =	shalt  }
0x4f: {  	_ =	shalt  }
0x50: {  	_ =	shalt  }
0x51: {  	_ =	shalt  }
0x52: {  	_ =	shalt  }
0x53: {  	_ =	shalt  }
0x54: {  	_ =	shalt  }
0x55: {  	_ =	shalt  }
0x56: {  	_ =	shalt  }
0x57: {  	_ =	shalt  }
0x58: {  	_ =	shalt  }
0x59: {  	_ =	shalt  }
0x5a: {  	_ =	shalt  }
0x5b: {  	_ =	shalt  }
0x5c: {  	_ =	shalt  }
0x5d: {  	_ =	shalt  }
0x5e: {  	_ =	shalt  }
0x5f: {  	_ =	shalt  }
0x60: {  	_ =	shalt  }
0x61: {  	_ =	shalt  }
0x62: {  	_ =	shalt  }
0x63: {  	_ =	shalt  }
0x64: {  	_ =	shalt  }
0x65: {  	_ =	shalt  }
0x66: {  	_ =	shalt  }
0x67: {  	_ =	shalt  }
0x68: {  	_ =	shalt  }
0x69: {  	_ =	shalt  }
0x6a: {  	_ =	shalt  }
0x6b: {  	_ =	shalt  }
0x6c: {  	_ =	shalt  }
0x6d: {  	_ =	shalt  }
0x6e: {  	_ =	shalt  }
0x6f: {  	_ =	shalt  }
0x70: {  	_ =	shalt  }
0x71: {  	_ =	shalt  }
0x72: {  	_ =	shalt  }
0x73: {  	_ =	shalt  }
0x74: {  	_ =	shalt  }
0x75: {  	_ =	shalt  }
0x76: {  	_ =	shalt  }
0x77: {  	_ =	shalt  }
0x78: {  	_ =	shalt  }
0x79: {  	_ =	shalt  }
0x7a: {  	_ =	shalt  }
0x7b: {  	_ =	shalt  }
0x7c: {  	_ =	shalt  }
0x7d: {  	_ =	shalt  }
0x7e: {  	_ =	shalt  }
0x7f: {  	_ =	shalt  }
0x80: {  	_ =	shalt  }
0x81: {  	_ =	shalt  }
0x82: {  	_ =	shalt  }
0x83: {  	_ =	shalt  }
0x84: {  	_ =	shalt  }
0x85: {  	_ =	shalt  }
0x86: {  	_ =	shalt  }
0x87: {  	_ =	shalt  }
.Lfunc_end0:
.L_simem_size_0:
called_computation_lowered:
.L_overlay_start_0:
0x88: {  	s2 =	sld [smem:$0x3FD9]  }
0x89: {  	s3 =	sld [smem:$0x3FFE];
	_ =	sdelay $0x1  }
0x8a: {  	s1 =	srdreg.scid  }
0x8b: {  	s0 =	sand.u32 $0x1, s1  }
0x8c: {  	s17 =	sshll.u32 s0, $0xA;
	s2 =	sadd.s32 s3, s2  }
0x8d: {  	s2 =	sadd.s32 s2, s17  }
0x8e: {  	[smem:$0x3FC0] =	sst s2  }
0x8f: {  	_ = 	snop  }
0x90: {  	s2 =	sld [smem:$0x3FC9]  }
0x91: {  	s18 =	sld [smem:$0x3FC8];
	(tm) =	ssettm $0x1  }
0x92: {  	s4 =	sld [smem:$0x3FFB];
	_ =	sdelay $0x3  }
0x93: {  	_ =	strace s4  }
0x94: {  	s4 =	sld [smem:$0x3FFC];
	_ =	sdelay $0x3  }
0x95: {  	_ =	strace s4  }
0x96: {  	s4 =	sld [smem:$0x3FFD];
	_ =	sdelay $0x3  }
0x97: {  	_ =	strace s4  }
0x98: {  	_ =	strace $0x8FFFFFFF  }
0x99: {  	s19 =	sld [smem:$0x3FDB];
	_ =	sdelay $0x1  }
0x9a: {  	s5 =	simm.s32 $_scs_section_size  }
0x9b: {  	s6 =	simm.s32 $_size__tile_overlayer_lowered;
	s7 =	simm.s32 $_tile_overlayer_lowered  }
0x9c: {  	s22 =	simm.s32 $0x1BFF;
	s21 =	sshll.u32 s7, $0x1;
	s4 =	sadd.s32 s5, s19  }
0x9d: {  	s8 =	simm.s32 $0x0;
	s20 =	sshll.u32 s6, $0x1;
	s6 =	sadd.s32 s21, s4  }
0x9e: {  	[timem:s8], [sflag:s22] =	dma.local [hbm:s6], s20  }
0x9f: {  	_ =	swait.ge [sflag:s22], s20  }
0xa0: {  	s5 =	ssub.s32 $0x0, s20;
	[sflag:s22] =	ssyncset.done $0x0  }
0xa1: {  	[sflag:s22] =	ssyncadd.s32 s5;
	_ =	sdelay $0x1  }
0xa2: {  	s23 =	simm.s32 $0x1B8B  }
0xa3: {  	_ =	swait.ge [sflag:s23], $0x1  }
0xa4: {  	[sflag:s23] =	ssyncset.done $0x0  }
0xa5: {  	s25 =	simm.s32 $0x1B8E;
	s24 =	sld [smem:$0x3FFE];
	[sflag:s23] =	ssyncadd.s32 $0xFFFFFFFF  }
0xa6: {  	s26 =	simm.s32 $execute0_lowered;
	[smem:$0x3FD2] =	sst s25  }
0xa7: {  	s6 =	sshll.u32 s26, $0x1;
	_ =	strace $0x80000046;
	[dreg:$0x1] =	wrdreg $0xFFFFFFFF  }
0xa8: {  	s28 =	simm.s32 $_size_execute0_lowered;
	s4 =	sadd.s32 s4, s6;
	[dreg:$0x0] =	wrdreg $0x0  }
0xa9: {  	s6 =	sshll.u32 s28, $0x1;
	[dreg:$0x2] =	wrdreg s4  }
0xaa: {  	[dreg:$0x3] =	wrdreg s6  }
0xab: {  	[dreg:$0x4] =	wrdreg $0xC0  }
0xac: {  	_ =	task [dreg:s8], $0x5FFFF  }
0xad: {  	[dreg:$0x1] =	wrdreg $0xFFFFFFFF  }
0xae: {  	[dreg:$0x0] =	wrdreg $0x60  }
0xaf: {  	[dreg:$0x2] =	wrdreg s2  }
0xb0: {  	[dreg:$0x3] =	wrdreg s18  }
0xb1: {  	[dreg:$0x4] =	wrdreg s24  }
0xb2: {  	[dreg:$0x5] =	wrdreg $0x9  }
0xb3: {  	_ =	task.clear_ibuf [dreg:s8], $0x6FFFF;
	_ =	strace $0x90000046  }
0xb4: {  	s29 =	simm.s32 $0x9;
	_ =	strace $0x80000048  }
0xb5: {  	_ =	swait.ge [sflag:s29], $0x1  }
0xb6: {  	[sflag:s29] =	ssyncadd.s32 $0xFFFFFFFF  }
0xb7: {  	_ =	strace $0x90000048  }
0xb8: {  	_ =	sfence  }
0xb9: {  	s30 =	sld [smem:$0x0];
	_ =	sdelay $0x2  }
0xba: {  	s31 =	sshll.u32 s1, $0xD;
	s1 =	sshrl.u32 s1, $0x2  }
0xbb: {  	s3 =	sand.u32 $0x4000, s31;
	s1 =	sadd.s32 s1, s30  }
0xbc: {  	s0 =	sor.u32 s3, s0;
	s1 =	sshll.u32 s1, $0x11  }
0xbd: {  	s0 =	sor.u32 s1, s0  }
0xbe: {  	s0 =	sadd.s32 $0x8F2B, s0  }
0xbf: {  	[sflag:s0] =	ssyncadd.remote.s32 $0x1  }
0xc0: {  	_ =	sfence.sel $0xFFFF  }
0xc1: {  	[dreg:$0x0] =	wrdreg $0xFFFFFFFF;
	(pc) =	sbr.abs _section_cstart, $3  }
0xc2: {  	[dreg:$0x1] =	wrdreg $0xFFFFFFFF  }
0xc3: {  	_ =	task.clear_ibuf [dreg:s8], $0x2FFFF;
	_ =	strace $0x9FFFFFFF  }
0xc4: {  	(tm) =	ssettm $0x7FFFFFFF  }
0xc5: {  	_ =	shalt  }
tec
execute0_lowered:
.L_overlay_start_1:
0x0: {  	(tag) =	ssettag $0x1  }
0x1: {  	s0 =	rddreg [dreg:$0x0]  }
0x2: {  	s2 =	rddreg [dreg:$0x1]  }
0x3: {  	s5 =	rddreg [dreg:$0x2];
	s4 =	srdreg.scid  }
0x4: {  	s1 =	simm.s32 $0x0;
	s7 =	stileid.u32;
	s6 =	sand.u32 $0x1, s4  }
0x5: {  	[smem:$0x7FF] =	sst s1;
	s7 =	sshll.u32 s7, $0xA;
	s8 =	sshll.u32 s6, $0x9  }
0x6: {  	s3 =	sadd.s32 $0xE00, s5;
	s4 =	sadd.s32 $0xF43200, s5;
	s7 =	sor.u32 s8, s7  }
0x7: {  	s9 =	sadd.s32 $0x1E85600, s5;
	s6 =	ssub.s32 $0x2, s6;
	s10 =	sshrl.u32 s7, $0x3  }
0x8: {  	_ =	strace $0x80000047;
	s24 =	sshrl.u32 s6, $0x1;
	s0 =	sadd.s32 s0, s10  }
0x9: {  	s25 =	sshll.u32 s7, $0x4;
	s2 =	sadd.s32 s2, s10;
	[dreg:$0x16] =	wrdreg s0  }
0xa: {  	s6 =	ssub.s32 s6, s24;
	s26 =	sadd.s32 s9, s25;
	[dreg:$0x17] =	wrdreg s2  }
0xb: {  	s5 =	sadd.s32 $0x1EC5600, s5;
	s31 =	smax.u32 s6, $0x1;
	[dreg:$0x18] =	wrdreg s26  }
0xc: {  	s28 =	sor.u32 $0x1000, s25;
	s0 =	sadd.s32 s5, s25;
	[dreg:$0x1c] =	wrdreg s31  }
0xd: {  	s29 =	sadd.s32 s9, s28;
	[dreg:$0x19] =	wrdreg s0  }
0xe: {  	s30 =	sadd.s32 s5, s28;
	[dreg:$0x1a] =	wrdreg s29  }
0xf: {  	s5 =	simm.s32 $0x11;
	s2 =	simm.s32 $0x0;
	[dreg:$0x1b] =	wrdreg s30  }
.LBB2_1:
0x10: {  	[dreg:$0x1d] =	wrdreg s2  }
0x11: {  	s0 =	rddreg [dreg:$0x16]  }
0x12: {  	[tilespmem:s1], [sflag:$0x11] =	stream.linear.gather [hbm4b:s0+s1], $0x200, $0x38;
	[tilespmem:$0x10400] =	vst v63  }
0x13: {  	_ =	swait.ge [sflag:s5], $0x200  }
0x14: {  	[sflag:s5] =	ssyncset.done $0x0  }
0x15: {  	s13 =	simm.s32 $0x200;
	s14 =	rddreg [dreg:$0x17];
	[sflag:s5] =	ssyncadd.s32 $0xFFFFFE00  }
0x16: {  	[tilespmem:s13], [sflag:$0x11] =	stream.linear.gather [hbm4b:s14+s1], $0x200, $0x38;
	[tilespmem:$0x10400] =	vst v63  }
0x17: {  	_ =	swait.ge [sflag:s5], $0x200  }
0x18: {  	[sflag:s5] =	ssyncset.done $0x0  }
0x19: {  	[sflag:s5] =	ssyncadd.s32 $0xFFFFFE00  }
0x1a: {  	v0 =	vld [tilespmem:s1+$0x0];
	_ =	sdelay $0x1  }
0x1b: {  	v2 =	vld [tilespmem:s13+$0x0];
	_ =	sdelay $0x2  }
0x1c: {  	v1 =	vshll.u32 v0, $0x4  }
0x1d: {  	(v2sf) =	vpush v1, $0x0  }
0x1e: {  	v63 =	vshll.u32 v2, $0x4  }
0x1f: {  	(v2sf) =	vpush v63, $0x0;
	_ =	sdelay $0x1  }
0x20: {  	(v2sf) =	vpush v1, $0x1  }
0x21: {  	(v2sf) =	vpush v63, $0x1;
	_ =	sdelay $0x1  }
0x22: {  	(v2sf) =	vpush v1, $0x2;
	_ =	sdelay $0x1  }
0x23: {  	(v2sf) =	vpush v63, $0x2;
	_ =	sdelay $0x1  }
0x24: {  	s2 =	simm.s32 $0x0;
	(v2sf) =	vpush v1, $0x3  }
0x25: {  	s6 =	simm.s32 $0x8400;
	s10 =	simm.s32 $0x880;
	s7 =	simm.s32 $0x400  }
0x26: {  	s11 =	simm.s32 $0x600;
	s9 =	simm.s32 $0x8900;
	s12 =	simm.s32 $0x580  }
0x27: {  	s17 =	simm.s32 $0x480;
	s20 =	simm.s32 $0x8480;
	s22 =	simm.s32 $0x500  }
0x28: {  	s25 =	simm.s32 $0x8500;
	s31 =	simm.s32 $0xA00;
	s8 =	spop (v2sf);
	(v2sf) =	vpush v63, $0x3  }
0x29: {  	s30 =	simm.s32 $0xB00;
	s0 =	simm.s32 $0x680;
	s8 =	sand.u32 $0x1FFFFFF0, s8  }
0x2a: {  	s5 =	simm.s32 $0x2000;
	s13 =	spop (v2sf);
	s8 =	sadd.s32 s3, s8  }
0x2b: {  	(v2sf) =	vpush v1, $0x4;
	[tilespmem:s7], [sflag:$0x1] =	stream.linear.gather [hbm4b:s8+s1], $0x80, $0x38;
	[tilespmem:$0x10400] =	vst v63  }
0x2c: {  	s15 =	sand.u32 $0x1FFFFFF0, s13;
	s16 =	spop (v2sf);
	s7 =	simm.s32 $0x8580  }
0x2d: {  	(v2sf) =	vpush v63, $0x4;
	s8 =	sadd.s32 s4, s15;
	s13 =	sand.u32 $0x1FFFFFF0, s16;
	s14 =	spop (v2sf)  }
0x2e: {  	(v2sf) =	vpush v1, $0x5;
	[tilespmem:s6], [sflag:$0x9] =	stream.linear.gather [hbm4b:s8+s1], $0x80, $0x38;
	[tilespmem:$0x10400] =	vst v63  }
0x2f: {  	s18 =	sadd.s32 s3, s13;
	s19 =	sand.u32 $0x1FFFFFF0, s14;
	s21 =	spop (v2sf);
	(v2sf) =	vpush v63, $0x5  }
0x30: {  	[tilespmem:s17], [sflag:$0x2] =	stream.linear.gather [hbm4b:s18+s1], $0x80, $0x38;
	[tilespmem:$0x10400] =	vst v63  }
0x31: {  	s13 =	sadd.s32 s4, s19;
	(v2sf) =	vpush v1, $0x6;
	s8 =	sand.u32 $0x1FFFFFF0, s21;
	s23 =	spop (v2sf)  }
0x32: {  	[tilespmem:s20], [sflag:$0xA] =	stream.linear.gather [hbm4b:s13+s1], $0x80, $0x38;
	[tilespmem:$0x10400] =	vst v63  }
0x33: {  	s8 =	sadd.s32 s3, s8;
	s24 =	spop (v2sf);
	(v2sf) =	vpush v63, $0x6;
	s13 =	sand.u32 $0x1FFFFFF0, s23  }
0x34: {  	[tilespmem:s22], [sflag:$0x3] =	stream.linear.gather [hbm4b:s8+s1], $0x80, $0x38;
	[tilespmem:$0x10400] =	vst v63  }
0x35: {  	s14 =	simm.s32 $0x8600;
	s28 =	sand.u32 $0x1FFFFFF0, s24;
	s26 =	sadd.s32 s4, s13  }
0x36: {  	[tilespmem:s25], [sflag:$0xB] =	stream.linear.gather [hbm4b:s26+s1], $0x80, $0x38;
	[tilespmem:$0x10400] =	vst v63  }
0x37: {  	s19 =	simm.s32 $0x8A00;
	s13 =	sadd.s32 s3, s28;
	s29 =	spop (v2sf)  }
0x38: {  	[tilespmem:s12], [sflag:$0x4] =	stream.linear.gather [hbm4b:s13+s1], $0x80, $0x38;
	[tilespmem:$0x10400] =	vst v63  }
0x39: {  	s20 =	simm.s32 $0x8680;
	s22 =	simm.s32 $0x700;
	(v2sf) =	vpush v1, $0x7;
	s6 =	sand.u32 $0x1FFFFFF0, s29  }
0x3a: {  	s13 =	simm.s32 $0x8700;
	s15 =	spop (v2sf);
	s6 =	sadd.s32 s4, s6  }
0x3b: {  	(v2sf) =	vpush v63, $0x7;
	[tilespmem:s7], [sflag:$0xC] =	stream.linear.gather [hbm4b:s6+s1], $0x80, $0x38;
	[tilespmem:$0x10400] =	vst v63  }
0x3c: {  	s12 =	sand.u32 $0x1FFFFFF0, s15;
	s16 =	spop (v2sf);
	(v2sf) =	vpush v1, $0x8;
	s7 =	simm.s32 $0xA80  }
0x3d: {  	s17 =	sadd.s32 s3, s12;
	s18 =	sand.u32 $0x1FFFFFF0, s16;
	s21 =	spop (v2sf)  }
0x3e: {  	(v2sf) =	vpush v63, $0x8;
	s16 =	simm.s32 $0x780;
	s12 =	sadd.s32 s4, s18;
	s24 =	spop (v2sf)  }
0x3f: {  	(v2sf) =	vpush v1, $0x9;
	[tilespmem:s11], [sflag:$0x5] =	stream.linear.gather [hbm4b:s17+s1], $0x80, $0x38;
	[tilespmem:$0x10400] =	vst v63  }
0x40: {  	s23 =	sand.u32 $0x1FFFFFF0, s21;
	s11 =	sand.u32 $0x1FFFFFF0, s24;
	s25 =	spop (v2sf)  }
0x41: {  	[tilespmem:s14], [sflag:$0xD] =	stream.linear.gather [hbm4b:s12+s1], $0x80, $0x38;
	[tilespmem:$0x10400] =	vst v63  }
0x42: {  	s8 =	sadd.s32 s3, s23;
	s26 =	sadd.s32 s4, s11;
	s29 =	spop (v2sf)  }
0x43: {  	(v2sf) =	vpush v63, $0x9;
	[tilespmem:s0], [sflag:$0x6] =	stream.linear.gather [hbm4b:s8+s1], $0x80, $0x38;
	[tilespmem:$0x10400] =	vst v63  }
0x44: {  	s28 =	sand.u32 $0x1FFFFFF0, s25;
	s25 =	simm.s32 $0x8800;
	s6 =	sand.u32 $0x1FFFFFF0, s29  }
0x45: {  	(v2sf) =	vpush v1, $0xA;
	[tilespmem:s20], [sflag:$0xE] =	stream.linear.gather [hbm4b:s26+s1], $0x80, $0x38;
	[tilespmem:$0x10400] =	vst v63  }
0x46: {  	s11 =	sadd.s32 s3, s28;
	s29 =	simm.s32 $0x8880;
	s6 =	sadd.s32 s4, s6  }
0x47: {  	(v2sf) =	vpush v63, $0xA;
	[tilespmem:s22], [sflag:$0x7] =	stream.linear.gather [hbm4b:s11+s1], $0x80, $0x38;
	[tilespmem:$0x10400] =	vst v63  }
0x48: {  	s0 =	simm.s32 $0x8980;
	s8 =	simm.s32 $0x8A80;
	s14 =	spop (v2sf)  }
0x49: {  	(v2sf) =	vpush v1, $0xB;
	[tilespmem:s13], [sflag:$0xF] =	stream.linear.gather [hbm4b:s6+s1], $0x80, $0x38;
	[tilespmem:$0x10400] =	vst v63  }
0x4a: {  	s20 =	simm.s32 $0x8780;
	s12 =	sand.u32 $0x1FFFFFF0, s14;
	s15 =	spop (v2sf)  }
0x4b: {  	s22 =	simm.s32 $0x800;
	(v2sf) =	vpush v63, $0xB;
	s17 =	sadd.s32 s3, s12;
	s21 =	spop (v2sf)  }
0x4c: {  	[tilespmem:s16], [sflag:$0x8] =	stream.linear.gather [hbm4b:s17+s1], $0x80, $0x38;
	[tilespmem:$0x10400] =	vst v63  }
0x4d: {  	s14 =	simm.s32 $0x900;
	s18 =	sand.u32 $0x1FFFFFF0, s15;
	s23 =	spop (v2sf)  }
0x4e: {  	s12 =	sadd.s32 s4, s18;
	s11 =	sand.u32 $0x1FFFFFF0, s21;
	s24 =	spop (v2sf)  }
0x4f: {  	(v2sf) =	vpush v1, $0xC;
	[tilespmem:s20], [sflag:$0x10] =	stream.linear.gather [hbm4b:s12+s1], $0x80, $0x38;
	[tilespmem:$0x10400] =	vst v63  }
0x50: {  	s11 =	sadd.s32 s3, s11;
	s12 =	sand.u32 $0x1FFFFFF0, s23;
	s28 =	sand.u32 $0x1FFFFFF0, s24  }
0x51: {  	(v2sf) =	vpush v63, $0xC;
	[tilespmem:s22], [sflag:$0x1] =	stream.linear.gather [hbm4b:s11+s1], $0x80, $0x38;
	[tilespmem:$0x10400] =	vst v63  }
0x52: {  	s13 =	spop (v2sf);
	s24 =	simm.s32 $0x980;
	s26 =	sadd.s32 s4, s12  }
0x53: {  	[tilespmem:s25], [sflag:$0x9] =	stream.linear.gather [hbm4b:s26+s1], $0x80, $0x38;
	[tilespmem:$0x10400] =	vst v63  }
0x54: {  	s12 =	sadd.s32 s3, s28;
	s15 =	spop (v2sf);
	s11 =	sand.u32 $0x1FFFFFF0, s13  }
0x55: {  	[tilespmem:s10], [sflag:$0x2] =	stream.linear.gather [hbm4b:s12+s1], $0x80, $0x38;
	[tilespmem:$0x10400] =	vst v63  }
0x56: {  	s16 =	spop (v2sf);
	s11 =	sadd.s32 s4, s11;
	s12 =	sand.u32 $0x1FFFFFF0, s15  }
0x57: {  	[tilespmem:s29], [sflag:$0xA] =	stream.linear.gather [hbm4b:s11+s1], $0x80, $0x38;
	[tilespmem:$0x10400] =	vst v63  }
0x58: {  	s18 =	sand.u32 $0x1FFFFFF0, s16;
	s17 =	sadd.s32 s3, s12;
	s20 =	spop (v2sf)  }
0x59: {  	[tilespmem:s14], [sflag:$0x3] =	stream.linear.gather [hbm4b:s17+s1], $0x80, $0x38;
	[tilespmem:$0x10400] =	vst v63  }
0x5a: {  	s21 =	sadd.s32 s4, s18;
	s22 =	sand.u32 $0x1FFFFFF0, s20;
	s23 =	spop (v2sf)  }
0x5b: {  	(v2sf) =	vpush v1, $0xD;
	[tilespmem:s9], [sflag:$0xB] =	stream.linear.gather [hbm4b:s21+s1], $0x80, $0x38;
	[tilespmem:$0x10400] =	vst v63  }
0x5c: {  	s10 =	simm.s32 $0x210;
	(v2sf) =	vpush v63, $0xD;
	s25 =	sadd.s32 s3, s22;
	s26 =	sand.u32 $0x1FFFFFF0, s23  }
0x5d: {  	(v2sf) =	vpush v1, $0xE;
	[tilespmem:s24], [sflag:$0x4] =	stream.linear.gather [hbm4b:s25+s1], $0x80, $0x38;
	[tilespmem:$0x10400] =	vst v63  }
0x5e: {  	s11 =	simm.s32 $0x8B00;
	s28 =	sadd.s32 s4, s26;
	(v2sf) =	vpush v63, $0xE;
	s29 =	spop (v2sf)  }
0x5f: {  	(v2sf) =	vpush v1, $0xF;
	[tilespmem:s0], [sflag:$0xC] =	stream.linear.gather [hbm4b:s28+s1], $0x80, $0x38;
	[tilespmem:$0x10400] =	vst v63  }
0x60: {  	s9 =	simm.s32 $0x10;
	s6 =	spop (v2sf);
	(v2sf) =	vpush v63, $0xF;
	s0 =	sand.u32 $0x1FFFFFF0, s29  }
.LBB2_2:
0x61: {  	_ =	sdelay $0x4  }
0x62: {  	s0 =	sadd.s32 s3, s0;
	s6 =	sand.u32 $0x1FFFFFF0, s6  }
0x63: {  	[tilespmem:s31], [sflag:$0x5] =	stream.linear.gather [hbm4b:s0+s1], $0x80, $0x38;
	[tilespmem:$0x10400] =	vst v63  }
0x64: {  	s6 =	sadd.s32 s4, s6  }
0x65: {  	[tilespmem:s19], [sflag:$0xD] =	stream.linear.gather [hbm4b:s6+s1], $0x80, $0x38;
	[tilespmem:$0x10400] =	vst v63  }
0x66: {  	s12 =	spop (v2sf)  }
0x67: {  	s12 =	sand.u32 $0x1FFFFFF0, s12;
	s13 =	spop (v2sf)  }
0x68: {  	s14 =	sadd.s32 s3, s12;
	s15 =	sand.u32 $0x1FFFFFF0, s13;
	s16 =	spop (v2sf)  }
0x69: {  	[tilespmem:s7], [sflag:$0x6] =	stream.linear.gather [hbm4b:s14+s1], $0x80, $0x38;
	[tilespmem:$0x10400] =	vst v63  }
0x6a: {  	s17 =	sadd.s32 s4, s15;
	s18 =	sand.u32 $0x1FFFFFF0, s16;
	s19 =	spop (v2sf)  }
0x6b: {  	[tilespmem:s8], [sflag:$0xE] =	stream.linear.gather [hbm4b:s17+s1], $0x80, $0x38;
	[tilespmem:$0x10400] =	vst v63  }
0x6c: {  	s20 =	sadd.s32 s3, s18;
	s21 =	sand.u32 $0x1FFFFFF0, s19;
	s22 =	spop (v2sf)  }
0x6d: {  	[tilespmem:s30], [sflag:$0x7] =	stream.linear.gather [hbm4b:s20+s1], $0x80, $0x38;
	[tilespmem:$0x10400] =	vst v63  }
0x6e: {  	s23 =	sadd.s32 s4, s21;
	s24 =	sand.u32 $0x1FFFFFF0, s22;
	s25 =	spop (v2sf)  }
0x6f: {  	[tilespmem:s11], [sflag:$0xF] =	stream.linear.gather [hbm4b:s23+s1], $0x80, $0x38;
	[tilespmem:$0x10400] =	vst v63  }
0x70: {  	s26 =	sadd.s32 $0xB80, s2;
	s6 =	sadd.s32 s3, s24;
	s7 =	sand.u32 $0x1FFFFFF0, s25  }
0x71: {  	[tilespmem:s26], [sflag:$0x8] =	stream.linear.gather [hbm4b:s6+s1], $0x80, $0x38;
	[tilespmem:$0x10400] =	vst v63  }
0x72: {  	s28 =	sadd.s32 $0x8B80, s2;
	s29 =	sadd.s32 s4, s7  }
0x73: {  	[tilespmem:s28], [sflag:$0x10] =	stream.linear.gather [hbm4b:s29+s1], $0x80, $0x38;
	[tilespmem:$0x10400] =	vst v63  }
0x74: {  	v0 =	vld [tilespmem:s9+$0x0]  }
0x75: {  	v2 =	vld [tilespmem:s10+$0x0];
	_ =	sdelay $0x3  }
0x76: {  	v1 =	vshll.u32 v0, $0x4  }
0x77: {  	v63 =	vshll.u32 v2, $0x4;
	(v2sf) =	vpush v1, $0x0  }
0x78: {  	s6 =	smov.u32 s5;
	(v2sf) =	vpush v63, $0x0  }
0x79: {  	p0 =	sne.s32 s5, $0x1E000;
	s5 =	sadd.s32 $0x2000, s5;
	s2 =	sshra.s32 s6, $0x2;
	(v2sf) =	vpush v1, $0x1  }
0x7a: {  	s14 =	sadd.s32 $0x8400, s2;
	s21 =	sadd.s32 $0x680, s2;
	s0 =	sadd.s32 $0x880, s2  }
0x7b: {  	s16 =	sadd.s32 $0x400, s2;
	s28 =	sadd.s32 $0x600, s2;
	s7 =	sadd.s32 $0x8900, s2;
	(v2sf) =	vpush v63, $0x1  }
0x7c: {  	s12 =	sadd.s32 $0x580, s2;
	s19 =	sadd.s32 $0x8A00, s2;
	s13 =	sadd.s32 $0x500, s2  }
0x7d: {  	s29 =	sadd.s32 $0x8600, s2;
	s8 =	sadd.s32 $0xA80, s2;
	[dreg:$0xc] =	wrdreg s0;
	(v2sf) =	vpush v1, $0x2  }
0x7e: {  	s15 =	sadd.s32 $0x8480, s2;
	s6 =	sadd.s32 $0x8500, s2;
	[dreg:$0x6] =	wrdreg s7  }
0x7f: {  	s26 =	sadd.s32 $0x8680, s2;
	s11 =	sadd.s32 $0x8980, s2;
	[dreg:$0x4] =	wrdreg s8;
	(v2sf) =	vpush v63, $0x2  }
0x80: {  	s25 =	sadd.s32 $0x700, s2;
	s17 =	sadd.s32 $0x8A80, s2;
	[dreg:$0x8] =	wrdreg s11  }
0x81: {  	s24 =	sadd.s32 $0x8700, s2;
	s18 =	sadd.s32 $0x8880, s2;
	[dreg:$0xa] =	wrdreg s17;
	(v2sf) =	vpush v1, $0x3  }
0x82: {  	s20 =	sadd.s32 $0x900, s2;
	s23 =	sadd.s32 $0x780, s2;
	[dreg:$0x10] =	wrdreg s18  }
0x83: {  	s22 =	sadd.s32 $0x8800, s2;
	s31 =	sadd.s32 $0xA00, s2;
	[dreg:$0xe] =	wrdreg s20;
	(v2sf) =	vpush v63, $0x3  }
0x84: {  	s30 =	sadd.s32 $0xB00, s2;
	s0 =	sadd.s32 $0x8580, s2;
	[dreg:$0x14] =	wrdreg s22  }
0x85: {  	s17 =	sadd.s32 $0x480, s2;
	s22 =	sadd.s32 $0x8780, s2;
	s20 =	sadd.s32 $0x800, s2;
	(v2sf) =	vpush v1, $0x4  }
0x86: {  	s9 =	sadd.s32 $0x10, s9;
	s8 =	sadd.s32 $0x980, s2;
	s18 =	spop (v2sf)  }
0x87: {  	[dreg:$0x12] =	wrdreg s8;
	s18 =	sand.u32 $0x1FFFFFF0, s18;
	s8 =	spop (v2sf);
	(v2sf) =	vpush v63, $0x4  }
0x88: {  	s18 =	sadd.s32 s3, s18;
	s7 =	sand.u32 $0x1FFFFFF0, s8;
	s8 =	spop (v2sf)  }
0x89: {  	(v2sf) =	vpush v1, $0x5;
	[tilespmem:s16], [sflag:$0x1] =	stream.linear.gather [hbm4b:s18+s1], $0x80, $0x38;
	[tilespmem:$0x10400] =	vst v63  }
0x8a: {  	s7 =	sadd.s32 s4, s7;
	s8 =	sand.u32 $0x1FFFFFF0, s8;
	s18 =	spop (v2sf)  }
0x8b: {  	(v2sf) =	vpush v63, $0x5;
	[tilespmem:s14], [sflag:$0x9] =	stream.linear.gather [hbm4b:s7+s1], $0x80, $0x38;
	[tilespmem:$0x10400] =	vst v63  }
0x8c: {  	s16 =	sand.u32 $0x1FFFFFF0, s18;
	s18 =	spop (v2sf);
	(v2sf) =	vpush v1, $0x6;
	s14 =	sadd.s32 s3, s8  }
0x8d: {  	[tilespmem:s17], [sflag:$0x2] =	stream.linear.gather [hbm4b:s14+s1], $0x80, $0x38;
	[tilespmem:$0x10400] =	vst v63  }
0x8e: {  	s16 =	sadd.s32 s4, s16;
	s17 =	sand.u32 $0x1FFFFFF0, s18;
	s18 =	spop (v2sf);
	(v2sf) =	vpush v63, $0x6  }
0x8f: {  	[tilespmem:s15], [sflag:$0xA] =	stream.linear.gather [hbm4b:s16+s1], $0x80, $0x38;
	[tilespmem:$0x10400] =	vst v63  }
0x90: {  	s16 =	sadd.s32 s3, s17;
	s17 =	sand.u32 $0x1FFFFFF0, s18;
	s18 =	spop (v2sf);
	(v2sf) =	vpush v1, $0x7  }
0x91: {  	[tilespmem:s13], [sflag:$0x3] =	stream.linear.gather [hbm4b:s16+s1], $0x80, $0x38;
	[tilespmem:$0x10400] =	vst v63  }
0x92: {  	s14 =	sand.u32 $0x1FFFFFF0, s18;
	s15 =	spop (v2sf);
	s13 =	sadd.s32 s4, s17  }
0x93: {  	[tilespmem:s6], [sflag:$0xB] =	stream.linear.gather [hbm4b:s13+s1], $0x80, $0x38;
	[tilespmem:$0x10400] =	vst v63  }
0x94: {  	(v2sf) =	vpush v63, $0x7;
	s16 =	sadd.s32 s3, s14;
	s17 =	sand.u32 $0x1FFFFFF0, s15;
	s18 =	spop (v2sf)  }
0x95: {  	[tilespmem:s12], [sflag:$0x4] =	stream.linear.gather [hbm4b:s16+s1], $0x80, $0x38;
	[tilespmem:$0x10400] =	vst v63  }
0x96: {  	(v2sf) =	vpush v1, $0x8;
	s7 =	sadd.s32 s4, s17;
	s12 =	sand.u32 $0x1FFFFFF0, s18;
	s13 =	spop (v2sf)  }
0x97: {  	[tilespmem:s0], [sflag:$0xC] =	stream.linear.gather [hbm4b:s7+s1], $0x80, $0x38;
	[tilespmem:$0x10400] =	vst v63  }
0x98: {  	s10 =	sadd.s32 $0x10, s10;
	(v2sf) =	vpush v63, $0x8;
	s14 =	sadd.s32 s3, s12;
	s16 =	spop (v2sf)  }
0x99: {  	[tilespmem:s28], [sflag:$0x5] =	stream.linear.gather [hbm4b:s14+s1], $0x80, $0x38;
	[tilespmem:$0x10400] =	vst v63  }
0x9a: {  	s11 =	sadd.s32 $0x8B00, s2;
	s15 =	sand.u32 $0x1FFFFFF0, s13;
	s28 =	spop (v2sf)  }
0x9b: {  	(v2sf) =	vpush v1, $0x9;
	s17 =	sadd.s32 s4, s15;
	s18 =	sand.u32 $0x1FFFFFF0, s16;
	s13 =	spop (v2sf)  }
0x9c: {  	(v2sf) =	vpush v63, $0x9;
	[tilespmem:s29], [sflag:$0xD] =	stream.linear.gather [hbm4b:s17+s1], $0x80, $0x38;
	[tilespmem:$0x10400] =	vst v63  }
0x9d: {  	s8 =	sadd.s32 s3, s18;
	s12 =	sand.u32 $0x1FFFFFF0, s28;
	s16 =	spop (v2sf)  }
0x9e: {  	[tilespmem:s21], [sflag:$0x6] =	stream.linear.gather [hbm4b:s8+s1], $0x80, $0x38;
	[tilespmem:$0x10400] =	vst v63  }
0x9f: {  	s14 =	sadd.s32 s4, s12;
	s15 =	sand.u32 $0x1FFFFFF0, s13;
	s21 =	spop (v2sf)  }
0xa0: {  	(v2sf) =	vpush v1, $0xA;
	[tilespmem:s26], [sflag:$0xE] =	stream.linear.gather [hbm4b:s14+s1], $0x80, $0x38;
	[tilespmem:$0x10400] =	vst v63  }
0xa1: {  	s17 =	sadd.s32 s3, s15;
	s18 =	sand.u32 $0x1FFFFFF0, s16;
	s28 =	sand.u32 $0x1FFFFFF0, s21  }
0xa2: {  	(v2sf) =	vpush v63, $0xA;
	[tilespmem:s25], [sflag:$0x7] =	stream.linear.gather [hbm4b:s17+s1], $0x80, $0x38;
	[tilespmem:$0x10400] =	vst v63  }
0xa3: {  	s26 =	sadd.s32 s4, s18;
	s29 =	spop (v2sf);
	s6 =	sadd.s32 s3, s28  }
0xa4: {  	[tilespmem:s24], [sflag:$0xF] =	stream.linear.gather [hbm4b:s26+s1], $0x80, $0x38;
	[tilespmem:$0x10400] =	vst v63  }
0xa5: {  	s8 =	sand.u32 $0x1FFFFFF0, s29;
	s12 =	spop (v2sf);
	s29 =	rddreg [dreg:$0xc]  }
0xa6: {  	(v2sf) =	vpush v1, $0xB;
	[tilespmem:s23], [sflag:$0x8] =	stream.linear.gather [hbm4b:s6+s1], $0x80, $0x38;
	[tilespmem:$0x10400] =	vst v63  }
0xa7: {  	s13 =	sadd.s32 s4, s8;
	s14 =	sand.u32 $0x1FFFFFF0, s12;
	s15 =	spop (v2sf)  }
0xa8: {  	(v2sf) =	vpush v63, $0xB;
	s8 =	rddreg [dreg:$0xa];
	s16 =	sadd.s32 s3, s14;
	s17 =	sand.u32 $0x1FFFFFF0, s15  }
0xa9: {  	(v2sf) =	vpush v1, $0xC;
	[tilespmem:s22], [sflag:$0x10] =	stream.linear.gather [hbm4b:s13+s1], $0x80, $0x38;
	[tilespmem:$0x10400] =	vst v63  }
0xaa: {  	s24 =	rddreg [dreg:$0x14];
	s18 =	spop (v2sf);
	s21 =	sadd.s32 s4, s17  }
0xab: {  	(v2sf) =	vpush v63, $0xC;
	s22 =	sand.u32 $0x1FFFFFF0, s18;
	s13 =	rddreg [dreg:$0x10];
	s23 =	spop (v2sf)  }
0xac: {  	[tilespmem:s20], [sflag:$0x1] =	stream.linear.gather [hbm4b:s16+s1], $0x80, $0x38;
	[tilespmem:$0x10400] =	vst v63  }
0xad: {  	s17 =	rddreg [dreg:$0xe];
	s25 =	sadd.s32 s3, s22;
	s26 =	sand.u32 $0x1FFFFFF0, s23  }
0xae: {  	[tilespmem:s24], [sflag:$0x9] =	stream.linear.gather [hbm4b:s21+s1], $0x80, $0x38;
	[tilespmem:$0x10400] =	vst v63  }
0xaf: {  	s22 =	rddreg [dreg:$0x6];
	s28 =	spop (v2sf);
	s6 =	sadd.s32 s4, s26  }
0xb0: {  	[tilespmem:s29], [sflag:$0x2] =	stream.linear.gather [hbm4b:s25+s1], $0x80, $0x38;
	[tilespmem:$0x10400] =	vst v63  }
0xb1: {  	s7 =	sand.u32 $0x1FFFFFF0, s28;
	s26 =	rddreg [dreg:$0x12];
	s12 =	spop (v2sf)  }
0xb2: {  	[tilespmem:s13], [sflag:$0xA] =	stream.linear.gather [hbm4b:s6+s1], $0x80, $0x38;
	[tilespmem:$0x10400] =	vst v63  }
0xb3: {  	s14 =	sadd.s32 s3, s7;
	s7 =	rddreg [dreg:$0x4];
	s15 =	sand.u32 $0x1FFFFFF0, s12  }
0xb4: {  	[tilespmem:s17], [sflag:$0x3] =	stream.linear.gather [hbm4b:s14+s1], $0x80, $0x38;
	[tilespmem:$0x10400] =	vst v63  }
0xb5: {  	s16 =	spop (v2sf);
	s18 =	sadd.s32 s4, s15;
	s29 =	rddreg [dreg:$0x8]  }
0xb6: {  	(v2sf) =	vpush v1, $0xD;
	[tilespmem:s22], [sflag:$0xB] =	stream.linear.gather [hbm4b:s18+s1], $0x80, $0x38;
	[tilespmem:$0x10400] =	vst v63  }
.Ltmp0:
0xb7: {  	(v2sf) =	vpush v63, $0xD;
	s20 =	sand.u32 $0x1FFFFFF0, s16;
	s21 =	spop (v2sf);
	(pc) =	sbr.rel @p0 .LBB2_2-.Ltmp0, $4  }
0xb8: {  	(v2sf) =	vpush v1, $0xE;
	s23 =	sadd.s32 s3, s20;
	s24 =	sand.u32 $0x1FFFFFF0, s21;
	s25 =	spop (v2sf)  }
0xb9: {  	(v2sf) =	vpush v63, $0xE;
	[tilespmem:s26], [sflag:$0x4] =	stream.linear.gather [hbm4b:s23+s1], $0x80, $0x38;
	[tilespmem:$0x10400] =	vst v63  }
0xba: {  	(v2sf) =	vpush v1, $0xF;
	s28 =	sadd.s32 s4, s24;
	s0 =	sand.u32 $0x1FFFFFF0, s25;
	s6 =	spop (v2sf)  }
0xbb: {  	(v2sf) =	vpush v63, $0xF;
	[tilespmem:s29], [sflag:$0xC] =	stream.linear.gather [hbm4b:s28+s1], $0x80, $0x38;
	[tilespmem:$0x10400] =	vst v63  }
0xbc: {  	_ =	sdelay $0x4  }
0xbd: {  	s0 =	sadd.s32 s3, s0;
	s5 =	sand.u32 $0x1FFFFFF0, s6  }
0xbe: {  	[tilespmem:s31], [sflag:$0x5] =	stream.linear.gather [hbm4b:s0+s1], $0x80, $0x38;
	[tilespmem:$0x10400] =	vst v63  }
0xbf: {  	s9 =	sadd.s32 s4, s5  }
0xc0: {  	[tilespmem:s19], [sflag:$0xD] =	stream.linear.gather [hbm4b:s9+s1], $0x80, $0x38;
	[tilespmem:$0x10400] =	vst v63  }
0xc1: {  	s29 =	spop (v2sf)  }
0xc2: {  	s10 =	sand.u32 $0x1FFFFFF0, s29;
	s12 =	spop (v2sf)  }
0xc3: {  	s13 =	sadd.s32 s3, s10;
	s14 =	sand.u32 $0x1FFFFFF0, s12;
	s15 =	spop (v2sf)  }
0xc4: {  	[tilespmem:s7], [sflag:$0x6] =	stream.linear.gather [hbm4b:s13+s1], $0x80, $0x38;
	[tilespmem:$0x10400] =	vst v63  }
0xc5: {  	s16 =	sadd.s32 s4, s14;
	s17 =	sand.u32 $0x1FFFFFF0, s15;
	s18 =	spop (v2sf)  }
0xc6: {  	[tilespmem:s8], [sflag:$0xE] =	stream.linear.gather [hbm4b:s16+s1], $0x80, $0x38;
	[tilespmem:$0x10400] =	vst v63  }
0xc7: {  	s19 =	sadd.s32 s3, s17;
	s20 =	sand.u32 $0x1FFFFFF0, s18;
	s21 =	spop (v2sf)  }
0xc8: {  	[tilespmem:s30], [sflag:$0x7] =	stream.linear.gather [hbm4b:s19+s1], $0x80, $0x38;
	[tilespmem:$0x10400] =	vst v63  }
0xc9: {  	s22 =	sadd.s32 s4, s20;
	s23 =	sand.u32 $0x1FFFFFF0, s21;
	s24 =	spop (v2sf)  }
0xca: {  	[tilespmem:s11], [sflag:$0xF] =	stream.linear.gather [hbm4b:s22+s1], $0x80, $0x38;
	[tilespmem:$0x10400] =	vst v63  }
0xcb: {  	s25 =	sadd.s32 $0xB80, s2;
	s5 =	sadd.s32 s3, s23;
	s6 =	sand.u32 $0x1FFFFFF0, s24  }
0xcc: {  	[tilespmem:s25], [sflag:$0x8] =	stream.linear.gather [hbm4b:s5+s1], $0x80, $0x38;
	[tilespmem:$0x10400] =	vst v63  }
0xcd: {  	s26 =	sadd.s32 $0x8B80, s2;
	s29 =	simm.s32 $0x1;
	s28 =	sadd.s32 s4, s6  }
0xce: {  	[tilespmem:s26], [sflag:$0x10] =	stream.linear.gather [hbm4b:s28+s1], $0x80, $0x38;
	[tilespmem:$0x10400] =	vst v63  }
0xcf: {  	_ =	swait.ge [sflag:s29], $0x1000  }
0xd0: {  	[sflag:s29] =	ssyncset.done $0x0  }
0xd1: {  	s2 =	simm.s32 $0x9;
	[sflag:s29] =	ssyncadd.s32 $0xFFFFF000  }
0xd2: {  	_ =	swait.ge [sflag:s2], $0x1000  }
0xd3: {  	[sflag:s2] =	ssyncset.done $0x0  }
0xd4: {  	s5 =	simm.s32 $0x2;
	[sflag:s2] =	ssyncadd.s32 $0xFFFFF000  }
0xd5: {  	_ =	swait.ge [sflag:s5], $0x1000  }
0xd6: {  	[sflag:s5] =	ssyncset.done $0x0  }
0xd7: {  	s6 =	simm.s32 $0xA;
	[sflag:s5] =	ssyncadd.s32 $0xFFFFF000  }
0xd8: {  	_ =	swait.ge [sflag:s6], $0x1000  }
0xd9: {  	[sflag:s6] =	ssyncset.done $0x0  }
0xda: {  	s7 =	simm.s32 $0x3;
	[sflag:s6] =	ssyncadd.s32 $0xFFFFF000  }
0xdb: {  	_ =	swait.ge [sflag:s7], $0x1000  }
0xdc: {  	[sflag:s7] =	ssyncset.done $0x0  }
0xdd: {  	s8 =	simm.s32 $0xB;
	[sflag:s7] =	ssyncadd.s32 $0xFFFFF000  }
0xde: {  	_ =	swait.ge [sflag:s8], $0x1000  }
0xdf: {  	[sflag:s8] =	ssyncset.done $0x0  }
0xe0: {  	s9 =	simm.s32 $0x4;
	[sflag:s8] =	ssyncadd.s32 $0xFFFFF000  }
0xe1: {  	_ =	swait.ge [sflag:s9], $0x1000  }
0xe2: {  	[sflag:s9] =	ssyncset.done $0x0  }
0xe3: {  	s10 =	simm.s32 $0xC;
	[sflag:s9] =	ssyncadd.s32 $0xFFFFF000  }
0xe4: {  	_ =	swait.ge [sflag:s10], $0x1000  }
0xe5: {  	[sflag:s10] =	ssyncset.done $0x0  }
0xe6: {  	s11 =	simm.s32 $0x5;
	[sflag:s10] =	ssyncadd.s32 $0xFFFFF000  }
0xe7: {  	_ =	swait.ge [sflag:s11], $0x1000  }
0xe8: {  	[sflag:s11] =	ssyncset.done $0x0  }
0xe9: {  	s12 =	simm.s32 $0xD;
	[sflag:s11] =	ssyncadd.s32 $0xFFFFF000  }
0xea: {  	_ =	swait.ge [sflag:s12], $0x1000  }
0xeb: {  	[sflag:s12] =	ssyncset.done $0x0  }
0xec: {  	s13 =	simm.s32 $0x6;
	[sflag:s12] =	ssyncadd.s32 $0xFFFFF000  }
0xed: {  	_ =	swait.ge [sflag:s13], $0x1000  }
0xee: {  	[sflag:s13] =	ssyncset.done $0x0  }
0xef: {  	s14 =	simm.s32 $0xE;
	[sflag:s13] =	ssyncadd.s32 $0xFFFFF000  }
0xf0: {  	_ =	swait.ge [sflag:s14], $0x1000  }
0xf1: {  	[sflag:s14] =	ssyncset.done $0x0  }
0xf2: {  	s15 =	simm.s32 $0x7;
	[sflag:s14] =	ssyncadd.s32 $0xFFFFF000  }
0xf3: {  	_ =	swait.ge [sflag:s15], $0x1000  }
0xf4: {  	[sflag:s15] =	ssyncset.done $0x0  }
0xf5: {  	s16 =	simm.s32 $0xF;
	[sflag:s15] =	ssyncadd.s32 $0xFFFFF000  }
0xf6: {  	_ =	swait.ge [sflag:s16], $0x1000  }
0xf7: {  	[sflag:s16] =	ssyncset.done $0x0  }
0xf8: {  	s17 =	simm.s32 $0x8;
	[sflag:s16] =	ssyncadd.s32 $0xFFFFF000  }
0xf9: {  	_ =	swait.ge [sflag:s17], $0x1000  }
0xfa: {  	[sflag:s17] =	ssyncset.done $0x0  }
0xfb: {  	s18 =	simm.s32 $0x10;
	[sflag:s17] =	ssyncadd.s32 $0xFFFFF000  }
0xfc: {  	_ =	swait.ge [sflag:s18], $0x1000  }
0xfd: {  	s21 =	simm.s32 $0x400;
	s19 =	simm.s32 $0x0;
	[sflag:s18] =	ssyncset.done $0x0  }
0xfe: {  	s22 =	simm.s32 $0x11;
	s20 =	rddreg [dreg:$0x18];
	[sflag:s18] =	ssyncadd.s32 $0xFFFFF000  }
0xff: {  	[hbm4b:s20+s19] =	stream.linear.scatter [tilespmem:s21], [sflag:$0x11], $0x8000, $0x38;
	[tilespmem:$0x10400] =	vst v63  }
0x100: {  	_ =	swait.ge [sflag:s22], $0x8000  }
0x101: {  	[sflag:s22] =	ssyncset.done $0x0  }
0x102: {  	s24 =	simm.s32 $0x8400;
	s23 =	rddreg [dreg:$0x19];
	[sflag:s22] =	ssyncadd.s32 $0xFFFF8000  }
0x103: {  	[hbm4b:s23+s19] =	stream.linear.scatter [tilespmem:s24], [sflag:$0x11], $0x8000, $0x38;
	[tilespmem:$0x10400] =	vst v63  }
0x104: {  	_ =	swait.ge [sflag:s22], $0x8000  }
0x105: {  	[sflag:s22] =	ssyncset.done $0x0  }
0x106: {  	s25 =	simm.s32 $0x100;
	[sflag:s22] =	ssyncadd.s32 $0xFFFF8000  }
0x107: {  	s26 =	simm.s32 $0x300;
	v0 =	vld [tilespmem:s25+$0x0]  }
0x108: {  	v2 =	vld [tilespmem:s26+$0x0];
	_ =	sdelay $0x3  }
0x109: {  	v1 =	vshll.u32 v0, $0x4  }
0x10a: {  	v63 =	vshll.u32 v2, $0x4;
	(v2sf) =	vpush v1, $0x0  }
0x10b: {  	(v2sf) =	vpush v63, $0x0  }
0x10c: {  	(v2sf) =	vpush v1, $0x1;
	_ =	sdelay $0x1  }
0x10d: {  	(v2sf) =	vpush v63, $0x1  }
0x10e: {  	(v2sf) =	vpush v1, $0x2;
	_ =	sdelay $0x1  }
0x10f: {  	(v2sf) =	vpush v63, $0x2;
	_ =	sdelay $0x1  }
0x110: {  	(v2sf) =	vpush v1, $0x3  }
0x111: {  	s0 =	simm.s32 $0x680  }
0x112: {  	s31 =	simm.s32 $0xA00;
	s30 =	simm.s32 $0xB00;
	s28 =	simm.s32 $0x8400;
	(v2sf) =	vpush v63, $0x3  }
0x113: {  	s29 =	simm.s32 $0x400;
	s2 =	simm.s32 $0x0;
	s5 =	simm.s32 $0x2000  }
0x114: {  	s7 =	simm.s32 $0x8580;
	s9 =	simm.s32 $0x8900;
	s10 =	simm.s32 $0x880  }
0x115: {  	s11 =	simm.s32 $0x600;
	s12 =	simm.s32 $0x580;
	s17 =	simm.s32 $0x480  }
0x116: {  	s20 =	simm.s32 $0x8480;
	s22 =	simm.s32 $0x500;
	s14 =	spop (v2sf)  }
0x117: {  	s25 =	simm.s32 $0x8500;
	s8 =	sand.u32 $0x1FFFFFF0, s14;
	s13 =	spop (v2sf)  }
0x118: {  	(v2sf) =	vpush v1, $0x4;
	s8 =	sadd.s32 s3, s8;
	s15 =	sand.u32 $0x1FFFFFF0, s13;
	s16 =	spop (v2sf)  }
0x119: {  	[tilespmem:s29], [sflag:$0x1] =	stream.linear.gather [hbm4b:s8+s1], $0x80, $0x38;
	[tilespmem:$0x10400] =	vst v63  }
0x11a: {  	(v2sf) =	vpush v63, $0x4;
	s8 =	sadd.s32 s4, s15;
	s13 =	sand.u32 $0x1FFFFFF0, s16;
	s14 =	spop (v2sf)  }
0x11b: {  	(v2sf) =	vpush v1, $0x5;
	s18 =	sadd.s32 s3, s13;
	s19 =	sand.u32 $0x1FFFFFF0, s14;
	s21 =	spop (v2sf)  }
0x11c: {  	[tilespmem:s28], [sflag:$0x9] =	stream.linear.gather [hbm4b:s8+s1], $0x80, $0x38;
	[tilespmem:$0x10400] =	vst v63  }
0x11d: {  	(v2sf) =	vpush v63, $0x5;
	s14 =	simm.s32 $0x8600;
	s13 =	sadd.s32 s4, s19;
	s23 =	spop (v2sf)  }
0x11e: {  	(v2sf) =	vpush v1, $0x6;
	[tilespmem:s17], [sflag:$0x2] =	stream.linear.gather [hbm4b:s18+s1], $0x80, $0x38;
	[tilespmem:$0x10400] =	vst v63  }
0x11f: {  	s8 =	sand.u32 $0x1FFFFFF0, s21;
	s19 =	simm.s32 $0x8A00;
	s24 =	spop (v2sf)  }
0x120: {  	[tilespmem:s20], [sflag:$0xA] =	stream.linear.gather [hbm4b:s13+s1], $0x80, $0x38;
	[tilespmem:$0x10400] =	vst v63  }
0x121: {  	s8 =	sadd.s32 s3, s8;
	(v2sf) =	vpush v63, $0x6;
	s29 =	spop (v2sf);
	s13 =	sand.u32 $0x1FFFFFF0, s23  }
0x122: {  	[tilespmem:s22], [sflag:$0x3] =	stream.linear.gather [hbm4b:s8+s1], $0x80, $0x38;
	[tilespmem:$0x10400] =	vst v63  }
0x123: {  	s28 =	sand.u32 $0x1FFFFFF0, s24;
	(v2sf) =	vpush v1, $0x7;
	s6 =	sand.u32 $0x1FFFFFF0, s29;
	s26 =	sadd.s32 s4, s13  }
0x124: {  	[tilespmem:s25], [sflag:$0xB] =	stream.linear.gather [hbm4b:s26+s1], $0x80, $0x38;
	[tilespmem:$0x10400] =	vst v63  }
0x125: {  	s6 =	sadd.s32 s4, s6;
	s20 =	simm.s32 $0x8680;
	s13 =	sadd.s32 s3, s28  }
0x126: {  	[tilespmem:s12], [sflag:$0x4] =	stream.linear.gather [hbm4b:s13+s1], $0x80, $0x38;
	[tilespmem:$0x10400] =	vst v63  }
0x127: {  	(v2sf) =	vpush v63, $0x7;
	s22 =	simm.s32 $0x700;
	s15 =	spop (v2sf);
	s13 =	simm.s32 $0x8700  }
0x128: {  	[tilespmem:s7], [sflag:$0xC] =	stream.linear.gather [hbm4b:s6+s1], $0x80, $0x38;
	[tilespmem:$0x10400] =	vst v63  }
0x129: {  	(v2sf) =	vpush v1, $0x8;
	s12 =	sand.u32 $0x1FFFFFF0, s15;
	s16 =	spop (v2sf);
	s7 =	simm.s32 $0xA80  }
0x12a: {  	s17 =	sadd.s32 s3, s12;
	s18 =	sand.u32 $0x1FFFFFF0, s16;
	s21 =	spop (v2sf)  }
0x12b: {  	(v2sf) =	vpush v63, $0x8;
	[tilespmem:s11], [sflag:$0x5] =	stream.linear.gather [hbm4b:s17+s1], $0x80, $0x38;
	[tilespmem:$0x10400] =	vst v63  }
0x12c: {  	s16 =	simm.s32 $0x780;
	s12 =	sadd.s32 s4, s18;
	s24 =	spop (v2sf)  }
0x12d: {  	s23 =	sand.u32 $0x1FFFFFF0, s21;
	s11 =	sand.u32 $0x1FFFFFF0, s24;
	s25 =	spop (v2sf)  }
0x12e: {  	(v2sf) =	vpush v1, $0x9;
	[tilespmem:s14], [sflag:$0xD] =	stream.linear.gather [hbm4b:s12+s1], $0x80, $0x38;
	[tilespmem:$0x10400] =	vst v63  }
0x12f: {  	s8 =	sadd.s32 s3, s23;
	s26 =	sadd.s32 s4, s11;
	s28 =	sand.u32 $0x1FFFFFF0, s25  }
0x130: {  	(v2sf) =	vpush v63, $0x9;
	s29 =	spop (v2sf);
	s25 =	simm.s32 $0x8800;
	s11 =	sadd.s32 s3, s28  }
0x131: {  	[tilespmem:s0], [sflag:$0x6] =	stream.linear.gather [hbm4b:s8+s1], $0x80, $0x38;
	[tilespmem:$0x10400] =	vst v63  }
0x132: {  	(v2sf) =	vpush v1, $0xA;
	s6 =	sand.u32 $0x1FFFFFF0, s29;
	s14 =	spop (v2sf);
	s29 =	simm.s32 $0x8880  }
0x133: {  	[tilespmem:s20], [sflag:$0xE] =	stream.linear.gather [hbm4b:s26+s1], $0x80, $0x38;
	[tilespmem:$0x10400] =	vst v63  }
0x134: {  	(v2sf) =	vpush v63, $0xA;
	s0 =	simm.s32 $0x8980;
	s8 =	simm.s32 $0x8A80;
	s6 =	sadd.s32 s4, s6  }
0x135: {  	[tilespmem:s22], [sflag:$0x7] =	stream.linear.gather [hbm4b:s11+s1], $0x80, $0x38;
	[tilespmem:$0x10400] =	vst v63  }
0x136: {  	(v2sf) =	vpush v1, $0xB;
	s12 =	sand.u32 $0x1FFFFFF0, s14;
	s15 =	spop (v2sf);
	s14 =	simm.s32 $0x900  }
0x137: {  	[tilespmem:s13], [sflag:$0xF] =	stream.linear.gather [hbm4b:s6+s1], $0x80, $0x38;
	[tilespmem:$0x10400] =	vst v63  }
0x138: {  	(v2sf) =	vpush v63, $0xB;
	s17 =	sadd.s32 s3, s12;
	s18 =	sand.u32 $0x1FFFFFF0, s15;
	s21 =	spop (v2sf)  }
0x139: {  	[tilespmem:s16], [sflag:$0x8] =	stream.linear.gather [hbm4b:s17+s1], $0x80, $0x38;
	[tilespmem:$0x10400] =	vst v63  }
0x13a: {  	s20 =	simm.s32 $0x8780;
	s12 =	sadd.s32 s4, s18;
	s23 =	spop (v2sf)  }
0x13b: {  	[tilespmem:s20], [sflag:$0x10] =	stream.linear.gather [hbm4b:s12+s1], $0x80, $0x38;
	[tilespmem:$0x10400] =	vst v63  }
0x13c: {  	s22 =	simm.s32 $0x800;
	s11 =	sand.u32 $0x1FFFFFF0, s21;
	(v2sf) =	vpush v1, $0xC;
	s12 =	sand.u32 $0x1FFFFFF0, s23  }
0x13d: {  	s11 =	sadd.s32 s3, s11;
	s24 =	spop (v2sf);
	s26 =	sadd.s32 s4, s12  }
0x13e: {  	(v2sf) =	vpush v63, $0xC;
	[tilespmem:s22], [sflag:$0x1] =	stream.linear.gather [hbm4b:s11+s1], $0x80, $0x38;
	[tilespmem:$0x10400] =	vst v63  }
0x13f: {  	s28 =	sand.u32 $0x1FFFFFF0, s24;
	s13 =	spop (v2sf);
	s24 =	simm.s32 $0x980  }
0x140: {  	[tilespmem:s25], [sflag:$0x9] =	stream.linear.gather [hbm4b:s26+s1], $0x80, $0x38;
	[tilespmem:$0x10400] =	vst v63  }
0x141: {  	s12 =	sadd.s32 s3, s28;
	s11 =	sand.u32 $0x1FFFFFF0, s13;
	s15 =	spop (v2sf)  }
0x142: {  	[tilespmem:s10], [sflag:$0x2] =	stream.linear.gather [hbm4b:s12+s1], $0x80, $0x38;
	[tilespmem:$0x10400] =	vst v63  }
0x143: {  	s11 =	sadd.s32 s4, s11;
	s16 =	spop (v2sf);
	s12 =	sand.u32 $0x1FFFFFF0, s15  }
0x144: {  	[tilespmem:s29], [sflag:$0xA] =	stream.linear.gather [hbm4b:s11+s1], $0x80, $0x38;
	[tilespmem:$0x10400] =	vst v63  }
0x145: {  	s18 =	sand.u32 $0x1FFFFFF0, s16;
	s20 =	spop (v2sf);
	s17 =	sadd.s32 s3, s12  }
0x146: {  	[tilespmem:s14], [sflag:$0x3] =	stream.linear.gather [hbm4b:s17+s1], $0x80, $0x38;
	[tilespmem:$0x10400] =	vst v63  }
0x147: {  	s21 =	sadd.s32 s4, s18;
	s22 =	sand.u32 $0x1FFFFFF0, s20;
	s23 =	spop (v2sf)  }
0x148: {  	(v2sf) =	vpush v1, $0xD;
	[tilespmem:s9], [sflag:$0xB] =	stream.linear.gather [hbm4b:s21+s1], $0x80, $0x38;
	[tilespmem:$0x10400] =	vst v63  }
0x149: {  	(v2sf) =	vpush v63, $0xD;
	s25 =	sadd.s32 s3, s22;
	s26 =	sand.u32 $0x1FFFFFF0, s23;
	s10 =	simm.s32 $0x310  }
0x14a: {  	(v2sf) =	vpush v1, $0xE;
	[tilespmem:s24], [sflag:$0x4] =	stream.linear.gather [hbm4b:s25+s1], $0x80, $0x38;
	[tilespmem:$0x10400] =	vst v63  }
0x14b: {  	s28 =	sadd.s32 s4, s26;
	(v2sf) =	vpush v63, $0xE;
	s11 =	simm.s32 $0x8B00;
	s29 =	spop (v2sf)  }
0x14c: {  	(v2sf) =	vpush v1, $0xF;
	[tilespmem:s0], [sflag:$0xC] =	stream.linear.gather [hbm4b:s28+s1], $0x80, $0x38;
	[tilespmem:$0x10400] =	vst v63  }
0x14d: {  	(v2sf) =	vpush v63, $0xF;
	s9 =	simm.s32 $0x110;
	s6 =	sand.u32 $0x1FFFFFF0, s29;
	s0 =	spop (v2sf)  }
.LBB2_4:
0x14e: {  	_ =	sdelay $0x4  }
0x14f: {  	s6 =	sadd.s32 s3, s6;
	s0 =	sand.u32 $0x1FFFFFF0, s0  }
0x150: {  	[tilespmem:s31], [sflag:$0x5] =	stream.linear.gather [hbm4b:s6+s1], $0x80, $0x38;
	[tilespmem:$0x10400] =	vst v63  }
0x151: {  	s0 =	sadd.s32 s4, s0  }
0x152: {  	[tilespmem:s19], [sflag:$0xD] =	stream.linear.gather [hbm4b:s0+s1], $0x80, $0x38;
	[tilespmem:$0x10400] =	vst v63  }
0x153: {  	s12 =	spop (v2sf)  }
0x154: {  	s12 =	sand.u32 $0x1FFFFFF0, s12;
	s13 =	spop (v2sf)  }
0x155: {  	s14 =	sadd.s32 s3, s12;
	s15 =	sand.u32 $0x1FFFFFF0, s13;
	s16 =	spop (v2sf)  }
0x156: {  	[tilespmem:s7], [sflag:$0x6] =	stream.linear.gather [hbm4b:s14+s1], $0x80, $0x38;
	[tilespmem:$0x10400] =	vst v63  }
0x157: {  	s17 =	sadd.s32 s4, s15;
	s18 =	sand.u32 $0x1FFFFFF0, s16;
	s19 =	spop (v2sf)  }
0x158: {  	[tilespmem:s8], [sflag:$0xE] =	stream.linear.gather [hbm4b:s17+s1], $0x80, $0x38;
	[tilespmem:$0x10400] =	vst v63  }
0x159: {  	s20 =	sadd.s32 s3, s18;
	s21 =	sand.u32 $0x1FFFFFF0, s19;
	s22 =	spop (v2sf)  }
0x15a: {  	[tilespmem:s30], [sflag:$0x7] =	stream.linear.gather [hbm4b:s20+s1], $0x80, $0x38;
	[tilespmem:$0x10400] =	vst v63  }
0x15b: {  	s23 =	sadd.s32 s4, s21;
	s24 =	sand.u32 $0x1FFFFFF0, s22;
	s25 =	spop (v2sf)  }
0x15c: {  	[tilespmem:s11], [sflag:$0xF] =	stream.linear.gather [hbm4b:s23+s1], $0x80, $0x38;
	[tilespmem:$0x10400] =	vst v63  }
0x15d: {  	s26 =	sadd.s32 $0xB80, s2;
	s6 =	sadd.s32 s3, s24;
	s7 =	sand.u32 $0x1FFFFFF0, s25  }
0x15e: {  	[tilespmem:s26], [sflag:$0x8] =	stream.linear.gather [hbm4b:s6+s1], $0x80, $0x38;
	[tilespmem:$0x10400] =	vst v63  }
0x15f: {  	s28 =	sadd.s32 $0x8B80, s2;
	s29 =	sadd.s32 s4, s7  }
0x160: {  	[tilespmem:s28], [sflag:$0x10] =	stream.linear.gather [hbm4b:s29+s1], $0x80, $0x38;
	[tilespmem:$0x10400] =	vst v63  }
0x161: {  	v0 =	vld [tilespmem:s9+$0x0]  }
0x162: {  	v2 =	vld [tilespmem:s10+$0x0];
	_ =	sdelay $0x3  }
0x163: {  	v1 =	vshll.u32 v0, $0x4  }
0x164: {  	v63 =	vshll.u32 v2, $0x4;
	(v2sf) =	vpush v1, $0x0  }
0x165: {  	s6 =	smov.u32 s5;
	(v2sf) =	vpush v63, $0x0  }
0x166: {  	p0 =	sne.s32 s5, $0x1E000;
	s5 =	sadd.s32 $0x2000, s5;
	s2 =	sshra.s32 s6, $0x2;
	(v2sf) =	vpush v1, $0x1  }
0x167: {  	s14 =	sadd.s32 $0x8400, s2;
	s21 =	sadd.s32 $0x680, s2;
	s0 =	sadd.s32 $0x880, s2  }
0x168: {  	s16 =	sadd.s32 $0x400, s2;
	s28 =	sadd.s32 $0x600, s2;
	s7 =	sadd.s32 $0x8900, s2;
	(v2sf) =	vpush v63, $0x1  }
0x169: {  	s12 =	sadd.s32 $0x580, s2;
	s19 =	sadd.s32 $0x8A00, s2;
	s13 =	sadd.s32 $0x500, s2  }
0x16a: {  	s29 =	sadd.s32 $0x8600, s2;
	s8 =	sadd.s32 $0xA80, s2;
	[dreg:$0xd] =	wrdreg s0;
	(v2sf) =	vpush v1, $0x2  }
0x16b: {  	s15 =	sadd.s32 $0x8480, s2;
	s6 =	sadd.s32 $0x8500, s2;
	[dreg:$0x7] =	wrdreg s7  }
0x16c: {  	s26 =	sadd.s32 $0x8680, s2;
	s11 =	sadd.s32 $0x8980, s2;
	[dreg:$0x5] =	wrdreg s8;
	(v2sf) =	vpush v63, $0x2  }
0x16d: {  	s25 =	sadd.s32 $0x700, s2;
	s17 =	sadd.s32 $0x8A80, s2;
	[dreg:$0x9] =	wrdreg s11  }
0x16e: {  	s24 =	sadd.s32 $0x8700, s2;
	s18 =	sadd.s32 $0x8880, s2;
	[dreg:$0xb] =	wrdreg s17;
	(v2sf) =	vpush v1, $0x3  }
0x16f: {  	s20 =	sadd.s32 $0x900, s2;
	s23 =	sadd.s32 $0x780, s2;
	[dreg:$0x11] =	wrdreg s18  }
0x170: {  	s22 =	sadd.s32 $0x8800, s2;
	s31 =	sadd.s32 $0xA00, s2;
	[dreg:$0xf] =	wrdreg s20;
	(v2sf) =	vpush v63, $0x3  }
0x171: {  	s30 =	sadd.s32 $0xB00, s2;
	s0 =	sadd.s32 $0x8580, s2;
	[dreg:$0x15] =	wrdreg s22  }
0x172: {  	s17 =	sadd.s32 $0x480, s2;
	s22 =	sadd.s32 $0x8780, s2;
	s20 =	sadd.s32 $0x800, s2;
	(v2sf) =	vpush v1, $0x4  }
0x173: {  	s9 =	sadd.s32 $0x10, s9;
	s8 =	sadd.s32 $0x980, s2;
	s18 =	spop (v2sf)  }
0x174: {  	[dreg:$0x13] =	wrdreg s8;
	s18 =	sand.u32 $0x1FFFFFF0, s18;
	s8 =	spop (v2sf);
	(v2sf) =	vpush v63, $0x4  }
0x175: {  	s18 =	sadd.s32 s3, s18;
	s7 =	sand.u32 $0x1FFFFFF0, s8;
	s8 =	spop (v2sf)  }
0x176: {  	(v2sf) =	vpush v1, $0x5;
	[tilespmem:s16], [sflag:$0x1] =	stream.linear.gather [hbm4b:s18+s1], $0x80, $0x38;
	[tilespmem:$0x10400] =	vst v63  }
0x177: {  	s7 =	sadd.s32 s4, s7;
	s8 =	sand.u32 $0x1FFFFFF0, s8;
	s18 =	spop (v2sf)  }
0x178: {  	(v2sf) =	vpush v63, $0x5;
	[tilespmem:s14], [sflag:$0x9] =	stream.linear.gather [hbm4b:s7+s1], $0x80, $0x38;
	[tilespmem:$0x10400] =	vst v63  }
0x179: {  	s16 =	sand.u32 $0x1FFFFFF0, s18;
	s18 =	spop (v2sf);
	(v2sf) =	vpush v1, $0x6;
	s14 =	sadd.s32 s3, s8  }
0x17a: {  	[tilespmem:s17], [sflag:$0x2] =	stream.linear.gather [hbm4b:s14+s1], $0x80, $0x38;
	[tilespmem:$0x10400] =	vst v63  }
0x17b: {  	s16 =	sadd.s32 s4, s16;
	s17 =	sand.u32 $0x1FFFFFF0, s18;
	s18 =	spop (v2sf);
	(v2sf) =	vpush v63, $0x6  }
0x17c: {  	[tilespmem:s15], [sflag:$0xA] =	stream.linear.gather [hbm4b:s16+s1], $0x80, $0x38;
	[tilespmem:$0x10400] =	vst v63  }
0x17d: {  	s16 =	sadd.s32 s3, s17;
	s17 =	sand.u32 $0x1FFFFFF0, s18;
	s18 =	spop (v2sf);
	(v2sf) =	vpush v1, $0x7  }
0x17e: {  	[tilespmem:s13], [sflag:$0x3] =	stream.linear.gather [hbm4b:s16+s1], $0x80, $0x38;
	[tilespmem:$0x10400] =	vst v63  }
0x17f: {  	s14 =	sand.u32 $0x1FFFFFF0, s18;
	s15 =	spop (v2sf);
	s13 =	sadd.s32 s4, s17  }
0x180: {  	[tilespmem:s6], [sflag:$0xB] =	stream.linear.gather [hbm4b:s13+s1], $0x80, $0x38;
	[tilespmem:$0x10400] =	vst v63  }
0x181: {  	(v2sf) =	vpush v63, $0x7;
	s16 =	sadd.s32 s3, s14;
	s17 =	sand.u32 $0x1FFFFFF0, s15;
	s18 =	spop (v2sf)  }
0x182: {  	[tilespmem:s12], [sflag:$0x4] =	stream.linear.gather [hbm4b:s16+s1], $0x80, $0x38;
	[tilespmem:$0x10400] =	vst v63  }
0x183: {  	(v2sf) =	vpush v1, $0x8;
	s7 =	sadd.s32 s4, s17;
	s12 =	sand.u32 $0x1FFFFFF0, s18;
	s13 =	spop (v2sf)  }
0x184: {  	[tilespmem:s0], [sflag:$0xC] =	stream.linear.gather [hbm4b:s7+s1], $0x80, $0x38;
	[tilespmem:$0x10400] =	vst v63  }
0x185: {  	s10 =	sadd.s32 $0x10, s10;
	(v2sf) =	vpush v63, $0x8;
	s14 =	sadd.s32 s3, s12;
	s16 =	spop (v2sf)  }
0x186: {  	[tilespmem:s28], [sflag:$0x5] =	stream.linear.gather [hbm4b:s14+s1], $0x80, $0x38;
	[tilespmem:$0x10400] =	vst v63  }
0x187: {  	s11 =	sadd.s32 $0x8B00, s2;
	s15 =	sand.u32 $0x1FFFFFF0, s13;
	s28 =	spop (v2sf)  }
0x188: {  	(v2sf) =	vpush v1, $0x9;
	s17 =	sadd.s32 s4, s15;
	s18 =	sand.u32 $0x1FFFFFF0, s16;
	s13 =	spop (v2sf)  }
0x189: {  	(v2sf) =	vpush v63, $0x9;
	[tilespmem:s29], [sflag:$0xD] =	stream.linear.gather [hbm4b:s17+s1], $0x80, $0x38;
	[tilespmem:$0x10400] =	vst v63  }
0x18a: {  	s8 =	sadd.s32 s3, s18;
	s12 =	sand.u32 $0x1FFFFFF0, s28;
	s16 =	spop (v2sf)  }
0x18b: {  	[tilespmem:s21], [sflag:$0x6] =	stream.linear.gather [hbm4b:s8+s1], $0x80, $0x38;
	[tilespmem:$0x10400] =	vst v63  }
0x18c: {  	s14 =	sadd.s32 s4, s12;
	s15 =	sand.u32 $0x1FFFFFF0, s13;
	s21 =	spop (v2sf)  }
0x18d: {  	(v2sf) =	vpush v1, $0xA;
	[tilespmem:s26], [sflag:$0xE] =	stream.linear.gather [hbm4b:s14+s1], $0x80, $0x38;
	[tilespmem:$0x10400] =	vst v63  }
0x18e: {  	s17 =	sadd.s32 s3, s15;
	s18 =	sand.u32 $0x1FFFFFF0, s16;
	s28 =	sand.u32 $0x1FFFFFF0, s21  }
0x18f: {  	(v2sf) =	vpush v63, $0xA;
	[tilespmem:s25], [sflag:$0x7] =	stream.linear.gather [hbm4b:s17+s1], $0x80, $0x38;
	[tilespmem:$0x10400] =	vst v63  }
0x190: {  	s26 =	sadd.s32 s4, s18;
	s29 =	spop (v2sf);
	s6 =	sadd.s32 s3, s28  }
0x191: {  	[tilespmem:s24], [sflag:$0xF] =	stream.linear.gather [hbm4b:s26+s1], $0x80, $0x38;
	[tilespmem:$0x10400] =	vst v63  }
0x192: {  	s8 =	sand.u32 $0x1FFFFFF0, s29;
	s12 =	spop (v2sf);
	s29 =	rddreg [dreg:$0xd]  }
0x193: {  	(v2sf) =	vpush v1, $0xB;
	[tilespmem:s23], [sflag:$0x8] =	stream.linear.gather [hbm4b:s6+s1], $0x80, $0x38;
	[tilespmem:$0x10400] =	vst v63  }
0x194: {  	s13 =	sadd.s32 s4, s8;
	s14 =	sand.u32 $0x1FFFFFF0, s12;
	s15 =	spop (v2sf)  }
0x195: {  	(v2sf) =	vpush v63, $0xB;
	s8 =	rddreg [dreg:$0xb];
	s16 =	sadd.s32 s3, s14;
	s17 =	sand.u32 $0x1FFFFFF0, s15  }
0x196: {  	(v2sf) =	vpush v1, $0xC;
	[tilespmem:s22], [sflag:$0x10] =	stream.linear.gather [hbm4b:s13+s1], $0x80, $0x38;
	[tilespmem:$0x10400] =	vst v63  }
0x197: {  	s24 =	rddreg [dreg:$0x15];
	s18 =	spop (v2sf);
	s21 =	sadd.s32 s4, s17  }
0x198: {  	(v2sf) =	vpush v63, $0xC;
	s22 =	sand.u32 $0x1FFFFFF0, s18;
	s13 =	rddreg [dreg:$0x11];
	s23 =	spop (v2sf)  }
0x199: {  	[tilespmem:s20], [sflag:$0x1] =	stream.linear.gather [hbm4b:s16+s1], $0x80, $0x38;
	[tilespmem:$0x10400] =	vst v63  }
0x19a: {  	s17 =	rddreg [dreg:$0xf];
	s25 =	sadd.s32 s3, s22;
	s26 =	sand.u32 $0x1FFFFFF0, s23  }
0x19b: {  	[tilespmem:s24], [sflag:$0x9] =	stream.linear.gather [hbm4b:s21+s1], $0x80, $0x38;
	[tilespmem:$0x10400] =	vst v63  }
0x19c: {  	s22 =	rddreg [dreg:$0x7];
	s28 =	spop (v2sf);
	s6 =	sadd.s32 s4, s26  }
0x19d: {  	[tilespmem:s29], [sflag:$0x2] =	stream.linear.gather [hbm4b:s25+s1], $0x80, $0x38;
	[tilespmem:$0x10400] =	vst v63  }
0x19e: {  	s7 =	sand.u32 $0x1FFFFFF0, s28;
	s26 =	rddreg [dreg:$0x13];
	s12 =	spop (v2sf)  }
0x19f: {  	[tilespmem:s13], [sflag:$0xA] =	stream.linear.gather [hbm4b:s6+s1], $0x80, $0x38;
	[tilespmem:$0x10400] =	vst v63  }
0x1a0: {  	s14 =	sadd.s32 s3, s7;
	s7 =	rddreg [dreg:$0x5];
	s15 =	sand.u32 $0x1FFFFFF0, s12  }
0x1a1: {  	[tilespmem:s17], [sflag:$0x3] =	stream.linear.gather [hbm4b:s14+s1], $0x80, $0x38;
	[tilespmem:$0x10400] =	vst v63  }
0x1a2: {  	s16 =	spop (v2sf);
	s18 =	sadd.s32 s4, s15;
	s29 =	rddreg [dreg:$0x9]  }
0x1a3: {  	(v2sf) =	vpush v1, $0xD;
	[tilespmem:s22], [sflag:$0xB] =	stream.linear.gather [hbm4b:s18+s1], $0x80, $0x38;
	[tilespmem:$0x10400] =	vst v63  }
.Ltmp1:
0x1a4: {  	(v2sf) =	vpush v63, $0xD;
	s20 =	sand.u32 $0x1FFFFFF0, s16;
	s21 =	spop (v2sf);
	(pc) =	sbr.rel @p0 .LBB2_4-.Ltmp1, $4  }
0x1a5: {  	(v2sf) =	vpush v1, $0xE;
	s23 =	sadd.s32 s3, s20;
	s24 =	sand.u32 $0x1FFFFFF0, s21;
	s25 =	spop (v2sf)  }
0x1a6: {  	(v2sf) =	vpush v63, $0xE;
	[tilespmem:s26], [sflag:$0x4] =	stream.linear.gather [hbm4b:s23+s1], $0x80, $0x38;
	[tilespmem:$0x10400] =	vst v63  }
0x1a7: {  	(v2sf) =	vpush v1, $0xF;
	s28 =	sadd.s32 s4, s24;
	s6 =	sand.u32 $0x1FFFFFF0, s25;
	s0 =	spop (v2sf)  }
0x1a8: {  	(v2sf) =	vpush v63, $0xF;
	[tilespmem:s29], [sflag:$0xC] =	stream.linear.gather [hbm4b:s28+s1], $0x80, $0x38;
	[tilespmem:$0x10400] =	vst v63  }
0x1a9: {  	_ =	sdelay $0x4  }
0x1aa: {  	s5 =	sadd.s32 s3, s6;
	s0 =	sand.u32 $0x1FFFFFF0, s0  }
0x1ab: {  	[tilespmem:s31], [sflag:$0x5] =	stream.linear.gather [hbm4b:s5+s1], $0x80, $0x38;
	[tilespmem:$0x10400] =	vst v63  }
0x1ac: {  	s0 =	sadd.s32 s4, s0  }
0x1ad: {  	[tilespmem:s19], [sflag:$0xD] =	stream.linear.gather [hbm4b:s0+s1], $0x80, $0x38;
	[tilespmem:$0x10400] =	vst v63  }
0x1ae: {  	s26 =	spop (v2sf)  }
0x1af: {  	s0 =	sand.u32 $0x1FFFFFF0, s26  }
0x1b0: {  	s28 =	spop (v2sf);
	s0 =	sadd.s32 s3, s0  }
0x1b1: {  	[tilespmem:s7], [sflag:$0x6] =	stream.linear.gather [hbm4b:s0+s1], $0x80, $0x38;
	[tilespmem:$0x10400] =	vst v63  }
0x1b2: {  	s0 =	sand.u32 $0x1FFFFFF0, s28  }
0x1b3: {  	s29 =	spop (v2sf);
	s0 =	sadd.s32 s4, s0  }
0x1b4: {  	[tilespmem:s8], [sflag:$0xE] =	stream.linear.gather [hbm4b:s0+s1], $0x80, $0x38;
	[tilespmem:$0x10400] =	vst v63  }
0x1b5: {  	s0 =	sand.u32 $0x1FFFFFF0, s29  }
0x1b6: {  	s31 =	spop (v2sf);
	s0 =	sadd.s32 s3, s0  }
0x1b7: {  	[tilespmem:s30], [sflag:$0x7] =	stream.linear.gather [hbm4b:s0+s1], $0x80, $0x38;
	[tilespmem:$0x10400] =	vst v63  }
0x1b8: {  	s0 =	sand.u32 $0x1FFFFFF0, s31  }
0x1b9: {  	s5 =	spop (v2sf);
	s0 =	sadd.s32 s4, s0  }
0x1ba: {  	[tilespmem:s11], [sflag:$0xF] =	stream.linear.gather [hbm4b:s0+s1], $0x80, $0x38;
	[tilespmem:$0x10400] =	vst v63  }
0x1bb: {  	s0 =	sand.u32 $0x1FFFFFF0, s5  }
0x1bc: {  	s6 =	sadd.s32 $0xB80, s2;
	s7 =	spop (v2sf);
	s0 =	sadd.s32 s3, s0  }
0x1bd: {  	[tilespmem:s6], [sflag:$0x8] =	stream.linear.gather [hbm4b:s0+s1], $0x80, $0x38;
	[tilespmem:$0x10400] =	vst v63  }
0x1be: {  	s0 =	sand.u32 $0x1FFFFFF0, s7  }
0x1bf: {  	s9 =	simm.s32 $0x1;
	s8 =	sadd.s32 $0x8B80, s2;
	s0 =	sadd.s32 s4, s0  }
0x1c0: {  	[tilespmem:s8], [sflag:$0x10] =	stream.linear.gather [hbm4b:s0+s1], $0x80, $0x38;
	[tilespmem:$0x10400] =	vst v63  }
0x1c1: {  	_ =	swait.ge [sflag:s9], $0x1000  }
0x1c2: {  	[sflag:s9] =	ssyncset.done $0x0  }
0x1c3: {  	s10 =	simm.s32 $0x9;
	[sflag:s9] =	ssyncadd.s32 $0xFFFFF000  }
0x1c4: {  	_ =	swait.ge [sflag:s10], $0x1000  }
0x1c5: {  	[sflag:s10] =	ssyncset.done $0x0  }
0x1c6: {  	s11 =	simm.s32 $0x2;
	[sflag:s10] =	ssyncadd.s32 $0xFFFFF000  }
0x1c7: {  	_ =	swait.ge [sflag:s11], $0x1000  }
0x1c8: {  	[sflag:s11] =	ssyncset.done $0x0  }
0x1c9: {  	s12 =	simm.s32 $0xA;
	[sflag:s11] =	ssyncadd.s32 $0xFFFFF000  }
0x1ca: {  	_ =	swait.ge [sflag:s12], $0x1000  }
0x1cb: {  	[sflag:s12] =	ssyncset.done $0x0  }
0x1cc: {  	s13 =	simm.s32 $0x3;
	[sflag:s12] =	ssyncadd.s32 $0xFFFFF000  }
0x1cd: {  	_ =	swait.ge [sflag:s13], $0x1000  }
0x1ce: {  	[sflag:s13] =	ssyncset.done $0x0  }
0x1cf: {  	s14 =	simm.s32 $0xB;
	[sflag:s13] =	ssyncadd.s32 $0xFFFFF000  }
0x1d0: {  	_ =	swait.ge [sflag:s14], $0x1000  }
0x1d1: {  	[sflag:s14] =	ssyncset.done $0x0  }
0x1d2: {  	s15 =	simm.s32 $0x4;
	[sflag:s14] =	ssyncadd.s32 $0xFFFFF000  }
0x1d3: {  	_ =	swait.ge [sflag:s15], $0x1000  }
0x1d4: {  	[sflag:s15] =	ssyncset.done $0x0  }
0x1d5: {  	s16 =	simm.s32 $0xC;
	[sflag:s15] =	ssyncadd.s32 $0xFFFFF000  }
0x1d6: {  	_ =	swait.ge [sflag:s16], $0x1000  }
0x1d7: {  	[sflag:s16] =	ssyncset.done $0x0  }
0x1d8: {  	s17 =	simm.s32 $0x5;
	[sflag:s16] =	ssyncadd.s32 $0xFFFFF000  }
0x1d9: {  	_ =	swait.ge [sflag:s17], $0x1000  }
0x1da: {  	[sflag:s17] =	ssyncset.done $0x0  }
0x1db: {  	s18 =	simm.s32 $0xD;
	[sflag:s17] =	ssyncadd.s32 $0xFFFFF000  }
0x1dc: {  	_ =	swait.ge [sflag:s18], $0x1000  }
0x1dd: {  	[sflag:s18] =	ssyncset.done $0x0  }
0x1de: {  	s19 =	simm.s32 $0x6;
	[sflag:s18] =	ssyncadd.s32 $0xFFFFF000  }
0x1df: {  	_ =	swait.ge [sflag:s19], $0x1000  }
0x1e0: {  	[sflag:s19] =	ssyncset.done $0x0  }
0x1e1: {  	s20 =	simm.s32 $0xE;
	[sflag:s19] =	ssyncadd.s32 $0xFFFFF000  }
0x1e2: {  	_ =	swait.ge [sflag:s20], $0x1000  }
0x1e3: {  	[sflag:s20] =	ssyncset.done $0x0  }
0x1e4: {  	s21 =	simm.s32 $0x7;
	[sflag:s20] =	ssyncadd.s32 $0xFFFFF000  }
0x1e5: {  	_ =	swait.ge [sflag:s21], $0x1000  }
0x1e6: {  	[sflag:s21] =	ssyncset.done $0x0  }
0x1e7: {  	s22 =	simm.s32 $0xF;
	[sflag:s21] =	ssyncadd.s32 $0xFFFFF000  }
0x1e8: {  	_ =	swait.ge [sflag:s22], $0x1000  }
0x1e9: {  	[sflag:s22] =	ssyncset.done $0x0  }
0x1ea: {  	s23 =	simm.s32 $0x8;
	[sflag:s22] =	ssyncadd.s32 $0xFFFFF000  }
0x1eb: {  	_ =	swait.ge [sflag:s23], $0x1000  }
0x1ec: {  	[sflag:s23] =	ssyncset.done $0x0  }
0x1ed: {  	s24 =	simm.s32 $0x10;
	[sflag:s23] =	ssyncadd.s32 $0xFFFFF000  }
0x1ee: {  	_ =	swait.ge [sflag:s24], $0x1000  }
0x1ef: {  	s26 =	simm.s32 $0x400;
	[sflag:s24] =	ssyncset.done $0x0  }
0x1f0: {  	s5 =	simm.s32 $0x11;
	s25 =	rddreg [dreg:$0x1a];
	[sflag:s24] =	ssyncadd.s32 $0xFFFFF000  }
0x1f1: {  	[hbm4b:s25+s1] =	stream.linear.scatter [tilespmem:s26], [sflag:$0x11], $0x8000, $0x38;
	[tilespmem:$0x10400] =	vst v63  }
0x1f2: {  	_ =	swait.ge [sflag:s5], $0x8000  }
0x1f3: {  	[sflag:s5] =	ssyncset.done $0x0  }
0x1f4: {  	s29 =	simm.s32 $0x8400;
	s28 =	rddreg [dreg:$0x1b];
	[sflag:s5] =	ssyncadd.s32 $0xFFFF8000  }
0x1f5: {  	[hbm4b:s28+s1] =	stream.linear.scatter [tilespmem:s29], [sflag:$0x11], $0x8000, $0x38;
	[tilespmem:$0x10400] =	vst v63  }
0x1f6: {  	_ =	swait.ge [sflag:s5], $0x8000  }
0x1f7: {  	s30 =	rddreg [dreg:$0x1d]  }
0x1f8: {  	s31 =	rddreg [dreg:$0x1c];
	s2 =	sadd.s32 $0x1, s30  }
0x1f9: {  	p0 =	sne.s32 s2, s31  }
.Ltmp2:
0x1fa: {  	_ = 	snop;
	(pc) =	sbr.rel @p0 .LBB2_1-.Ltmp2, $3  }
0x1fb: {  	_ =	sdelay $0x1  }
0x1fc: {  	[sflag:s5] =	ssyncset.done $0x0  }
0x1fd: {  	[sflag:s5] =	ssyncadd.s32 $0xFFFF8000  }
0x1fe: {  	_ =	sfence.sel $0x180000  }
0x1ff: {  	[bflag:$0x0] =	sbarrier.arrive $0xFFFF  }
0x200: {  	_ =	strace $0x90000047  }
0x201: {  	s0 =	stileid.u32;
	[bflag:$0x2] =	sbarrier.arrive $0xFFFF  }
0x202: {  	p0 =	sne.s32 s0, $0x0;
	s0 =	rddreg [dreg:$0x3]  }
0x203: {  	s0 =	sadd.s32 @!p0 $0x100000, s0  }
0x204: {  	[sflag:s0] =	ssyncadd.tile.s32 @!p0 $0x1;
	_ =	shalt  }
.Lfunc_end2:
_tile_overlayer_lowered:
.L_overlay_start_2:
0x205: {  	(tag) =	ssettag $0x2  }
0x206: {  	s0 =	rddreg [dreg:$0x0];
	s2 =	stileid.u32  }
0x207: {  	s1 =	rddreg [dreg:$0x1];
	p0 =	sne.s32 s2, $0x0  }
0x208: {  	s3 =	rddreg [dreg:$0x2];
	[bflag:$0x3] =	sbarrier.arrive $0xFFFF;
	s2 =	simm.s32 @!p0 $0x1C11  }
0x209: {  	[timem:s3], [sflag:s2] =	dma.local @!p0 [hbm:s0], s1  }
0x20a: {  	s0 =	simm.s32 @!p0 $0x11  }
0x20b: {  	_ =	swait.ge @!p0 [sflag:s0], s1  }
0x20c: {  	s1 =	ssub.s32 @!p0 $0x0, s1;
	[sflag:s0] =	ssyncset.done @!p0 $0x0  }
0x20d: {  	[sflag:s0] =	ssyncadd.s32 @!p0 s1  }
0x20e: {  	[bflag:$0x3] =	sbarrier.arrive $0xFFFF  }
0x20f: {  	_ =	shalt  }

</sc_bundles>
